<compile_context>
chip_gen: v7x
topology: tpu7x:2x2x1
jax: 0.10.2.dev20260603
libtpu: 0.0.44.dev20260713+nightly
codegen_flags: <defaults>
</compile_context>

<pallas_src>
import functools

import jax
import jax.numpy as jnp
from jax import lax
from jax.experimental import pallas as pl
from jax.experimental.pallas import tpu as pltpu
from jax.experimental.pallas import tpu_sc as plsc

NC, NS, L = 2, 16, 16
NW = NC * NS

N, E, D, H, G = 10000, 160000, 256, 256, 64
HD = D // 2

EPW = E // NW
EPW_P = 5008
EPS = E // NS
BSZ = 128
NB = 80
NBH = NB // 2
EPS_P = NB * BSZ
PADE = EPS_P - EPS
NP_P = 10112
RPS = NP_P // NS
NPOOL = 10240
BPW = NPOOL // NW
GP = 80

_mesh = plsc.VectorSubcoreMesh(core_axis_name="c", subcore_axis_name="s",
                               num_cores=NC, num_subcores=NS)
_sc_params = pltpu.CompilerParams(needs_layout_passes=False)


def _zero_vmem(ref, n):
    def body(i, _):
        ref[pl.ds(i * L, L)] = jnp.zeros((L,), jnp.float32)
        return 0
    lax.fori_loop(0, n // L, body, 0)


@functools.partial(
    pl.kernel,
    out_type=[jax.ShapeDtypeStruct((NW * NP_P,), jnp.float32),
              jax.ShapeDtypeStruct((NW * GP,), jnp.float32)],
    mesh=_mesh,
    compiler_params=_sc_params,
    scratch_types=[pltpu.VMEM((EPW_P,), jnp.int32),
                   pltpu.VMEM((BPW,), jnp.int32),
                   pltpu.VMEM((NP_P,), jnp.float32),
                   pltpu.VMEM((GP,), jnp.float32)],
)
def _sc_pre(dst_hbm, bat_hbm, deg_out, cnt_out, dstv, batv, dacc, cacc):
    c = lax.axis_index("c")
    s = lax.axis_index("s")
    wid = s * NC + c
    pltpu.sync_copy(dst_hbm.at[pl.ds(wid * EPW_P, EPW_P)], dstv)
    pltpu.sync_copy(bat_hbm.at[pl.ds(wid * BPW, BPW)], batv)
    _zero_vmem(dacc, NP_P)
    _zero_vmem(cacc, GP)
    ones = jnp.ones((L,), jnp.float32)

    def deg_body(i, _):
        d = dstv[pl.ds(i * L, L)]
        idx = jnp.where(d >= 0, d, N)
        plsc.addupdate_scatter(dacc, [idx], ones)
        return 0
    lax.fori_loop(0, EPW_P // L, deg_body, 0)

    def cnt_body(i, _):
        b = batv[pl.ds(i * L, L)]
        plsc.addupdate_scatter(cacc, [b], ones)
        return 0
    lax.fori_loop(0, BPW // L, cnt_body, 0)

    pltpu.sync_copy(dacc, deg_out.at[pl.ds(wid * NP_P, NP_P)])
    pltpu.sync_copy(cacc, cnt_out.at[pl.ds(wid * GP, GP)])


@functools.partial(
    pl.kernel,
    out_type=jax.ShapeDtypeStruct((NC, NP_P, HD), jnp.float32),
    mesh=_mesh,
    compiler_params=_sc_params,
    scratch_types=[pltpu.VMEM((NBH, BSZ), jnp.int32),
                   pltpu.VMEM((NBH, BSZ), jnp.int32),
                   pltpu.VMEM((BSZ, HD), jnp.float32),
                   pltpu.VMEM((BSZ, HD), jnp.float32),
                   pltpu.VMEM_SHARED((NP_P, HD), jnp.float32),
                   pltpu.SemaphoreType.DMA,
                   pltpu.SemaphoreType.DMA],
)
def _sc_agg(glo_hbm, ghi_hbm, src_hbm, dst_hbm, zeros_hbm, out_hbm,
            srcv, dstv, rbuf0, rbuf1, acc, sem0, sem1):
    c = lax.axis_index("c")
    s = lax.axis_index("s")
    pltpu.sync_copy(zeros_hbm.at[pl.ds(0, RPS)], acc.at[pl.ds(s * RPS, RPS)])
    plsc.subcore_barrier()

    def run(gref):
        def phase(p):
            pltpu.sync_copy(src_hbm.at[s, pl.ds(p * NBH, NBH)], srcv)
            pltpu.sync_copy(dst_hbm.at[s, pl.ds(p * NBH, NBH)], dstv)
            pltpu.async_copy(gref.at[srcv.at[0]], rbuf0, sem0)
            pltpu.async_copy(gref.at[srcv.at[1]], rbuf1, sem1)

            def step(b, rbuf, sem, refill):
                pltpu.make_async_copy(gref.at[srcv.at[b]], rbuf, sem).wait()
                pltpu.sync_copy(rbuf, acc.at[dstv.at[b]], add=True)
                if refill:
                    pltpu.async_copy(gref.at[srcv.at[b + 2]], rbuf, sem)

            def body(g, _):
                step(2 * g, rbuf0, sem0, True)
                step(2 * g + 1, rbuf1, sem1, True)
                return 0
            lax.fori_loop(0, (NBH - 2) // 2, body, 0)
            step(NBH - 2, rbuf0, sem0, False)
            step(NBH - 1, rbuf1, sem1, False)

        phase(0)
        phase(1)

    @pl.when(c == 0)
    def _():
        run(glo_hbm)

    @pl.when(c == 1)
    def _():
        run(ghi_hbm)

    plsc.subcore_barrier()
    pltpu.sync_copy(acc.at[pl.ds(s * RPS, RPS)],
                    out_hbm.at[c, pl.ds(s * RPS, RPS)])


R = 1000


def _tc_a_body(degp, x, w1, glo, ghi, dinv):
    deg = 1.0 + jnp.sum(degp[...], axis=1)
    di = lax.rsqrt(deg)[:, None]
    z = jnp.dot(x[...], w1[...], preferred_element_type=jnp.float32)
    g = z * di
    glo[...] = g[:, :HD]
    ghi[...] = g[:, HD:]
    dinv[...] = di


def _tc_a(deg_t, x, w1):
    return pl.pallas_call(
        _tc_a_body,
        grid=(N // R,),
        in_specs=[pl.BlockSpec((R, NW), lambda i: (i, 0)),
                  pl.BlockSpec((R, D), lambda i: (i, 0)),
                  pl.BlockSpec((D, H), lambda i: (0, 0))],
        out_specs=[pl.BlockSpec((R, HD), lambda i: (i, 0)),
                   pl.BlockSpec((R, HD), lambda i: (i, 0)),
                   pl.BlockSpec((R, 1), lambda i: (i, 0))],
        out_shape=[jax.ShapeDtypeStruct((N, HD), jnp.float32),
                   jax.ShapeDtypeStruct((N, HD), jnp.float32),
                   jax.ShapeDtypeStruct((N, 1), jnp.float32)],
    )(deg_t, x, w1)


def _tc_b_body(alo, ahi, glo, ghi, dinv, b1, w2, g2lo, g2hi):
    agg = jnp.concatenate([alo[0], ahi[0]], axis=1)
    g = jnp.concatenate([glo[...], ghi[...]], axis=1)
    h1 = jax.nn.relu(dinv[...] * (agg + g) + b1[...])
    z2 = jnp.dot(h1, w2[...], preferred_element_type=jnp.float32)
    g2 = z2 * dinv[...]
    g2lo[...] = g2[:, :HD]
    g2hi[...] = g2[:, HD:]


def _tc_b(a1, glo, ghi, dinv, b1, w2):
    return pl.pallas_call(
        _tc_b_body,
        grid=(N // R,),
        in_specs=[pl.BlockSpec((1, R, HD), lambda i: (0, i, 0)),
                  pl.BlockSpec((1, R, HD), lambda i: (1, i, 0)),
                  pl.BlockSpec((R, HD), lambda i: (i, 0)),
                  pl.BlockSpec((R, HD), lambda i: (i, 0)),
                  pl.BlockSpec((R, 1), lambda i: (i, 0)),
                  pl.BlockSpec((1, H), lambda i: (0, 0)),
                  pl.BlockSpec((H, H), lambda i: (0, 0))],
        out_specs=[pl.BlockSpec((R, HD), lambda i: (i, 0)),
                   pl.BlockSpec((R, HD), lambda i: (i, 0))],
        out_shape=[jax.ShapeDtypeStruct((N, HD), jnp.float32),
                   jax.ShapeDtypeStruct((N, HD), jnp.float32)],
    )(a1, a1, glo, ghi, dinv, b1, w2)


def _tc_cd_body(alo, ahi, glo, ghi, dinv, bat, b2, cntp, wf1, bf1, wf2, bf2,
                out, pacc):
    i = pl.program_id(0)
    agg = jnp.concatenate([alo[0], ahi[0]], axis=1)
    g = jnp.concatenate([glo[...], ghi[...]], axis=1)
    conv = dinv[...] * (agg + g) + b2[...]
    gid = lax.broadcasted_iota(jnp.int32, (1, G), 1)
    p = (bat[...] == gid).astype(jnp.float32)
    part = lax.dot_general(p, conv, (((0,), (0,)), ((), ())),
                           precision=lax.Precision.HIGHEST,
                           preferred_element_type=jnp.float32)

    @pl.when(i == 0)
    def _():
        pacc[...] = part

    @pl.when(i > 0)
    def _():
        pacc[...] = pacc[...] + part

    @pl.when(i == N // R - 1)
    def _():
        cnt = jnp.sum(cntp[...], axis=1)
        pooled = pacc[...] / jnp.maximum(cnt, 1.0)[:, None]
        s1 = jax.nn.relu(
            jnp.dot(pooled, wf1[...], preferred_element_type=jnp.float32)
            + bf1[...])
        out[...] = jnp.dot(s1, wf2[...],
                           preferred_element_type=jnp.float32) + bf2[...]


def _tc_cd(a2, g2lo, g2hi, dinv, bat_row, b2, cnt_t, wf1, bf1, wf2, bf2):
    return pl.pallas_call(
        _tc_cd_body,
        grid=(N // R,),
        in_specs=[pl.BlockSpec((1, R, HD), lambda i: (0, i, 0)),
                  pl.BlockSpec((1, R, HD), lambda i: (1, i, 0)),
                  pl.BlockSpec((R, HD), lambda i: (i, 0)),
                  pl.BlockSpec((R, HD), lambda i: (i, 0)),
                  pl.BlockSpec((R, 1), lambda i: (i, 0)),
                  pl.BlockSpec((R, 1), lambda i: (i, 0)),
                  pl.BlockSpec((1, H), lambda i: (0, 0)),
                  pl.BlockSpec((G, NW), lambda i: (0, 0)),
                  pl.BlockSpec((H, 128), lambda i: (0, 0)),
                  pl.BlockSpec((1, 128), lambda i: (0, 0)),
                  pl.BlockSpec((128, 1), lambda i: (0, 0)),
                  pl.BlockSpec((1, 1), lambda i: (0, 0))],
        out_specs=pl.BlockSpec((G, 1), lambda i: (0, 0)),
        out_shape=jax.ShapeDtypeStruct((G, 1), jnp.float32),
        scratch_shapes=[pltpu.VMEM((G, H), jnp.float32)],
    )(a2, a2, g2lo, g2hi, dinv, bat_row, b2, cnt_t, wf1, bf1, wf2, bf2)


@jax.jit
def kernel(x, edge_index, batch, W1, b1, W2, b2, Wf1, bf1, Wf2, bf2):
    src, dst = edge_index[0], edge_index[1]

    spread = jnp.arange(PADE, dtype=jnp.int32) % 16
    pad_blk = jnp.broadcast_to(spread, (NS, PADE))
    src_s = jnp.concatenate([src.reshape(NS, EPS), pad_blk],
                            axis=1).reshape(NS, NB, BSZ)
    dst_s = jnp.concatenate([dst.reshape(NS, EPS), N + pad_blk],
                            axis=1).reshape(NS, NB, BSZ)
    dst_deg = jnp.pad(dst.reshape(NW, EPW), ((0, 0), (0, EPW_P - EPW)),
                      constant_values=-1).reshape(-1)
    pad_bat = G + (jnp.arange(NPOOL - N, dtype=jnp.int32) % 16)
    bat_all = jnp.concatenate([batch, pad_bat])
    zeros = jnp.zeros((RPS, HD), jnp.float32)

    deg_p, cnt_p = _sc_pre(dst_deg, bat_all)
    deg_t = deg_p.reshape(NW, NP_P)[:, :N].T
    cnt_t = cnt_p.reshape(NW, GP)[:, :G].T

    g1lo, g1hi, dinv = _tc_a(deg_t, x, W1)
    a1 = _sc_agg(g1lo, g1hi, src_s, dst_s, zeros)
    g2lo, g2hi = _tc_b(a1, g1lo, g1hi, dinv, b1.reshape(1, H), W2)
    a2 = _sc_agg(g2lo, g2hi, src_s, dst_s, zeros)
    out = _tc_cd(a2, g2lo, g2hi, dinv, batch.reshape(N, 1), b2.reshape(1, H),
                 cnt_t, Wf1, bf1.reshape(1, 128), Wf2, bf2.reshape(1, 1))
    return out

# --- scband reference (transcript-rebuilt; emitter-appended) ---
"""Pipeline reference for scband-gnnmodel-89979564851969 (READ-ONLY COPY).

The authoritative reference and input builder live on the scoring server;
editing this copy changes nothing except your own understanding.
"""

import jax, jax.numpy as jnp
import numpy as np

N = 10000
E = 160000
D = 256
H = 256
G = 64


def setup_inputs(seed: int = 0) -> dict:
    key = jax.random.key(seed)
    ks = jax.random.split(key, 12)
    x = jax.random.normal(ks[0], (N, D), dtype=jnp.float32)
    edge_index = jax.random.randint(ks[1], (2, E), 0, N, dtype=jnp.int32)
    batch = jnp.sort(jax.random.randint(ks[2], (N,), 0, G, dtype=jnp.int32))
    W1 = jax.random.normal(ks[3], (D, H), dtype=jnp.float32) * (1.0 / np.sqrt(D))
    b1 = jnp.zeros((H,), dtype=jnp.float32)
    W2 = jax.random.normal(ks[4], (H, H), dtype=jnp.float32) * (1.0 / np.sqrt(H))
    b2 = jnp.zeros((H,), dtype=jnp.float32)
    Wf1 = jax.random.normal(ks[5], (H, 128), dtype=jnp.float32) * (1.0 / np.sqrt(H))
    bf1 = jnp.zeros((128,), dtype=jnp.float32)
    Wf2 = jax.random.normal(ks[6], (128, 1), dtype=jnp.float32) * (1.0 / np.sqrt(128))
    bf2 = jnp.zeros((1,), dtype=jnp.float32)
    return {"x": x, "edge_index": edge_index, "batch": batch,
            "W1": W1, "b1": b1, "W2": W2, "b2": b2,
            "Wf1": Wf1, "bf1": bf1, "Wf2": Wf2, "bf2": bf2}


def _gcn_conv(x, edge_index, W, b):
    n = x.shape[0]
    loop = jnp.arange(n, dtype=edge_index.dtype)
    src = jnp.concatenate([edge_index[0], loop])
    dst = jnp.concatenate([edge_index[1], loop])
    deg = jax.ops.segment_sum(jnp.ones_like(src, dtype=x.dtype), dst, num_segments=n)
    dinv = jnp.where(deg > 0, 1.0 / jnp.sqrt(deg), 0.0)
    norm = dinv[src] * dinv[dst]
    h = x @ W
    out = jax.ops.segment_sum(h[src] * norm[:, None], dst, num_segments=n)
    return out + b


def reference(x, edge_index, batch, W1, b1, W2, b2, Wf1, bf1, Wf2, bf2):
    h = jax.nn.relu(_gcn_conv(x, edge_index, W1, b1))
    h = _gcn_conv(h, edge_index, W2, b2)
    counts = jax.ops.segment_sum(jnp.ones((N,), dtype=h.dtype), batch, num_segments=G)
    pooled = jax.ops.segment_sum(h, batch, num_segments=G) / jnp.maximum(counts, 1.0)[:, None]
    h = jax.nn.relu(pooled @ Wf1 + bf1)
    out = h @ Wf2 + bf2
    return out

if __name__ == "__main__":
    import jax
    _d = setup_inputs()
    print(jax.jit(kernel)(*tuple(_d.values())))

</pallas_src>

<mosaic_0001>
#map = affine_map<(d0, d1) -> (0, 0)>
#map1 = affine_map<(d0, d1) -> (0, 0, 0)>
module attributes {stable_mosaic.version = 14 : i64} {
  func.func @_sc_agg(%arg0: i32, %arg1: i32, %arg2: memref<10000x128xf32, #tpu.memory_space<hbm>>, %arg3: memref<10000x128xf32, #tpu.memory_space<hbm>>, %arg4: memref<16x80x128xi32, #tpu.memory_space<hbm>>, %arg5: memref<16x80x128xi32, #tpu.memory_space<hbm>>, %arg6: memref<632x128xf32, #tpu.memory_space<hbm>>, %arg7: memref<2x10112x128xf32, #tpu.memory_space<hbm>>, %arg8: memref<40x128xi32, #tpu.memory_space<vmem>>, %arg9: memref<40x128xi32, #tpu.memory_space<vmem>>, %arg10: memref<128x128xf32, #tpu.memory_space<vmem>>, %arg11: memref<128x128xf32, #tpu.memory_space<vmem>>, %arg12: memref<10112x128xf32, #tpu.memory_space<vmem_shared>>, %arg13: memref<!tpu.dma_semaphore, #tpu.memory_space<semaphore_mem>>, %arg14: memref<!tpu.dma_semaphore, #tpu.memory_space<semaphore_mem>>) attributes {dimension_semantics = [#tpu.dimension_semantics<core_parallel>, #tpu.dimension_semantics<subcore_parallel>], iteration_bounds = array<i64: 2, 16>, scalar_prefetch = 0 : i64, scratch_operands = 7 : i64, tpu.core_type = #tpu.core_type<sc_vector_subcore>, window_params = [{transform_indices = #map}, {transform_indices = #map}, {transform_indices = #map1}, {transform_indices = #map1}, {transform_indices = #map}, {transform_indices = #map1}]} {
    %mul3A = arith.constant 632 : i32
    %mul3A_0 = arith.muli %arg1, %mul3A : i32
    "tpu.region"() ({
      %run_scoped3A = tpu.sem_alloc : memref<!tpu.dma_semaphore, #tpu.memory_space<semaphore_mem>>
      %dma_start3A = arith.constant 0 : i32
      %dma_start3A_13 = tpu.memref_slice %arg12[%mul3A_0, %dma_start3A] : memref<10112x128xf32, #tpu.memory_space<vmem_shared>> -> memref<632x128xf32, #tpu.memory_space<vmem_shared>>
      %dma_start3A_14 = arith.constant 0 : i32
      %dma_start3A_15 = arith.constant 0 : i32
      %dma_start3A_16 = tpu.memref_slice %arg6[%dma_start3A_14, %dma_start3A_15] : memref<632x128xf32, #tpu.memory_space<hbm>> -> memref<632x128xf32, #tpu.memory_space<hbm>>
      tpu.enqueue_dma source(%dma_start3A_16 : memref<632x128xf32, #tpu.memory_space<hbm>>) target(%dma_start3A_13 : memref<632x128xf32, #tpu.memory_space<vmem_shared>>) target_semaphore(%run_scoped3A : memref<!tpu.dma_semaphore, #tpu.memory_space<semaphore_mem>>)
      %dma_wait3A = arith.constant 0 : i32
      %dma_wait3A_17 = tpu.memref_slice %arg12[%mul3A_0, %dma_wait3A] : memref<10112x128xf32, #tpu.memory_space<vmem_shared>> -> memref<632x128xf32, #tpu.memory_space<vmem_shared>>
      %dma_wait3A_18 = arith.constant 0 : i32
      %dma_wait3A_19 = arith.constant 0 : i32
      %dma_wait3A_20 = tpu.memref_slice %arg6[%dma_wait3A_18, %dma_wait3A_19] : memref<632x128xf32, #tpu.memory_space<hbm>> -> memref<632x128xf32, #tpu.memory_space<hbm>>
      tpu.wait_dma2 semaphore(%run_scoped3A : memref<!tpu.dma_semaphore, #tpu.memory_space<semaphore_mem>>) src(%dma_wait3A_20 : memref<632x128xf32, #tpu.memory_space<hbm>>) dst(%dma_wait3A_17 : memref<632x128xf32, #tpu.memory_space<vmem_shared>>)
      tpu.yield
    }) : () -> ()
    %barrier3A = arith.constant 0 : index
    tpu.barrier barrier_id(%barrier3A)
    %eq3A = arith.constant 0 : i32
    %eq3A_1 = arith.cmpi eq, %arg0, %eq3A : i32
    %convert_element_type3A = arith.extui %eq3A_1 : i1 to i32
    %cond3A = arith.constant 0 : i32
    %cond3A_2 = arith.cmpi ne, %convert_element_type3A, %cond3A : i32
    scf.if %cond3A_2 {
      "tpu.region"() ({
        %run_scoped3A_83 = tpu.sem_alloc : memref<!tpu.dma_semaphore, #tpu.memory_space<semaphore_mem>>
        %dma_start3A_84 = arith.constant 0 : i32
        %dma_start3A_85 = arith.constant 0 : i32
        %dma_start3A_86 = tpu.memref_slice %arg4[%arg1, %dma_start3A_84, %dma_start3A_85] : memref<16x80x128xi32, #tpu.memory_space<hbm>> -> memref<1x40x128xi32, #tpu.memory_space<hbm>>
        %dma_start3A_87 = tpu.memref_squeeze %dma_start3A_86 : memref<1x40x128xi32, #tpu.memory_space<hbm>> -> memref<40x128xi32, #tpu.memory_space<hbm>>
        %dma_start3A_88 = arith.constant 0 : i32
        %dma_start3A_89 = arith.constant 0 : i32
        %dma_start3A_90 = tpu.memref_slice %arg4[%arg1, %dma_start3A_88, %dma_start3A_89] : memref<16x80x128xi32, #tpu.memory_space<hbm>> -> memref<1x40x128xi32, #tpu.memory_space<hbm>>
        %dma_start3A_91 = tpu.memref_squeeze %dma_start3A_90 : memref<1x40x128xi32, #tpu.memory_space<hbm>> -> memref<40x128xi32, #tpu.memory_space<hbm>>
        tpu.enqueue_dma source(%dma_start3A_91 : memref<40x128xi32, #tpu.memory_space<hbm>>) target(%arg8 : memref<40x128xi32, #tpu.memory_space<vmem>>) target_semaphore(%run_scoped3A_83 : memref<!tpu.dma_semaphore, #tpu.memory_space<semaphore_mem>>)
        %dma_wait3A_92 = arith.constant 0 : i32
        %dma_wait3A_93 = arith.constant 0 : i32
        %dma_wait3A_94 = tpu.memref_slice %arg4[%arg1, %dma_wait3A_92, %dma_wait3A_93] : memref<16x80x128xi32, #tpu.memory_space<hbm>> -> memref<1x40x128xi32, #tpu.memory_space<hbm>>
        %dma_wait3A_95 = tpu.memref_squeeze %dma_wait3A_94 : memref<1x40x128xi32, #tpu.memory_space<hbm>> -> memref<40x128xi32, #tpu.memory_space<hbm>>
        %dma_wait3A_96 = arith.constant 0 : i32
        %dma_wait3A_97 = arith.constant 0 : i32
        %dma_wait3A_98 = tpu.memref_slice %arg4[%arg1, %dma_wait3A_96, %dma_wait3A_97] : memref<16x80x128xi32, #tpu.memory_space<hbm>> -> memref<1x40x128xi32, #tpu.memory_space<hbm>>
        %dma_wait3A_99 = tpu.memref_squeeze %dma_wait3A_98 : memref<1x40x128xi32, #tpu.memory_space<hbm>> -> memref<40x128xi32, #tpu.memory_space<hbm>>
        tpu.wait_dma2 semaphore(%run_scoped3A_83 : memref<!tpu.dma_semaphore, #tpu.memory_space<semaphore_mem>>) src(%dma_wait3A_99 : memref<40x128xi32, #tpu.memory_space<hbm>>) dst(%arg8 : memref<40x128xi32, #tpu.memory_space<vmem>>)
        tpu.yield
      }) : () -> ()
      "tpu.region"() ({
        %run_scoped3A_83 = tpu.sem_alloc : memref<!tpu.dma_semaphore, #tpu.memory_space<semaphore_mem>>
        %dma_start3A_84 = arith.constant 0 : i32
        %dma_start3A_85 = arith.constant 0 : i32
        %dma_start3A_86 = tpu.memref_slice %arg5[%arg1, %dma_start3A_84, %dma_start3A_85] : memref<16x80x128xi32, #tpu.memory_space<hbm>> -> memref<1x40x128xi32, #tpu.memory_space<hbm>>
        %dma_start3A_87 = tpu.memref_squeeze %dma_start3A_86 : memref<1x40x128xi32, #tpu.memory_space<hbm>> -> memref<40x128xi32, #tpu.memory_space<hbm>>
        %dma_start3A_88 = arith.constant 0 : i32
        %dma_start3A_89 = arith.constant 0 : i32
        %dma_start3A_90 = tpu.memref_slice %arg5[%arg1, %dma_start3A_88, %dma_start3A_89] : memref<16x80x128xi32, #tpu.memory_space<hbm>> -> memref<1x40x128xi32, #tpu.memory_space<hbm>>
        %dma_start3A_91 = tpu.memref_squeeze %dma_start3A_90 : memref<1x40x128xi32, #tpu.memory_space<hbm>> -> memref<40x128xi32, #tpu.memory_space<hbm>>
        tpu.enqueue_dma source(%dma_start3A_91 : memref<40x128xi32, #tpu.memory_space<hbm>>) target(%arg9 : memref<40x128xi32, #tpu.memory_space<vmem>>) target_semaphore(%run_scoped3A_83 : memref<!tpu.dma_semaphore, #tpu.memory_space<semaphore_mem>>)
        %dma_wait3A_92 = arith.constant 0 : i32
        %dma_wait3A_93 = arith.constant 0 : i32
        %dma_wait3A_94 = tpu.memref_slice %arg5[%arg1, %dma_wait3A_92, %dma_wait3A_93] : memref<16x80x128xi32, #tpu.memory_space<hbm>> -> memref<1x40x128xi32, #tpu.memory_space<hbm>>
        %dma_wait3A_95 = tpu.memref_squeeze %dma_wait3A_94 : memref<1x40x128xi32, #tpu.memory_space<hbm>> -> memref<40x128xi32, #tpu.memory_space<hbm>>
        %dma_wait3A_96 = arith.constant 0 : i32
        %dma_wait3A_97 = arith.constant 0 : i32
        %dma_wait3A_98 = tpu.memref_slice %arg5[%arg1, %dma_wait3A_96, %dma_wait3A_97] : memref<16x80x128xi32, #tpu.memory_space<hbm>> -> memref<1x40x128xi32, #tpu.memory_space<hbm>>
        %dma_wait3A_99 = tpu.memref_squeeze %dma_wait3A_98 : memref<1x40x128xi32, #tpu.memory_space<hbm>> -> memref<40x128xi32, #tpu.memory_space<hbm>>
        tpu.wait_dma2 semaphore(%run_scoped3A_83 : memref<!tpu.dma_semaphore, #tpu.memory_space<semaphore_mem>>) src(%dma_wait3A_99 : memref<40x128xi32, #tpu.memory_space<hbm>>) dst(%arg9 : memref<40x128xi32, #tpu.memory_space<vmem>>)
        tpu.yield
      }) : () -> ()
      %dma_start3A = arith.constant 0 : i32
      %dma_start3A_13 = arith.constant 0 : i32
      %dma_start3A_14 = tpu.memref_slice %arg8[%dma_start3A, %dma_start3A_13] : memref<40x128xi32, #tpu.memory_space<vmem>> -> memref<1x128xi32, #tpu.memory_space<vmem>>
      %dma_start3A_15 = tpu.memref_squeeze %dma_start3A_14 : memref<1x128xi32, #tpu.memory_space<vmem>> -> memref<128xi32, #tpu.memory_space<vmem>>
      %dma_start3A_16 = arith.constant 0 : i32
      %dma_start3A_17 = arith.constant 0 : i32
      %dma_start3A_18 = tpu.memref_slice %arg2[%dma_start3A_16, %dma_start3A_17] : memref<10000x128xf32, #tpu.memory_space<hbm>> -> memref<10000x128xf32, #tpu.memory_space<hbm>>
      tpu.enqueue_indirect_dma source(%dma_start3A_18 : memref<10000x128xf32, #tpu.memory_space<hbm>>) target(%arg10 : memref<128x128xf32, #tpu.memory_space<vmem>>) offsets(%dma_start3A_15 : memref<128xi32, #tpu.memory_space<vmem>>) semaphore(%arg13 : memref<!tpu.dma_semaphore, #tpu.memory_space<semaphore_mem>>)
      %dma_start3A_19 = arith.constant 1 : i32
      %dma_start3A_20 = arith.constant 0 : i32
      %dma_start3A_21 = tpu.memref_slice %arg8[%dma_start3A_19, %dma_start3A_20] : memref<40x128xi32, #tpu.memory_space<vmem>> -> memref<1x128xi32, #tpu.memory_space<vmem>>
      %dma_start3A_22 = tpu.memref_squeeze %dma_start3A_21 : memref<1x128xi32, #tpu.memory_space<vmem>> -> memref<128xi32, #tpu.memory_space<vmem>>
      %dma_start3A_23 = arith.constant 0 : i32
      %dma_start3A_24 = arith.constant 0 : i32
      %dma_start3A_25 = tpu.memref_slice %arg2[%dma_start3A_23, %dma_start3A_24] : memref<10000x128xf32, #tpu.memory_space<hbm>> -> memref<10000x128xf32, #tpu.memory_space<hbm>>
      tpu.enqueue_indirect_dma source(%dma_start3A_25 : memref<10000x128xf32, #tpu.memory_space<hbm>>) target(%arg11 : memref<128x128xf32, #tpu.memory_space<vmem>>) offsets(%dma_start3A_22 : memref<128xi32, #tpu.memory_space<vmem>>) semaphore(%arg14 : memref<!tpu.dma_semaphore, #tpu.memory_space<semaphore_mem>>)
      %scan3A = arith.constant 0 : i32
      %scan3A_26 = arith.constant 0 : i32
      %scan3A_27 = arith.constant 19 : i32
      %scan3A_28 = arith.addi %scan3A_26, %scan3A_27 : i32
      %scan3A_29 = arith.constant 1 : i32
      %scan3A_30 = scf.for %scan3A_83 = %scan3A_26 to %scan3A_28 step %scan3A_29 iter_args(%scan3A_84 = %scan3A) -> (i32)  : i32 {
        %mul3A_85 = arith.constant 2 : i32
        %mul3A_86 = arith.muli %mul3A_85, %scan3A_83 : i32
        %dma_wait3A_87 = arith.constant 0 : i32
        %dma_wait3A_88 = tpu.memref_slice %arg8[%mul3A_86, %dma_wait3A_87] : memref<40x128xi32, #tpu.memory_space<vmem>> -> memref<1x128xi32, #tpu.memory_space<vmem>>
        %dma_wait3A_89 = tpu.memref_squeeze %dma_wait3A_88 : memref<1x128xi32, #tpu.memory_space<vmem>> -> memref<128xi32, #tpu.memory_space<vmem>>
        %dma_wait3A_90 = arith.constant 0 : i32
        %dma_wait3A_91 = arith.constant 0 : i32
        %dma_wait3A_92 = tpu.memref_slice %arg2[%dma_wait3A_90, %dma_wait3A_91] : memref<10000x128xf32, #tpu.memory_space<hbm>> -> memref<10000x128xf32, #tpu.memory_space<hbm>>
        tpu.wait_indirect_dma semaphore(%arg13 : memref<!tpu.dma_semaphore, #tpu.memory_space<semaphore_mem>>) src(%dma_wait3A_92 : memref<10000x128xf32, #tpu.memory_space<hbm>>) dst(%arg10 : memref<128x128xf32, #tpu.memory_space<vmem>>)
        "tpu.region"() ({
          %run_scoped3A_119 = tpu.sem_alloc : memref<!tpu.dma_semaphore, #tpu.memory_space<semaphore_mem>>
          %dma_start3A_120 = arith.constant 0 : i32
          %dma_start3A_121 = tpu.memref_slice %arg9[%mul3A_86, %dma_start3A_120] : memref<40x128xi32, #tpu.memory_space<vmem>> -> memref<1x128xi32, #tpu.memory_space<vmem>>
          %dma_start3A_122 = tpu.memref_squeeze %dma_start3A_121 : memref<1x128xi32, #tpu.memory_space<vmem>> -> memref<128xi32, #tpu.memory_space<vmem>>
          %dma_start3A_123 = arith.constant 0 : i32
          %dma_start3A_124 = arith.constant 0 : i32
          %dma_start3A_125 = tpu.memref_slice %arg12[%dma_start3A_123, %dma_start3A_124] : memref<10112x128xf32, #tpu.memory_space<vmem_shared>> -> memref<10112x128xf32, #tpu.memory_space<vmem_shared>>
          tpu.enqueue_indirect_dma source(%arg10 : memref<128x128xf32, #tpu.memory_space<vmem>>) target(%dma_start3A_125 : memref<10112x128xf32, #tpu.memory_space<vmem_shared>>) offsets(%dma_start3A_122 : memref<128xi32, #tpu.memory_space<vmem>>) semaphore(%run_scoped3A_119 : memref<!tpu.dma_semaphore, #tpu.memory_space<semaphore_mem>>) {add = true}
          %dma_wait3A_126 = arith.constant 0 : i32
          %dma_wait3A_127 = tpu.memref_slice %arg9[%mul3A_86, %dma_wait3A_126] : memref<40x128xi32, #tpu.memory_space<vmem>> -> memref<1x128xi32, #tpu.memory_space<vmem>>
          %dma_wait3A_128 = tpu.memref_squeeze %dma_wait3A_127 : memref<1x128xi32, #tpu.memory_space<vmem>> -> memref<128xi32, #tpu.memory_space<vmem>>
          %dma_wait3A_129 = arith.constant 0 : i32
          %dma_wait3A_130 = arith.constant 0 : i32
          %dma_wait3A_131 = tpu.memref_slice %arg12[%dma_wait3A_129, %dma_wait3A_130] : memref<10112x128xf32, #tpu.memory_space<vmem_shared>> -> memref<10112x128xf32, #tpu.memory_space<vmem_shared>>
          tpu.wait_indirect_dma semaphore(%run_scoped3A_119 : memref<!tpu.dma_semaphore, #tpu.memory_space<semaphore_mem>>) src(%arg10 : memref<128x128xf32, #tpu.memory_space<vmem>>) dst(%dma_wait3A_131 : memref<10112x128xf32, #tpu.memory_space<vmem_shared>>)
          tpu.yield
        }) : () -> ()
        %add3A = arith.constant 2 : i32
        %add3A_93 = arith.addi %mul3A_86, %add3A : i32
        %dma_start3A_94 = arith.constant 0 : i32
        %dma_start3A_95 = tpu.memref_slice %arg8[%add3A_93, %dma_start3A_94] : memref<40x128xi32, #tpu.memory_space<vmem>> -> memref<1x128xi32, #tpu.memory_space<vmem>>
        %dma_start3A_96 = tpu.memref_squeeze %dma_start3A_95 : memref<1x128xi32, #tpu.memory_space<vmem>> -> memref<128xi32, #tpu.memory_space<vmem>>
        %dma_start3A_97 = arith.constant 0 : i32
        %dma_start3A_98 = arith.constant 0 : i32
        %dma_start3A_99 = tpu.memref_slice %arg2[%dma_start3A_97, %dma_start3A_98] : memref<10000x128xf32, #tpu.memory_space<hbm>> -> memref<10000x128xf32, #tpu.memory_space<hbm>>
        tpu.enqueue_indirect_dma source(%dma_start3A_99 : memref<10000x128xf32, #tpu.memory_space<hbm>>) target(%arg10 : memref<128x128xf32, #tpu.memory_space<vmem>>) offsets(%dma_start3A_96 : memref<128xi32, #tpu.memory_space<vmem>>) semaphore(%arg13 : memref<!tpu.dma_semaphore, #tpu.memory_space<semaphore_mem>>)
        %mul3A_100 = arith.constant 2 : i32
        %mul3A_101 = arith.muli %mul3A_100, %scan3A_83 : i32
        %add3A_102 = arith.constant 1 : i32
        %add3A_103 = arith.addi %mul3A_101, %add3A_102 : i32
        %dma_wait3A_104 = arith.constant 0 : i32
        %dma_wait3A_105 = tpu.memref_slice %arg8[%add3A_103, %dma_wait3A_104] : memref<40x128xi32, #tpu.memory_space<vmem>> -> memref<1x128xi32, #tpu.memory_space<vmem>>
        %dma_wait3A_106 = tpu.memref_squeeze %dma_wait3A_105 : memref<1x128xi32, #tpu.memory_space<vmem>> -> memref<128xi32, #tpu.memory_space<vmem>>
        %dma_wait3A_107 = arith.constant 0 : i32
        %dma_wait3A_108 = arith.constant 0 : i32
        %dma_wait3A_109 = tpu.memref_slice %arg2[%dma_wait3A_107, %dma_wait3A_108] : memref<10000x128xf32, #tpu.memory_space<hbm>> -> memref<10000x128xf32, #tpu.memory_space<hbm>>
        tpu.wait_indirect_dma semaphore(%arg14 : memref<!tpu.dma_semaphore, #tpu.memory_space<semaphore_mem>>) src(%dma_wait3A_109 : memref<10000x128xf32, #tpu.memory_space<hbm>>) dst(%arg11 : memref<128x128xf32, #tpu.memory_space<vmem>>)
        "tpu.region"() ({
          %run_scoped3A_119 = tpu.sem_alloc : memref<!tpu.dma_semaphore, #tpu.memory_space<semaphore_mem>>
          %dma_start3A_120 = arith.constant 0 : i32
          %dma_start3A_121 = tpu.memref_slice %arg9[%add3A_103, %dma_start3A_120] : memref<40x128xi32, #tpu.memory_space<vmem>> -> memref<1x128xi32, #tpu.memory_space<vmem>>
          %dma_start3A_122 = tpu.memref_squeeze %dma_start3A_121 : memref<1x128xi32, #tpu.memory_space<vmem>> -> memref<128xi32, #tpu.memory_space<vmem>>
          %dma_start3A_123 = arith.constant 0 : i32
          %dma_start3A_124 = arith.constant 0 : i32
          %dma_start3A_125 = tpu.memref_slice %arg12[%dma_start3A_123, %dma_start3A_124] : memref<10112x128xf32, #tpu.memory_space<vmem_shared>> -> memref<10112x128xf32, #tpu.memory_space<vmem_shared>>
          tpu.enqueue_indirect_dma source(%arg11 : memref<128x128xf32, #tpu.memory_space<vmem>>) target(%dma_start3A_125 : memref<10112x128xf32, #tpu.memory_space<vmem_shared>>) offsets(%dma_start3A_122 : memref<128xi32, #tpu.memory_space<vmem>>) semaphore(%run_scoped3A_119 : memref<!tpu.dma_semaphore, #tpu.memory_space<semaphore_mem>>) {add = true}
          %dma_wait3A_126 = arith.constant 0 : i32
          %dma_wait3A_127 = tpu.memref_slice %arg9[%add3A_103, %dma_wait3A_126] : memref<40x128xi32, #tpu.memory_space<vmem>> -> memref<1x128xi32, #tpu.memory_space<vmem>>
          %dma_wait3A_128 = tpu.memref_squeeze %dma_wait3A_127 : memref<1x128xi32, #tpu.memory_space<vmem>> -> memref<128xi32, #tpu.memory_space<vmem>>
          %dma_wait3A_129 = arith.constant 0 : i32
          %dma_wait3A_130 = arith.constant 0 : i32
          %dma_wait3A_131 = tpu.memref_slice %arg12[%dma_wait3A_129, %dma_wait3A_130] : memref<10112x128xf32, #tpu.memory_space<vmem_shared>> -> memref<10112x128xf32, #tpu.memory_space<vmem_shared>>
          tpu.wait_indirect_dma semaphore(%run_scoped3A_119 : memref<!tpu.dma_semaphore, #tpu.memory_space<semaphore_mem>>) src(%arg11 : memref<128x128xf32, #tpu.memory_space<vmem>>) dst(%dma_wait3A_131 : memref<10112x128xf32, #tpu.memory_space<vmem_shared>>)
          tpu.yield
        }) : () -> ()
        %add3A_110 = arith.constant 2 : i32
        %add3A_111 = arith.addi %add3A_103, %add3A_110 : i32
        %dma_start3A_112 = arith.constant 0 : i32
        %dma_start3A_113 = tpu.memref_slice %arg8[%add3A_111, %dma_start3A_112] : memref<40x128xi32, #tpu.memory_space<vmem>> -> memref<1x128xi32, #tpu.memory_space<vmem>>
        %dma_start3A_114 = tpu.memref_squeeze %dma_start3A_113 : memref<1x128xi32, #tpu.memory_space<vmem>> -> memref<128xi32, #tpu.memory_space<vmem>>
        %dma_start3A_115 = arith.constant 0 : i32
        %dma_start3A_116 = arith.constant 0 : i32
        %dma_start3A_117 = tpu.memref_slice %arg2[%dma_start3A_115, %dma_start3A_116] : memref<10000x128xf32, #tpu.memory_space<hbm>> -> memref<10000x128xf32, #tpu.memory_space<hbm>>
        tpu.enqueue_indirect_dma source(%dma_start3A_117 : memref<10000x128xf32, #tpu.memory_space<hbm>>) target(%arg11 : memref<128x128xf32, #tpu.memory_space<vmem>>) offsets(%dma_start3A_114 : memref<128xi32, #tpu.memory_space<vmem>>) semaphore(%arg14 : memref<!tpu.dma_semaphore, #tpu.memory_space<semaphore_mem>>)
        %scan3A_118 = arith.constant 0 : i32
        scf.yield %scan3A_118 : i32
      }
      %scan3A_31 = arith.constant 19 : i32
      %dma_wait3A = arith.constant 38 : i32
      %dma_wait3A_32 = arith.constant 0 : i32
      %dma_wait3A_33 = tpu.memref_slice %arg8[%dma_wait3A, %dma_wait3A_32] : memref<40x128xi32, #tpu.memory_space<vmem>> -> memref<1x128xi32, #tpu.memory_space<vmem>>
      %dma_wait3A_34 = tpu.memref_squeeze %dma_wait3A_33 : memref<1x128xi32, #tpu.memory_space<vmem>> -> memref<128xi32, #tpu.memory_space<vmem>>
      %dma_wait3A_35 = arith.constant 0 : i32
      %dma_wait3A_36 = arith.constant 0 : i32
      %dma_wait3A_37 = tpu.memref_slice %arg2[%dma_wait3A_35, %dma_wait3A_36] : memref<10000x128xf32, #tpu.memory_space<hbm>> -> memref<10000x128xf32, #tpu.memory_space<hbm>>
      tpu.wait_indirect_dma semaphore(%arg13 : memref<!tpu.dma_semaphore, #tpu.memory_space<semaphore_mem>>) src(%dma_wait3A_37 : memref<10000x128xf32, #tpu.memory_space<hbm>>) dst(%arg10 : memref<128x128xf32, #tpu.memory_space<vmem>>)
      %run_scoped3A = arith.constant 38 : i32
      "tpu.region"() ({
        %run_scoped3A_83 = tpu.sem_alloc : memref<!tpu.dma_semaphore, #tpu.memory_space<semaphore_mem>>
        %dma_start3A_84 = arith.constant 0 : i32
        %dma_start3A_85 = tpu.memref_slice %arg9[%run_scoped3A, %dma_start3A_84] : memref<40x128xi32, #tpu.memory_space<vmem>> -> memref<1x128xi32, #tpu.memory_space<vmem>>
        %dma_start3A_86 = tpu.memref_squeeze %dma_start3A_85 : memref<1x128xi32, #tpu.memory_space<vmem>> -> memref<128xi32, #tpu.memory_space<vmem>>
        %dma_start3A_87 = arith.constant 0 : i32
        %dma_start3A_88 = arith.constant 0 : i32
        %dma_start3A_89 = tpu.memref_slice %arg12[%dma_start3A_87, %dma_start3A_88] : memref<10112x128xf32, #tpu.memory_space<vmem_shared>> -> memref<10112x128xf32, #tpu.memory_space<vmem_shared>>
        tpu.enqueue_indirect_dma source(%arg10 : memref<128x128xf32, #tpu.memory_space<vmem>>) target(%dma_start3A_89 : memref<10112x128xf32, #tpu.memory_space<vmem_shared>>) offsets(%dma_start3A_86 : memref<128xi32, #tpu.memory_space<vmem>>) semaphore(%run_scoped3A_83 : memref<!tpu.dma_semaphore, #tpu.memory_space<semaphore_mem>>) {add = true}
        %dma_wait3A_90 = arith.constant 0 : i32
        %dma_wait3A_91 = tpu.memref_slice %arg9[%run_scoped3A, %dma_wait3A_90] : memref<40x128xi32, #tpu.memory_space<vmem>> -> memref<1x128xi32, #tpu.memory_space<vmem>>
        %dma_wait3A_92 = tpu.memref_squeeze %dma_wait3A_91 : memref<1x128xi32, #tpu.memory_space<vmem>> -> memref<128xi32, #tpu.memory_space<vmem>>
        %dma_wait3A_93 = arith.constant 0 : i32
        %dma_wait3A_94 = arith.constant 0 : i32
        %dma_wait3A_95 = tpu.memref_slice %arg12[%dma_wait3A_93, %dma_wait3A_94] : memref<10112x128xf32, #tpu.memory_space<vmem_shared>> -> memref<10112x128xf32, #tpu.memory_space<vmem_shared>>
        tpu.wait_indirect_dma semaphore(%run_scoped3A_83 : memref<!tpu.dma_semaphore, #tpu.memory_space<semaphore_mem>>) src(%arg10 : memref<128x128xf32, #tpu.memory_space<vmem>>) dst(%dma_wait3A_95 : memref<10112x128xf32, #tpu.memory_space<vmem_shared>>)
        tpu.yield
      }) : () -> ()
      %dma_wait3A_38 = arith.constant 39 : i32
      %dma_wait3A_39 = arith.constant 0 : i32
      %dma_wait3A_40 = tpu.memref_slice %arg8[%dma_wait3A_38, %dma_wait3A_39] : memref<40x128xi32, #tpu.memory_space<vmem>> -> memref<1x128xi32, #tpu.memory_space<vmem>>
      %dma_wait3A_41 = tpu.memref_squeeze %dma_wait3A_40 : memref<1x128xi32, #tpu.memory_space<vmem>> -> memref<128xi32, #tpu.memory_space<vmem>>
      %dma_wait3A_42 = arith.constant 0 : i32
      %dma_wait3A_43 = arith.constant 0 : i32
      %dma_wait3A_44 = tpu.memref_slice %arg2[%dma_wait3A_42, %dma_wait3A_43] : memref<10000x128xf32, #tpu.memory_space<hbm>> -> memref<10000x128xf32, #tpu.memory_space<hbm>>
      tpu.wait_indirect_dma semaphore(%arg14 : memref<!tpu.dma_semaphore, #tpu.memory_space<semaphore_mem>>) src(%dma_wait3A_44 : memref<10000x128xf32, #tpu.memory_space<hbm>>) dst(%arg11 : memref<128x128xf32, #tpu.memory_space<vmem>>)
      %run_scoped3A_45 = arith.constant 39 : i32
      "tpu.region"() ({
        %run_scoped3A_83 = tpu.sem_alloc : memref<!tpu.dma_semaphore, #tpu.memory_space<semaphore_mem>>
        %dma_start3A_84 = arith.constant 0 : i32
        %dma_start3A_85 = tpu.memref_slice %arg9[%run_scoped3A_45, %dma_start3A_84] : memref<40x128xi32, #tpu.memory_space<vmem>> -> memref<1x128xi32, #tpu.memory_space<vmem>>
        %dma_start3A_86 = tpu.memref_squeeze %dma_start3A_85 : memref<1x128xi32, #tpu.memory_space<vmem>> -> memref<128xi32, #tpu.memory_space<vmem>>
        %dma_start3A_87 = arith.constant 0 : i32
        %dma_start3A_88 = arith.constant 0 : i32
        %dma_start3A_89 = tpu.memref_slice %arg12[%dma_start3A_87, %dma_start3A_88] : memref<10112x128xf32, #tpu.memory_space<vmem_shared>> -> memref<10112x128xf32, #tpu.memory_space<vmem_shared>>
        tpu.enqueue_indirect_dma source(%arg11 : memref<128x128xf32, #tpu.memory_space<vmem>>) target(%dma_start3A_89 : memref<10112x128xf32, #tpu.memory_space<vmem_shared>>) offsets(%dma_start3A_86 : memref<128xi32, #tpu.memory_space<vmem>>) semaphore(%run_scoped3A_83 : memref<!tpu.dma_semaphore, #tpu.memory_space<semaphore_mem>>) {add = true}
        %dma_wait3A_90 = arith.constant 0 : i32
        %dma_wait3A_91 = tpu.memref_slice %arg9[%run_scoped3A_45, %dma_wait3A_90] : memref<40x128xi32, #tpu.memory_space<vmem>> -> memref<1x128xi32, #tpu.memory_space<vmem>>
        %dma_wait3A_92 = tpu.memref_squeeze %dma_wait3A_91 : memref<1x128xi32, #tpu.memory_space<vmem>> -> memref<128xi32, #tpu.memory_space<vmem>>
        %dma_wait3A_93 = arith.constant 0 : i32
        %dma_wait3A_94 = arith.constant 0 : i32
        %dma_wait3A_95 = tpu.memref_slice %arg12[%dma_wait3A_93, %dma_wait3A_94] : memref<10112x128xf32, #tpu.memory_space<vmem_shared>> -> memref<10112x128xf32, #tpu.memory_space<vmem_shared>>
        tpu.wait_indirect_dma semaphore(%run_scoped3A_83 : memref<!tpu.dma_semaphore, #tpu.memory_space<semaphore_mem>>) src(%arg11 : memref<128x128xf32, #tpu.memory_space<vmem>>) dst(%dma_wait3A_95 : memref<10112x128xf32, #tpu.memory_space<vmem_shared>>)
        tpu.yield
      }) : () -> ()
      "tpu.region"() ({
        %run_scoped3A_83 = tpu.sem_alloc : memref<!tpu.dma_semaphore, #tpu.memory_space<semaphore_mem>>
        %dma_start3A_84 = arith.constant 40 : i32
        %dma_start3A_85 = arith.constant 0 : i32
        %dma_start3A_86 = tpu.memref_slice %arg4[%arg1, %dma_start3A_84, %dma_start3A_85] : memref<16x80x128xi32, #tpu.memory_space<hbm>> -> memref<1x40x128xi32, #tpu.memory_space<hbm>>
        %dma_start3A_87 = tpu.memref_squeeze %dma_start3A_86 : memref<1x40x128xi32, #tpu.memory_space<hbm>> -> memref<40x128xi32, #tpu.memory_space<hbm>>
        %dma_start3A_88 = arith.constant 40 : i32
        %dma_start3A_89 = arith.constant 0 : i32
        %dma_start3A_90 = tpu.memref_slice %arg4[%arg1, %dma_start3A_88, %dma_start3A_89] : memref<16x80x128xi32, #tpu.memory_space<hbm>> -> memref<1x40x128xi32, #tpu.memory_space<hbm>>
        %dma_start3A_91 = tpu.memref_squeeze %dma_start3A_90 : memref<1x40x128xi32, #tpu.memory_space<hbm>> -> memref<40x128xi32, #tpu.memory_space<hbm>>
        tpu.enqueue_dma source(%dma_start3A_91 : memref<40x128xi32, #tpu.memory_space<hbm>>) target(%arg8 : memref<40x128xi32, #tpu.memory_space<vmem>>) target_semaphore(%run_scoped3A_83 : memref<!tpu.dma_semaphore, #tpu.memory_space<semaphore_mem>>)
        %dma_wait3A_92 = arith.constant 40 : i32
        %dma_wait3A_93 = arith.constant 0 : i32
        %dma_wait3A_94 = tpu.memref_slice %arg4[%arg1, %dma_wait3A_92, %dma_wait3A_93] : memref<16x80x128xi32, #tpu.memory_space<hbm>> -> memref<1x40x128xi32, #tpu.memory_space<hbm>>
        %dma_wait3A_95 = tpu.memref_squeeze %dma_wait3A_94 : memref<1x40x128xi32, #tpu.memory_space<hbm>> -> memref<40x128xi32, #tpu.memory_space<hbm>>
        %dma_wait3A_96 = arith.constant 40 : i32
        %dma_wait3A_97 = arith.constant 0 : i32
        %dma_wait3A_98 = tpu.memref_slice %arg4[%arg1, %dma_wait3A_96, %dma_wait3A_97] : memref<16x80x128xi32, #tpu.memory_space<hbm>> -> memref<1x40x128xi32, #tpu.memory_space<hbm>>
        %dma_wait3A_99 = tpu.memref_squeeze %dma_wait3A_98 : memref<1x40x128xi32, #tpu.memory_space<hbm>> -> memref<40x128xi32, #tpu.memory_space<hbm>>
        tpu.wait_dma2 semaphore(%run_scoped3A_83 : memref<!tpu.dma_semaphore, #tpu.memory_space<semaphore_mem>>) src(%dma_wait3A_99 : memref<40x128xi32, #tpu.memory_space<hbm>>) dst(%arg8 : memref<40x128xi32, #tpu.memory_space<vmem>>)
        tpu.yield
      }) : () -> ()
      "tpu.region"() ({
        %run_scoped3A_83 = tpu.sem_alloc : memref<!tpu.dma_semaphore, #tpu.memory_space<semaphore_mem>>
        %dma_start3A_84 = arith.constant 40 : i32
        %dma_start3A_85 = arith.constant 0 : i32
        %dma_start3A_86 = tpu.memref_slice %arg5[%arg1, %dma_start3A_84, %dma_start3A_85] : memref<16x80x128xi32, #tpu.memory_space<hbm>> -> memref<1x40x128xi32, #tpu.memory_space<hbm>>
        %dma_start3A_87 = tpu.memref_squeeze %dma_start3A_86 : memref<1x40x128xi32, #tpu.memory_space<hbm>> -> memref<40x128xi32, #tpu.memory_space<hbm>>
        %dma_start3A_88 = arith.constant 40 : i32
        %dma_start3A_89 = arith.constant 0 : i32
        %dma_start3A_90 = tpu.memref_slice %arg5[%arg1, %dma_start3A_88, %dma_start3A_89] : memref<16x80x128xi32, #tpu.memory_space<hbm>> -> memref<1x40x128xi32, #tpu.memory_space<hbm>>
        %dma_start3A_91 = tpu.memref_squeeze %dma_start3A_90 : memref<1x40x128xi32, #tpu.memory_space<hbm>> -> memref<40x128xi32, #tpu.memory_space<hbm>>
        tpu.enqueue_dma source(%dma_start3A_91 : memref<40x128xi32, #tpu.memory_space<hbm>>) target(%arg9 : memref<40x128xi32, #tpu.memory_space<vmem>>) target_semaphore(%run_scoped3A_83 : memref<!tpu.dma_semaphore, #tpu.memory_space<semaphore_mem>>)
        %dma_wait3A_92 = arith.constant 40 : i32
        %dma_wait3A_93 = arith.constant 0 : i32
        %dma_wait3A_94 = tpu.memref_slice %arg5[%arg1, %dma_wait3A_92, %dma_wait3A_93] : memref<16x80x128xi32, #tpu.memory_space<hbm>> -> memref<1x40x128xi32, #tpu.memory_space<hbm>>
        %dma_wait3A_95 = tpu.memref_squeeze %dma_wait3A_94 : memref<1x40x128xi32, #tpu.memory_space<hbm>> -> memref<40x128xi32, #tpu.memory_space<hbm>>
        %dma_wait3A_96 = arith.constant 40 : i32
        %dma_wait3A_97 = arith.constant 0 : i32
        %dma_wait3A_98 = tpu.memref_slice %arg5[%arg1, %dma_wait3A_96, %dma_wait3A_97] : memref<16x80x128xi32, #tpu.memory_space<hbm>> -> memref<1x40x128xi32, #tpu.memory_space<hbm>>
        %dma_wait3A_99 = tpu.memref_squeeze %dma_wait3A_98 : memref<1x40x128xi32, #tpu.memory_space<hbm>> -> memref<40x128xi32, #tpu.memory_space<hbm>>
        tpu.wait_dma2 semaphore(%run_scoped3A_83 : memref<!tpu.dma_semaphore, #tpu.memory_space<semaphore_mem>>) src(%dma_wait3A_99 : memref<40x128xi32, #tpu.memory_space<hbm>>) dst(%arg9 : memref<40x128xi32, #tpu.memory_space<vmem>>)
        tpu.yield
      }) : () -> ()
      %dma_start3A_46 = arith.constant 0 : i32
      %dma_start3A_47 = arith.constant 0 : i32
      %dma_start3A_48 = tpu.memref_slice %arg8[%dma_start3A_46, %dma_start3A_47] : memref<40x128xi32, #tpu.memory_space<vmem>> -> memref<1x128xi32, #tpu.memory_space<vmem>>
      %dma_start3A_49 = tpu.memref_squeeze %dma_start3A_48 : memref<1x128xi32, #tpu.memory_space<vmem>> -> memref<128xi32, #tpu.memory_space<vmem>>
      %dma_start3A_50 = arith.constant 0 : i32
      %dma_start3A_51 = arith.constant 0 : i32
      %dma_start3A_52 = tpu.memref_slice %arg2[%dma_start3A_50, %dma_start3A_51] : memref<10000x128xf32, #tpu.memory_space<hbm>> -> memref<10000x128xf32, #tpu.memory_space<hbm>>
      tpu.enqueue_indirect_dma source(%dma_start3A_52 : memref<10000x128xf32, #tpu.memory_space<hbm>>) target(%arg10 : memref<128x128xf32, #tpu.memory_space<vmem>>) offsets(%dma_start3A_49 : memref<128xi32, #tpu.memory_space<vmem>>) semaphore(%arg13 : memref<!tpu.dma_semaphore, #tpu.memory_space<semaphore_mem>>)
      %dma_start3A_53 = arith.constant 1 : i32
      %dma_start3A_54 = arith.constant 0 : i32
      %dma_start3A_55 = tpu.memref_slice %arg8[%dma_start3A_53, %dma_start3A_54] : memref<40x128xi32, #tpu.memory_space<vmem>> -> memref<1x128xi32, #tpu.memory_space<vmem>>
      %dma_start3A_56 = tpu.memref_squeeze %dma_start3A_55 : memref<1x128xi32, #tpu.memory_space<vmem>> -> memref<128xi32, #tpu.memory_space<vmem>>
      %dma_start3A_57 = arith.constant 0 : i32
      %dma_start3A_58 = arith.constant 0 : i32
      %dma_start3A_59 = tpu.memref_slice %arg2[%dma_start3A_57, %dma_start3A_58] : memref<10000x128xf32, #tpu.memory_space<hbm>> -> memref<10000x128xf32, #tpu.memory_space<hbm>>
      tpu.enqueue_indirect_dma source(%dma_start3A_59 : memref<10000x128xf32, #tpu.memory_space<hbm>>) target(%arg11 : memref<128x128xf32, #tpu.memory_space<vmem>>) offsets(%dma_start3A_56 : memref<128xi32, #tpu.memory_space<vmem>>) semaphore(%arg14 : memref<!tpu.dma_semaphore, #tpu.memory_space<semaphore_mem>>)
      %scan3A_60 = arith.constant 0 : i32
      %scan3A_61 = arith.constant 0 : i32
      %scan3A_62 = arith.constant 19 : i32
      %scan3A_63 = arith.addi %scan3A_61, %scan3A_62 : i32
      %scan3A_64 = arith.constant 1 : i32
      %scan3A_65 = scf.for %scan3A_83 = %scan3A_61 to %scan3A_63 step %scan3A_64 iter_args(%scan3A_84 = %scan3A_60) -> (i32)  : i32 {
        %mul3A_85 = arith.constant 2 : i32
        %mul3A_86 = arith.muli %mul3A_85, %scan3A_83 : i32
        %dma_wait3A_87 = arith.constant 0 : i32
        %dma_wait3A_88 = tpu.memref_slice %arg8[%mul3A_86, %dma_wait3A_87] : memref<40x128xi32, #tpu.memory_space<vmem>> -> memref<1x128xi32, #tpu.memory_space<vmem>>
        %dma_wait3A_89 = tpu.memref_squeeze %dma_wait3A_88 : memref<1x128xi32, #tpu.memory_space<vmem>> -> memref<128xi32, #tpu.memory_space<vmem>>
        %dma_wait3A_90 = arith.constant 0 : i32
        %dma_wait3A_91 = arith.constant 0 : i32
        %dma_wait3A_92 = tpu.memref_slice %arg2[%dma_wait3A_90, %dma_wait3A_91] : memref<10000x128xf32, #tpu.memory_space<hbm>> -> memref<10000x128xf32, #tpu.memory_space<hbm>>
        tpu.wait_indirect_dma semaphore(%arg13 : memref<!tpu.dma_semaphore, #tpu.memory_space<semaphore_mem>>) src(%dma_wait3A_92 : memref<10000x128xf32, #tpu.memory_space<hbm>>) dst(%arg10 : memref<128x128xf32, #tpu.memory_space<vmem>>)
        "tpu.region"() ({
          %run_scoped3A_119 = tpu.sem_alloc : memref<!tpu.dma_semaphore, #tpu.memory_space<semaphore_mem>>
          %dma_start3A_120 = arith.constant 0 : i32
          %dma_start3A_121 = tpu.memref_slice %arg9[%mul3A_86, %dma_start3A_120] : memref<40x128xi32, #tpu.memory_space<vmem>> -> memref<1x128xi32, #tpu.memory_space<vmem>>
          %dma_start3A_122 = tpu.memref_squeeze %dma_start3A_121 : memref<1x128xi32, #tpu.memory_space<vmem>> -> memref<128xi32, #tpu.memory_space<vmem>>
          %dma_start3A_123 = arith.constant 0 : i32
          %dma_start3A_124 = arith.constant 0 : i32
          %dma_start3A_125 = tpu.memref_slice %arg12[%dma_start3A_123, %dma_start3A_124] : memref<10112x128xf32, #tpu.memory_space<vmem_shared>> -> memref<10112x128xf32, #tpu.memory_space<vmem_shared>>
          tpu.enqueue_indirect_dma source(%arg10 : memref<128x128xf32, #tpu.memory_space<vmem>>) target(%dma_start3A_125 : memref<10112x128xf32, #tpu.memory_space<vmem_shared>>) offsets(%dma_start3A_122 : memref<128xi32, #tpu.memory_space<vmem>>) semaphore(%run_scoped3A_119 : memref<!tpu.dma_semaphore, #tpu.memory_space<semaphore_mem>>) {add = true}
          %dma_wait3A_126 = arith.constant 0 : i32
          %dma_wait3A_127 = tpu.memref_slice %arg9[%mul3A_86, %dma_wait3A_126] : memref<40x128xi32, #tpu.memory_space<vmem>> -> memref<1x128xi32, #tpu.memory_space<vmem>>
          %dma_wait3A_128 = tpu.memref_squeeze %dma_wait3A_127 : memref<1x128xi32, #tpu.memory_space<vmem>> -> memref<128xi32, #tpu.memory_space<vmem>>
          %dma_wait3A_129 = arith.constant 0 : i32
          %dma_wait3A_130 = arith.constant 0 : i32
          %dma_wait3A_131 = tpu.memref_slice %arg12[%dma_wait3A_129, %dma_wait3A_130] : memref<10112x128xf32, #tpu.memory_space<vmem_shared>> -> memref<10112x128xf32, #tpu.memory_space<vmem_shared>>
          tpu.wait_indirect_dma semaphore(%run_scoped3A_119 : memref<!tpu.dma_semaphore, #tpu.memory_space<semaphore_mem>>) src(%arg10 : memref<128x128xf32, #tpu.memory_space<vmem>>) dst(%dma_wait3A_131 : memref<10112x128xf32, #tpu.memory_space<vmem_shared>>)
          tpu.yield
        }) : () -> ()
        %add3A = arith.constant 2 : i32
        %add3A_93 = arith.addi %mul3A_86, %add3A : i32
        %dma_start3A_94 = arith.constant 0 : i32
        %dma_start3A_95 = tpu.memref_slice %arg8[%add3A_93, %dma_start3A_94] : memref<40x128xi32, #tpu.memory_space<vmem>> -> memref<1x128xi32, #tpu.memory_space<vmem>>
        %dma_start3A_96 = tpu.memref_squeeze %dma_start3A_95 : memref<1x128xi32, #tpu.memory_space<vmem>> -> memref<128xi32, #tpu.memory_space<vmem>>
        %dma_start3A_97 = arith.constant 0 : i32
        %dma_start3A_98 = arith.constant 0 : i32
        %dma_start3A_99 = tpu.memref_slice %arg2[%dma_start3A_97, %dma_start3A_98] : memref<10000x128xf32, #tpu.memory_space<hbm>> -> memref<10000x128xf32, #tpu.memory_space<hbm>>
        tpu.enqueue_indirect_dma source(%dma_start3A_99 : memref<10000x128xf32, #tpu.memory_space<hbm>>) target(%arg10 : memref<128x128xf32, #tpu.memory_space<vmem>>) offsets(%dma_start3A_96 : memref<128xi32, #tpu.memory_space<vmem>>) semaphore(%arg13 : memref<!tpu.dma_semaphore, #tpu.memory_space<semaphore_mem>>)
        %mul3A_100 = arith.constant 2 : i32
        %mul3A_101 = arith.muli %mul3A_100, %scan3A_83 : i32
        %add3A_102 = arith.constant 1 : i32
        %add3A_103 = arith.addi %mul3A_101, %add3A_102 : i32
        %dma_wait3A_104 = arith.constant 0 : i32
        %dma_wait3A_105 = tpu.memref_slice %arg8[%add3A_103, %dma_wait3A_104] : memref<40x128xi32, #tpu.memory_space<vmem>> -> memref<1x128xi32, #tpu.memory_space<vmem>>
        %dma_wait3A_106 = tpu.memref_squeeze %dma_wait3A_105 : memref<1x128xi32, #tpu.memory_space<vmem>> -> memref<128xi32, #tpu.memory_space<vmem>>
        %dma_wait3A_107 = arith.constant 0 : i32
        %dma_wait3A_108 = arith.constant 0 : i32
        %dma_wait3A_109 = tpu.memref_slice %arg2[%dma_wait3A_107, %dma_wait3A_108] : memref<10000x128xf32, #tpu.memory_space<hbm>> -> memref<10000x128xf32, #tpu.memory_space<hbm>>
        tpu.wait_indirect_dma semaphore(%arg14 : memref<!tpu.dma_semaphore, #tpu.memory_space<semaphore_mem>>) src(%dma_wait3A_109 : memref<10000x128xf32, #tpu.memory_space<hbm>>) dst(%arg11 : memref<128x128xf32, #tpu.memory_space<vmem>>)
        "tpu.region"() ({
          %run_scoped3A_119 = tpu.sem_alloc : memref<!tpu.dma_semaphore, #tpu.memory_space<semaphore_mem>>
          %dma_start3A_120 = arith.constant 0 : i32
          %dma_start3A_121 = tpu.memref_slice %arg9[%add3A_103, %dma_start3A_120] : memref<40x128xi32, #tpu.memory_space<vmem>> -> memref<1x128xi32, #tpu.memory_space<vmem>>
          %dma_start3A_122 = tpu.memref_squeeze %dma_start3A_121 : memref<1x128xi32, #tpu.memory_space<vmem>> -> memref<128xi32, #tpu.memory_space<vmem>>
          %dma_start3A_123 = arith.constant 0 : i32
          %dma_start3A_124 = arith.constant 0 : i32
          %dma_start3A_125 = tpu.memref_slice %arg12[%dma_start3A_123, %dma_start3A_124] : memref<10112x128xf32, #tpu.memory_space<vmem_shared>> -> memref<10112x128xf32, #tpu.memory_space<vmem_shared>>
          tpu.enqueue_indirect_dma source(%arg11 : memref<128x128xf32, #tpu.memory_space<vmem>>) target(%dma_start3A_125 : memref<10112x128xf32, #tpu.memory_space<vmem_shared>>) offsets(%dma_start3A_122 : memref<128xi32, #tpu.memory_space<vmem>>) semaphore(%run_scoped3A_119 : memref<!tpu.dma_semaphore, #tpu.memory_space<semaphore_mem>>) {add = true}
          %dma_wait3A_126 = arith.constant 0 : i32
          %dma_wait3A_127 = tpu.memref_slice %arg9[%add3A_103, %dma_wait3A_126] : memref<40x128xi32, #tpu.memory_space<vmem>> -> memref<1x128xi32, #tpu.memory_space<vmem>>
          %dma_wait3A_128 = tpu.memref_squeeze %dma_wait3A_127 : memref<1x128xi32, #tpu.memory_space<vmem>> -> memref<128xi32, #tpu.memory_space<vmem>>
          %dma_wait3A_129 = arith.constant 0 : i32
          %dma_wait3A_130 = arith.constant 0 : i32
          %dma_wait3A_131 = tpu.memref_slice %arg12[%dma_wait3A_129, %dma_wait3A_130] : memref<10112x128xf32, #tpu.memory_space<vmem_shared>> -> memref<10112x128xf32, #tpu.memory_space<vmem_shared>>
          tpu.wait_indirect_dma semaphore(%run_scoped3A_119 : memref<!tpu.dma_semaphore, #tpu.memory_space<semaphore_mem>>) src(%arg11 : memref<128x128xf32, #tpu.memory_space<vmem>>) dst(%dma_wait3A_131 : memref<10112x128xf32, #tpu.memory_space<vmem_shared>>)
          tpu.yield
        }) : () -> ()
        %add3A_110 = arith.constant 2 : i32
        %add3A_111 = arith.addi %add3A_103, %add3A_110 : i32
        %dma_start3A_112 = arith.constant 0 : i32
        %dma_start3A_113 = tpu.memref_slice %arg8[%add3A_111, %dma_start3A_112] : memref<40x128xi32, #tpu.memory_space<vmem>> -> memref<1x128xi32, #tpu.memory_space<vmem>>
        %dma_start3A_114 = tpu.memref_squeeze %dma_start3A_113 : memref<1x128xi32, #tpu.memory_space<vmem>> -> memref<128xi32, #tpu.memory_space<vmem>>
        %dma_start3A_115 = arith.constant 0 : i32
        %dma_start3A_116 = arith.constant 0 : i32
        %dma_start3A_117 = tpu.memref_slice %arg2[%dma_start3A_115, %dma_start3A_116] : memref<10000x128xf32, #tpu.memory_space<hbm>> -> memref<10000x128xf32, #tpu.memory_space<hbm>>
        tpu.enqueue_indirect_dma source(%dma_start3A_117 : memref<10000x128xf32, #tpu.memory_space<hbm>>) target(%arg11 : memref<128x128xf32, #tpu.memory_space<vmem>>) offsets(%dma_start3A_114 : memref<128xi32, #tpu.memory_space<vmem>>) semaphore(%arg14 : memref<!tpu.dma_semaphore, #tpu.memory_space<semaphore_mem>>)
        %scan3A_118 = arith.constant 0 : i32
        scf.yield %scan3A_118 : i32
      }
      %scan3A_66 = arith.constant 19 : i32
      %dma_wait3A_67 = arith.constant 38 : i32
      %dma_wait3A_68 = arith.constant 0 : i32
      %dma_wait3A_69 = tpu.memref_slice %arg8[%dma_wait3A_67, %dma_wait3A_68] : memref<40x128xi32, #tpu.memory_space<vmem>> -> memref<1x128xi32, #tpu.memory_space<vmem>>
      %dma_wait3A_70 = tpu.memref_squeeze %dma_wait3A_69 : memref<1x128xi32, #tpu.memory_space<vmem>> -> memref<128xi32, #tpu.memory_space<vmem>>
      %dma_wait3A_71 = arith.constant 0 : i32
      %dma_wait3A_72 = arith.constant 0 : i32
      %dma_wait3A_73 = tpu.memref_slice %arg2[%dma_wait3A_71, %dma_wait3A_72] : memref<10000x128xf32, #tpu.memory_space<hbm>> -> memref<10000x128xf32, #tpu.memory_space<hbm>>
      tpu.wait_indirect_dma semaphore(%arg13 : memref<!tpu.dma_semaphore, #tpu.memory_space<semaphore_mem>>) src(%dma_wait3A_73 : memref<10000x128xf32, #tpu.memory_space<hbm>>) dst(%arg10 : memref<128x128xf32, #tpu.memory_space<vmem>>)
      %run_scoped3A_74 = arith.constant 38 : i32
      "tpu.region"() ({
        %run_scoped3A_83 = tpu.sem_alloc : memref<!tpu.dma_semaphore, #tpu.memory_space<semaphore_mem>>
        %dma_start3A_84 = arith.constant 0 : i32
        %dma_start3A_85 = tpu.memref_slice %arg9[%run_scoped3A_74, %dma_start3A_84] : memref<40x128xi32, #tpu.memory_space<vmem>> -> memref<1x128xi32, #tpu.memory_space<vmem>>
        %dma_start3A_86 = tpu.memref_squeeze %dma_start3A_85 : memref<1x128xi32, #tpu.memory_space<vmem>> -> memref<128xi32, #tpu.memory_space<vmem>>
        %dma_start3A_87 = arith.constant 0 : i32
        %dma_start3A_88 = arith.constant 0 : i32
        %dma_start3A_89 = tpu.memref_slice %arg12[%dma_start3A_87, %dma_start3A_88] : memref<10112x128xf32, #tpu.memory_space<vmem_shared>> -> memref<10112x128xf32, #tpu.memory_space<vmem_shared>>
        tpu.enqueue_indirect_dma source(%arg10 : memref<128x128xf32, #tpu.memory_space<vmem>>) target(%dma_start3A_89 : memref<10112x128xf32, #tpu.memory_space<vmem_shared>>) offsets(%dma_start3A_86 : memref<128xi32, #tpu.memory_space<vmem>>) semaphore(%run_scoped3A_83 : memref<!tpu.dma_semaphore, #tpu.memory_space<semaphore_mem>>) {add = true}
        %dma_wait3A_90 = arith.constant 0 : i32
        %dma_wait3A_91 = tpu.memref_slice %arg9[%run_scoped3A_74, %dma_wait3A_90] : memref<40x128xi32, #tpu.memory_space<vmem>> -> memref<1x128xi32, #tpu.memory_space<vmem>>
        %dma_wait3A_92 = tpu.memref_squeeze %dma_wait3A_91 : memref<1x128xi32, #tpu.memory_space<vmem>> -> memref<128xi32, #tpu.memory_space<vmem>>
        %dma_wait3A_93 = arith.constant 0 : i32
        %dma_wait3A_94 = arith.constant 0 : i32
        %dma_wait3A_95 = tpu.memref_slice %arg12[%dma_wait3A_93, %dma_wait3A_94] : memref<10112x128xf32, #tpu.memory_space<vmem_shared>> -> memref<10112x128xf32, #tpu.memory_space<vmem_shared>>
        tpu.wait_indirect_dma semaphore(%run_scoped3A_83 : memref<!tpu.dma_semaphore, #tpu.memory_space<semaphore_mem>>) src(%arg10 : memref<128x128xf32, #tpu.memory_space<vmem>>) dst(%dma_wait3A_95 : memref<10112x128xf32, #tpu.memory_space<vmem_shared>>)
        tpu.yield
      }) : () -> ()
      %dma_wait3A_75 = arith.constant 39 : i32
      %dma_wait3A_76 = arith.constant 0 : i32
      %dma_wait3A_77 = tpu.memref_slice %arg8[%dma_wait3A_75, %dma_wait3A_76] : memref<40x128xi32, #tpu.memory_space<vmem>> -> memref<1x128xi32, #tpu.memory_space<vmem>>
      %dma_wait3A_78 = tpu.memref_squeeze %dma_wait3A_77 : memref<1x128xi32, #tpu.memory_space<vmem>> -> memref<128xi32, #tpu.memory_space<vmem>>
      %dma_wait3A_79 = arith.constant 0 : i32
      %dma_wait3A_80 = arith.constant 0 : i32
      %dma_wait3A_81 = tpu.memref_slice %arg2[%dma_wait3A_79, %dma_wait3A_80] : memref<10000x128xf32, #tpu.memory_space<hbm>> -> memref<10000x128xf32, #tpu.memory_space<hbm>>
      tpu.wait_indirect_dma semaphore(%arg14 : memref<!tpu.dma_semaphore, #tpu.memory_space<semaphore_mem>>) src(%dma_wait3A_81 : memref<10000x128xf32, #tpu.memory_space<hbm>>) dst(%arg11 : memref<128x128xf32, #tpu.memory_space<vmem>>)
      %run_scoped3A_82 = arith.constant 39 : i32
      "tpu.region"() ({
        %run_scoped3A_83 = tpu.sem_alloc : memref<!tpu.dma_semaphore, #tpu.memory_space<semaphore_mem>>
        %dma_start3A_84 = arith.constant 0 : i32
        %dma_start3A_85 = tpu.memref_slice %arg9[%run_scoped3A_82, %dma_start3A_84] : memref<40x128xi32, #tpu.memory_space<vmem>> -> memref<1x128xi32, #tpu.memory_space<vmem>>
        %dma_start3A_86 = tpu.memref_squeeze %dma_start3A_85 : memref<1x128xi32, #tpu.memory_space<vmem>> -> memref<128xi32, #tpu.memory_space<vmem>>
        %dma_start3A_87 = arith.constant 0 : i32
        %dma_start3A_88 = arith.constant 0 : i32
        %dma_start3A_89 = tpu.memref_slice %arg12[%dma_start3A_87, %dma_start3A_88] : memref<10112x128xf32, #tpu.memory_space<vmem_shared>> -> memref<10112x128xf32, #tpu.memory_space<vmem_shared>>
        tpu.enqueue_indirect_dma source(%arg11 : memref<128x128xf32, #tpu.memory_space<vmem>>) target(%dma_start3A_89 : memref<10112x128xf32, #tpu.memory_space<vmem_shared>>) offsets(%dma_start3A_86 : memref<128xi32, #tpu.memory_space<vmem>>) semaphore(%run_scoped3A_83 : memref<!tpu.dma_semaphore, #tpu.memory_space<semaphore_mem>>) {add = true}
        %dma_wait3A_90 = arith.constant 0 : i32
        %dma_wait3A_91 = tpu.memref_slice %arg9[%run_scoped3A_82, %dma_wait3A_90] : memref<40x128xi32, #tpu.memory_space<vmem>> -> memref<1x128xi32, #tpu.memory_space<vmem>>
        %dma_wait3A_92 = tpu.memref_squeeze %dma_wait3A_91 : memref<1x128xi32, #tpu.memory_space<vmem>> -> memref<128xi32, #tpu.memory_space<vmem>>
        %dma_wait3A_93 = arith.constant 0 : i32
        %dma_wait3A_94 = arith.constant 0 : i32
        %dma_wait3A_95 = tpu.memref_slice %arg12[%dma_wait3A_93, %dma_wait3A_94] : memref<10112x128xf32, #tpu.memory_space<vmem_shared>> -> memref<10112x128xf32, #tpu.memory_space<vmem_shared>>
        tpu.wait_indirect_dma semaphore(%run_scoped3A_83 : memref<!tpu.dma_semaphore, #tpu.memory_space<semaphore_mem>>) src(%arg11 : memref<128x128xf32, #tpu.memory_space<vmem>>) dst(%dma_wait3A_95 : memref<10112x128xf32, #tpu.memory_space<vmem_shared>>)
        tpu.yield
      }) : () -> ()
    } else {
    }
    %eq3A_3 = arith.constant 1 : i32
    %eq3A_4 = arith.cmpi eq, %arg0, %eq3A_3 : i32
    %convert_element_type3A_5 = arith.extui %eq3A_4 : i1 to i32
    %cond3A_6 = arith.constant 0 : i32
    %cond3A_7 = arith.cmpi ne, %convert_element_type3A_5, %cond3A_6 : i32
    scf.if %cond3A_7 {
      "tpu.region"() ({
        %run_scoped3A_83 = tpu.sem_alloc : memref<!tpu.dma_semaphore, #tpu.memory_space<semaphore_mem>>
        %dma_start3A_84 = arith.constant 0 : i32
        %dma_start3A_85 = arith.constant 0 : i32
        %dma_start3A_86 = tpu.memref_slice %arg4[%arg1, %dma_start3A_84, %dma_start3A_85] : memref<16x80x128xi32, #tpu.memory_space<hbm>> -> memref<1x40x128xi32, #tpu.memory_space<hbm>>
        %dma_start3A_87 = tpu.memref_squeeze %dma_start3A_86 : memref<1x40x128xi32, #tpu.memory_space<hbm>> -> memref<40x128xi32, #tpu.memory_space<hbm>>
        %dma_start3A_88 = arith.constant 0 : i32
        %dma_start3A_89 = arith.constant 0 : i32
        %dma_start3A_90 = tpu.memref_slice %arg4[%arg1, %dma_start3A_88, %dma_start3A_89] : memref<16x80x128xi32, #tpu.memory_space<hbm>> -> memref<1x40x128xi32, #tpu.memory_space<hbm>>
        %dma_start3A_91 = tpu.memref_squeeze %dma_start3A_90 : memref<1x40x128xi32, #tpu.memory_space<hbm>> -> memref<40x128xi32, #tpu.memory_space<hbm>>
        tpu.enqueue_dma source(%dma_start3A_91 : memref<40x128xi32, #tpu.memory_space<hbm>>) target(%arg8 : memref<40x128xi32, #tpu.memory_space<vmem>>) target_semaphore(%run_scoped3A_83 : memref<!tpu.dma_semaphore, #tpu.memory_space<semaphore_mem>>)
        %dma_wait3A_92 = arith.constant 0 : i32
        %dma_wait3A_93 = arith.constant 0 : i32
        %dma_wait3A_94 = tpu.memref_slice %arg4[%arg1, %dma_wait3A_92, %dma_wait3A_93] : memref<16x80x128xi32, #tpu.memory_space<hbm>> -> memref<1x40x128xi32, #tpu.memory_space<hbm>>
        %dma_wait3A_95 = tpu.memref_squeeze %dma_wait3A_94 : memref<1x40x128xi32, #tpu.memory_space<hbm>> -> memref<40x128xi32, #tpu.memory_space<hbm>>
        %dma_wait3A_96 = arith.constant 0 : i32
        %dma_wait3A_97 = arith.constant 0 : i32
        %dma_wait3A_98 = tpu.memref_slice %arg4[%arg1, %dma_wait3A_96, %dma_wait3A_97] : memref<16x80x128xi32, #tpu.memory_space<hbm>> -> memref<1x40x128xi32, #tpu.memory_space<hbm>>
        %dma_wait3A_99 = tpu.memref_squeeze %dma_wait3A_98 : memref<1x40x128xi32, #tpu.memory_space<hbm>> -> memref<40x128xi32, #tpu.memory_space<hbm>>
        tpu.wait_dma2 semaphore(%run_scoped3A_83 : memref<!tpu.dma_semaphore, #tpu.memory_space<semaphore_mem>>) src(%dma_wait3A_99 : memref<40x128xi32, #tpu.memory_space<hbm>>) dst(%arg8 : memref<40x128xi32, #tpu.memory_space<vmem>>)
        tpu.yield
      }) : () -> ()
      "tpu.region"() ({
        %run_scoped3A_83 = tpu.sem_alloc : memref<!tpu.dma_semaphore, #tpu.memory_space<semaphore_mem>>
        %dma_start3A_84 = arith.constant 0 : i32
        %dma_start3A_85 = arith.constant 0 : i32
        %dma_start3A_86 = tpu.memref_slice %arg5[%arg1, %dma_start3A_84, %dma_start3A_85] : memref<16x80x128xi32, #tpu.memory_space<hbm>> -> memref<1x40x128xi32, #tpu.memory_space<hbm>>
        %dma_start3A_87 = tpu.memref_squeeze %dma_start3A_86 : memref<1x40x128xi32, #tpu.memory_space<hbm>> -> memref<40x128xi32, #tpu.memory_space<hbm>>
        %dma_start3A_88 = arith.constant 0 : i32
        %dma_start3A_89 = arith.constant 0 : i32
        %dma_start3A_90 = tpu.memref_slice %arg5[%arg1, %dma_start3A_88, %dma_start3A_89] : memref<16x80x128xi32, #tpu.memory_space<hbm>> -> memref<1x40x128xi32, #tpu.memory_space<hbm>>
        %dma_start3A_91 = tpu.memref_squeeze %dma_start3A_90 : memref<1x40x128xi32, #tpu.memory_space<hbm>> -> memref<40x128xi32, #tpu.memory_space<hbm>>
        tpu.enqueue_dma source(%dma_start3A_91 : memref<40x128xi32, #tpu.memory_space<hbm>>) target(%arg9 : memref<40x128xi32, #tpu.memory_space<vmem>>) target_semaphore(%run_scoped3A_83 : memref<!tpu.dma_semaphore, #tpu.memory_space<semaphore_mem>>)
        %dma_wait3A_92 = arith.constant 0 : i32
        %dma_wait3A_93 = arith.constant 0 : i32
        %dma_wait3A_94 = tpu.memref_slice %arg5[%arg1, %dma_wait3A_92, %dma_wait3A_93] : memref<16x80x128xi32, #tpu.memory_space<hbm>> -> memref<1x40x128xi32, #tpu.memory_space<hbm>>
        %dma_wait3A_95 = tpu.memref_squeeze %dma_wait3A_94 : memref<1x40x128xi32, #tpu.memory_space<hbm>> -> memref<40x128xi32, #tpu.memory_space<hbm>>
        %dma_wait3A_96 = arith.constant 0 : i32
        %dma_wait3A_97 = arith.constant 0 : i32
        %dma_wait3A_98 = tpu.memref_slice %arg5[%arg1, %dma_wait3A_96, %dma_wait3A_97] : memref<16x80x128xi32, #tpu.memory_space<hbm>> -> memref<1x40x128xi32, #tpu.memory_space<hbm>>
        %dma_wait3A_99 = tpu.memref_squeeze %dma_wait3A_98 : memref<1x40x128xi32, #tpu.memory_space<hbm>> -> memref<40x128xi32, #tpu.memory_space<hbm>>
        tpu.wait_dma2 semaphore(%run_scoped3A_83 : memref<!tpu.dma_semaphore, #tpu.memory_space<semaphore_mem>>) src(%dma_wait3A_99 : memref<40x128xi32, #tpu.memory_space<hbm>>) dst(%arg9 : memref<40x128xi32, #tpu.memory_space<vmem>>)
        tpu.yield
      }) : () -> ()
      %dma_start3A = arith.constant 0 : i32
      %dma_start3A_13 = arith.constant 0 : i32
      %dma_start3A_14 = tpu.memref_slice %arg8[%dma_start3A, %dma_start3A_13] : memref<40x128xi32, #tpu.memory_space<vmem>> -> memref<1x128xi32, #tpu.memory_space<vmem>>
      %dma_start3A_15 = tpu.memref_squeeze %dma_start3A_14 : memref<1x128xi32, #tpu.memory_space<vmem>> -> memref<128xi32, #tpu.memory_space<vmem>>
      %dma_start3A_16 = arith.constant 0 : i32
      %dma_start3A_17 = arith.constant 0 : i32
      %dma_start3A_18 = tpu.memref_slice %arg3[%dma_start3A_16, %dma_start3A_17] : memref<10000x128xf32, #tpu.memory_space<hbm>> -> memref<10000x128xf32, #tpu.memory_space<hbm>>
      tpu.enqueue_indirect_dma source(%dma_start3A_18 : memref<10000x128xf32, #tpu.memory_space<hbm>>) target(%arg10 : memref<128x128xf32, #tpu.memory_space<vmem>>) offsets(%dma_start3A_15 : memref<128xi32, #tpu.memory_space<vmem>>) semaphore(%arg13 : memref<!tpu.dma_semaphore, #tpu.memory_space<semaphore_mem>>)
      %dma_start3A_19 = arith.constant 1 : i32
      %dma_start3A_20 = arith.constant 0 : i32
      %dma_start3A_21 = tpu.memref_slice %arg8[%dma_start3A_19, %dma_start3A_20] : memref<40x128xi32, #tpu.memory_space<vmem>> -> memref<1x128xi32, #tpu.memory_space<vmem>>
      %dma_start3A_22 = tpu.memref_squeeze %dma_start3A_21 : memref<1x128xi32, #tpu.memory_space<vmem>> -> memref<128xi32, #tpu.memory_space<vmem>>
      %dma_start3A_23 = arith.constant 0 : i32
      %dma_start3A_24 = arith.constant 0 : i32
      %dma_start3A_25 = tpu.memref_slice %arg3[%dma_start3A_23, %dma_start3A_24] : memref<10000x128xf32, #tpu.memory_space<hbm>> -> memref<10000x128xf32, #tpu.memory_space<hbm>>
      tpu.enqueue_indirect_dma source(%dma_start3A_25 : memref<10000x128xf32, #tpu.memory_space<hbm>>) target(%arg11 : memref<128x128xf32, #tpu.memory_space<vmem>>) offsets(%dma_start3A_22 : memref<128xi32, #tpu.memory_space<vmem>>) semaphore(%arg14 : memref<!tpu.dma_semaphore, #tpu.memory_space<semaphore_mem>>)
      %scan3A = arith.constant 0 : i32
      %scan3A_26 = arith.constant 0 : i32
      %scan3A_27 = arith.constant 19 : i32
      %scan3A_28 = arith.addi %scan3A_26, %scan3A_27 : i32
      %scan3A_29 = arith.constant 1 : i32
      %scan3A_30 = scf.for %scan3A_83 = %scan3A_26 to %scan3A_28 step %scan3A_29 iter_args(%scan3A_84 = %scan3A) -> (i32)  : i32 {
        %mul3A_85 = arith.constant 2 : i32
        %mul3A_86 = arith.muli %mul3A_85, %scan3A_83 : i32
        %dma_wait3A_87 = arith.constant 0 : i32
        %dma_wait3A_88 = tpu.memref_slice %arg8[%mul3A_86, %dma_wait3A_87] : memref<40x128xi32, #tpu.memory_space<vmem>> -> memref<1x128xi32, #tpu.memory_space<vmem>>
        %dma_wait3A_89 = tpu.memref_squeeze %dma_wait3A_88 : memref<1x128xi32, #tpu.memory_space<vmem>> -> memref<128xi32, #tpu.memory_space<vmem>>
        %dma_wait3A_90 = arith.constant 0 : i32
        %dma_wait3A_91 = arith.constant 0 : i32
        %dma_wait3A_92 = tpu.memref_slice %arg3[%dma_wait3A_90, %dma_wait3A_91] : memref<10000x128xf32, #tpu.memory_space<hbm>> -> memref<10000x128xf32, #tpu.memory_space<hbm>>
        tpu.wait_indirect_dma semaphore(%arg13 : memref<!tpu.dma_semaphore, #tpu.memory_space<semaphore_mem>>) src(%dma_wait3A_92 : memref<10000x128xf32, #tpu.memory_space<hbm>>) dst(%arg10 : memref<128x128xf32, #tpu.memory_space<vmem>>)
        "tpu.region"() ({
          %run_scoped3A_119 = tpu.sem_alloc : memref<!tpu.dma_semaphore, #tpu.memory_space<semaphore_mem>>
          %dma_start3A_120 = arith.constant 0 : i32
          %dma_start3A_121 = tpu.memref_slice %arg9[%mul3A_86, %dma_start3A_120] : memref<40x128xi32, #tpu.memory_space<vmem>> -> memref<1x128xi32, #tpu.memory_space<vmem>>
          %dma_start3A_122 = tpu.memref_squeeze %dma_start3A_121 : memref<1x128xi32, #tpu.memory_space<vmem>> -> memref<128xi32, #tpu.memory_space<vmem>>
          %dma_start3A_123 = arith.constant 0 : i32
          %dma_start3A_124 = arith.constant 0 : i32
          %dma_start3A_125 = tpu.memref_slice %arg12[%dma_start3A_123, %dma_start3A_124] : memref<10112x128xf32, #tpu.memory_space<vmem_shared>> -> memref<10112x128xf32, #tpu.memory_space<vmem_shared>>
          tpu.enqueue_indirect_dma source(%arg10 : memref<128x128xf32, #tpu.memory_space<vmem>>) target(%dma_start3A_125 : memref<10112x128xf32, #tpu.memory_space<vmem_shared>>) offsets(%dma_start3A_122 : memref<128xi32, #tpu.memory_space<vmem>>) semaphore(%run_scoped3A_119 : memref<!tpu.dma_semaphore, #tpu.memory_space<semaphore_mem>>) {add = true}
          %dma_wait3A_126 = arith.constant 0 : i32
          %dma_wait3A_127 = tpu.memref_slice %arg9[%mul3A_86, %dma_wait3A_126] : memref<40x128xi32, #tpu.memory_space<vmem>> -> memref<1x128xi32, #tpu.memory_space<vmem>>
          %dma_wait3A_128 = tpu.memref_squeeze %dma_wait3A_127 : memref<1x128xi32, #tpu.memory_space<vmem>> -> memref<128xi32, #tpu.memory_space<vmem>>
          %dma_wait3A_129 = arith.constant 0 : i32
          %dma_wait3A_130 = arith.constant 0 : i32
          %dma_wait3A_131 = tpu.memref_slice %arg12[%dma_wait3A_129, %dma_wait3A_130] : memref<10112x128xf32, #tpu.memory_space<vmem_shared>> -> memref<10112x128xf32, #tpu.memory_space<vmem_shared>>
          tpu.wait_indirect_dma semaphore(%run_scoped3A_119 : memref<!tpu.dma_semaphore, #tpu.memory_space<semaphore_mem>>) src(%arg10 : memref<128x128xf32, #tpu.memory_space<vmem>>) dst(%dma_wait3A_131 : memref<10112x128xf32, #tpu.memory_space<vmem_shared>>)
          tpu.yield
        }) : () -> ()
        %add3A = arith.constant 2 : i32
        %add3A_93 = arith.addi %mul3A_86, %add3A : i32
        %dma_start3A_94 = arith.constant 0 : i32
        %dma_start3A_95 = tpu.memref_slice %arg8[%add3A_93, %dma_start3A_94] : memref<40x128xi32, #tpu.memory_space<vmem>> -> memref<1x128xi32, #tpu.memory_space<vmem>>
        %dma_start3A_96 = tpu.memref_squeeze %dma_start3A_95 : memref<1x128xi32, #tpu.memory_space<vmem>> -> memref<128xi32, #tpu.memory_space<vmem>>
        %dma_start3A_97 = arith.constant 0 : i32
        %dma_start3A_98 = arith.constant 0 : i32
        %dma_start3A_99 = tpu.memref_slice %arg3[%dma_start3A_97, %dma_start3A_98] : memref<10000x128xf32, #tpu.memory_space<hbm>> -> memref<10000x128xf32, #tpu.memory_space<hbm>>
        tpu.enqueue_indirect_dma source(%dma_start3A_99 : memref<10000x128xf32, #tpu.memory_space<hbm>>) target(%arg10 : memref<128x128xf32, #tpu.memory_space<vmem>>) offsets(%dma_start3A_96 : memref<128xi32, #tpu.memory_space<vmem>>) semaphore(%arg13 : memref<!tpu.dma_semaphore, #tpu.memory_space<semaphore_mem>>)
        %mul3A_100 = arith.constant 2 : i32
        %mul3A_101 = arith.muli %mul3A_100, %scan3A_83 : i32
        %add3A_102 = arith.constant 1 : i32
        %add3A_103 = arith.addi %mul3A_101, %add3A_102 : i32
        %dma_wait3A_104 = arith.constant 0 : i32
        %dma_wait3A_105 = tpu.memref_slice %arg8[%add3A_103, %dma_wait3A_104] : memref<40x128xi32, #tpu.memory_space<vmem>> -> memref<1x128xi32, #tpu.memory_space<vmem>>
        %dma_wait3A_106 = tpu.memref_squeeze %dma_wait3A_105 : memref<1x128xi32, #tpu.memory_space<vmem>> -> memref<128xi32, #tpu.memory_space<vmem>>
        %dma_wait3A_107 = arith.constant 0 : i32
        %dma_wait3A_108 = arith.constant 0 : i32
        %dma_wait3A_109 = tpu.memref_slice %arg3[%dma_wait3A_107, %dma_wait3A_108] : memref<10000x128xf32, #tpu.memory_space<hbm>> -> memref<10000x128xf32, #tpu.memory_space<hbm>>
        tpu.wait_indirect_dma semaphore(%arg14 : memref<!tpu.dma_semaphore, #tpu.memory_space<semaphore_mem>>) src(%dma_wait3A_109 : memref<10000x128xf32, #tpu.memory_space<hbm>>) dst(%arg11 : memref<128x128xf32, #tpu.memory_space<vmem>>)
        "tpu.region"() ({
          %run_scoped3A_119 = tpu.sem_alloc : memref<!tpu.dma_semaphore, #tpu.memory_space<semaphore_mem>>
          %dma_start3A_120 = arith.constant 0 : i32
          %dma_start3A_121 = tpu.memref_slice %arg9[%add3A_103, %dma_start3A_120] : memref<40x128xi32, #tpu.memory_space<vmem>> -> memref<1x128xi32, #tpu.memory_space<vmem>>
          %dma_start3A_122 = tpu.memref_squeeze %dma_start3A_121 : memref<1x128xi32, #tpu.memory_space<vmem>> -> memref<128xi32, #tpu.memory_space<vmem>>
          %dma_start3A_123 = arith.constant 0 : i32
          %dma_start3A_124 = arith.constant 0 : i32
          %dma_start3A_125 = tpu.memref_slice %arg12[%dma_start3A_123, %dma_start3A_124] : memref<10112x128xf32, #tpu.memory_space<vmem_shared>> -> memref<10112x128xf32, #tpu.memory_space<vmem_shared>>
          tpu.enqueue_indirect_dma source(%arg11 : memref<128x128xf32, #tpu.memory_space<vmem>>) target(%dma_start3A_125 : memref<10112x128xf32, #tpu.memory_space<vmem_shared>>) offsets(%dma_start3A_122 : memref<128xi32, #tpu.memory_space<vmem>>) semaphore(%run_scoped3A_119 : memref<!tpu.dma_semaphore, #tpu.memory_space<semaphore_mem>>) {add = true}
          %dma_wait3A_126 = arith.constant 0 : i32
          %dma_wait3A_127 = tpu.memref_slice %arg9[%add3A_103, %dma_wait3A_126] : memref<40x128xi32, #tpu.memory_space<vmem>> -> memref<1x128xi32, #tpu.memory_space<vmem>>
          %dma_wait3A_128 = tpu.memref_squeeze %dma_wait3A_127 : memref<1x128xi32, #tpu.memory_space<vmem>> -> memref<128xi32, #tpu.memory_space<vmem>>
          %dma_wait3A_129 = arith.constant 0 : i32
          %dma_wait3A_130 = arith.constant 0 : i32
          %dma_wait3A_131 = tpu.memref_slice %arg12[%dma_wait3A_129, %dma_wait3A_130] : memref<10112x128xf32, #tpu.memory_space<vmem_shared>> -> memref<10112x128xf32, #tpu.memory_space<vmem_shared>>
          tpu.wait_indirect_dma semaphore(%run_scoped3A_119 : memref<!tpu.dma_semaphore, #tpu.memory_space<semaphore_mem>>) src(%arg11 : memref<128x128xf32, #tpu.memory_space<vmem>>) dst(%dma_wait3A_131 : memref<10112x128xf32, #tpu.memory_space<vmem_shared>>)
          tpu.yield
        }) : () -> ()
        %add3A_110 = arith.constant 2 : i32
        %add3A_111 = arith.addi %add3A_103, %add3A_110 : i32
        %dma_start3A_112 = arith.constant 0 : i32
        %dma_start3A_113 = tpu.memref_slice %arg8[%add3A_111, %dma_start3A_112] : memref<40x128xi32, #tpu.memory_space<vmem>> -> memref<1x128xi32, #tpu.memory_space<vmem>>
        %dma_start3A_114 = tpu.memref_squeeze %dma_start3A_113 : memref<1x128xi32, #tpu.memory_space<vmem>> -> memref<128xi32, #tpu.memory_space<vmem>>
        %dma_start3A_115 = arith.constant 0 : i32
        %dma_start3A_116 = arith.constant 0 : i32
        %dma_start3A_117 = tpu.memref_slice %arg3[%dma_start3A_115, %dma_start3A_116] : memref<10000x128xf32, #tpu.memory_space<hbm>> -> memref<10000x128xf32, #tpu.memory_space<hbm>>
        tpu.enqueue_indirect_dma source(%dma_start3A_117 : memref<10000x128xf32, #tpu.memory_space<hbm>>) target(%arg11 : memref<128x128xf32, #tpu.memory_space<vmem>>) offsets(%dma_start3A_114 : memref<128xi32, #tpu.memory_space<vmem>>) semaphore(%arg14 : memref<!tpu.dma_semaphore, #tpu.memory_space<semaphore_mem>>)
        %scan3A_118 = arith.constant 0 : i32
        scf.yield %scan3A_118 : i32
      }
      %scan3A_31 = arith.constant 19 : i32
      %dma_wait3A = arith.constant 38 : i32
      %dma_wait3A_32 = arith.constant 0 : i32
      %dma_wait3A_33 = tpu.memref_slice %arg8[%dma_wait3A, %dma_wait3A_32] : memref<40x128xi32, #tpu.memory_space<vmem>> -> memref<1x128xi32, #tpu.memory_space<vmem>>
      %dma_wait3A_34 = tpu.memref_squeeze %dma_wait3A_33 : memref<1x128xi32, #tpu.memory_space<vmem>> -> memref<128xi32, #tpu.memory_space<vmem>>
      %dma_wait3A_35 = arith.constant 0 : i32
      %dma_wait3A_36 = arith.constant 0 : i32
      %dma_wait3A_37 = tpu.memref_slice %arg3[%dma_wait3A_35, %dma_wait3A_36] : memref<10000x128xf32, #tpu.memory_space<hbm>> -> memref<10000x128xf32, #tpu.memory_space<hbm>>
      tpu.wait_indirect_dma semaphore(%arg13 : memref<!tpu.dma_semaphore, #tpu.memory_space<semaphore_mem>>) src(%dma_wait3A_37 : memref<10000x128xf32, #tpu.memory_space<hbm>>) dst(%arg10 : memref<128x128xf32, #tpu.memory_space<vmem>>)
      %run_scoped3A = arith.constant 38 : i32
      "tpu.region"() ({
        %run_scoped3A_83 = tpu.sem_alloc : memref<!tpu.dma_semaphore, #tpu.memory_space<semaphore_mem>>
        %dma_start3A_84 = arith.constant 0 : i32
        %dma_start3A_85 = tpu.memref_slice %arg9[%run_scoped3A, %dma_start3A_84] : memref<40x128xi32, #tpu.memory_space<vmem>> -> memref<1x128xi32, #tpu.memory_space<vmem>>
        %dma_start3A_86 = tpu.memref_squeeze %dma_start3A_85 : memref<1x128xi32, #tpu.memory_space<vmem>> -> memref<128xi32, #tpu.memory_space<vmem>>
        %dma_start3A_87 = arith.constant 0 : i32
        %dma_start3A_88 = arith.constant 0 : i32
        %dma_start3A_89 = tpu.memref_slice %arg12[%dma_start3A_87, %dma_start3A_88] : memref<10112x128xf32, #tpu.memory_space<vmem_shared>> -> memref<10112x128xf32, #tpu.memory_space<vmem_shared>>
        tpu.enqueue_indirect_dma source(%arg10 : memref<128x128xf32, #tpu.memory_space<vmem>>) target(%dma_start3A_89 : memref<10112x128xf32, #tpu.memory_space<vmem_shared>>) offsets(%dma_start3A_86 : memref<128xi32, #tpu.memory_space<vmem>>) semaphore(%run_scoped3A_83 : memref<!tpu.dma_semaphore, #tpu.memory_space<semaphore_mem>>) {add = true}
        %dma_wait3A_90 = arith.constant 0 : i32
        %dma_wait3A_91 = tpu.memref_slice %arg9[%run_scoped3A, %dma_wait3A_90] : memref<40x128xi32, #tpu.memory_space<vmem>> -> memref<1x128xi32, #tpu.memory_space<vmem>>
        %dma_wait3A_92 = tpu.memref_squeeze %dma_wait3A_91 : memref<1x128xi32, #tpu.memory_space<vmem>> -> memref<128xi32, #tpu.memory_space<vmem>>
        %dma_wait3A_93 = arith.constant 0 : i32
        %dma_wait3A_94 = arith.constant 0 : i32
        %dma_wait3A_95 = tpu.memref_slice %arg12[%dma_wait3A_93, %dma_wait3A_94] : memref<10112x128xf32, #tpu.memory_space<vmem_shared>> -> memref<10112x128xf32, #tpu.memory_space<vmem_shared>>
        tpu.wait_indirect_dma semaphore(%run_scoped3A_83 : memref<!tpu.dma_semaphore, #tpu.memory_space<semaphore_mem>>) src(%arg10 : memref<128x128xf32, #tpu.memory_space<vmem>>) dst(%dma_wait3A_95 : memref<10112x128xf32, #tpu.memory_space<vmem_shared>>)
        tpu.yield
      }) : () -> ()
      %dma_wait3A_38 = arith.constant 39 : i32
      %dma_wait3A_39 = arith.constant 0 : i32
      %dma_wait3A_40 = tpu.memref_slice %arg8[%dma_wait3A_38, %dma_wait3A_39] : memref<40x128xi32, #tpu.memory_space<vmem>> -> memref<1x128xi32, #tpu.memory_space<vmem>>
      %dma_wait3A_41 = tpu.memref_squeeze %dma_wait3A_40 : memref<1x128xi32, #tpu.memory_space<vmem>> -> memref<128xi32, #tpu.memory_space<vmem>>
      %dma_wait3A_42 = arith.constant 0 : i32
      %dma_wait3A_43 = arith.constant 0 : i32
      %dma_wait3A_44 = tpu.memref_slice %arg3[%dma_wait3A_42, %dma_wait3A_43] : memref<10000x128xf32, #tpu.memory_space<hbm>> -> memref<10000x128xf32, #tpu.memory_space<hbm>>
      tpu.wait_indirect_dma semaphore(%arg14 : memref<!tpu.dma_semaphore, #tpu.memory_space<semaphore_mem>>) src(%dma_wait3A_44 : memref<10000x128xf32, #tpu.memory_space<hbm>>) dst(%arg11 : memref<128x128xf32, #tpu.memory_space<vmem>>)
      %run_scoped3A_45 = arith.constant 39 : i32
      "tpu.region"() ({
        %run_scoped3A_83 = tpu.sem_alloc : memref<!tpu.dma_semaphore, #tpu.memory_space<semaphore_mem>>
        %dma_start3A_84 = arith.constant 0 : i32
        %dma_start3A_85 = tpu.memref_slice %arg9[%run_scoped3A_45, %dma_start3A_84] : memref<40x128xi32, #tpu.memory_space<vmem>> -> memref<1x128xi32, #tpu.memory_space<vmem>>
        %dma_start3A_86 = tpu.memref_squeeze %dma_start3A_85 : memref<1x128xi32, #tpu.memory_space<vmem>> -> memref<128xi32, #tpu.memory_space<vmem>>
        %dma_start3A_87 = arith.constant 0 : i32
        %dma_start3A_88 = arith.constant 0 : i32
        %dma_start3A_89 = tpu.memref_slice %arg12[%dma_start3A_87, %dma_start3A_88] : memref<10112x128xf32, #tpu.memory_space<vmem_shared>> -> memref<10112x128xf32, #tpu.memory_space<vmem_shared>>
        tpu.enqueue_indirect_dma source(%arg11 : memref<128x128xf32, #tpu.memory_space<vmem>>) target(%dma_start3A_89 : memref<10112x128xf32, #tpu.memory_space<vmem_shared>>) offsets(%dma_start3A_86 : memref<128xi32, #tpu.memory_space<vmem>>) semaphore(%run_scoped3A_83 : memref<!tpu.dma_semaphore, #tpu.memory_space<semaphore_mem>>) {add = true}
        %dma_wait3A_90 = arith.constant 0 : i32
        %dma_wait3A_91 = tpu.memref_slice %arg9[%run_scoped3A_45, %dma_wait3A_90] : memref<40x128xi32, #tpu.memory_space<vmem>> -> memref<1x128xi32, #tpu.memory_space<vmem>>
        %dma_wait3A_92 = tpu.memref_squeeze %dma_wait3A_91 : memref<1x128xi32, #tpu.memory_space<vmem>> -> memref<128xi32, #tpu.memory_space<vmem>>
        %dma_wait3A_93 = arith.constant 0 : i32
        %dma_wait3A_94 = arith.constant 0 : i32
        %dma_wait3A_95 = tpu.memref_slice %arg12[%dma_wait3A_93, %dma_wait3A_94] : memref<10112x128xf32, #tpu.memory_space<vmem_shared>> -> memref<10112x128xf32, #tpu.memory_space<vmem_shared>>
        tpu.wait_indirect_dma semaphore(%run_scoped3A_83 : memref<!tpu.dma_semaphore, #tpu.memory_space<semaphore_mem>>) src(%arg11 : memref<128x128xf32, #tpu.memory_space<vmem>>) dst(%dma_wait3A_95 : memref<10112x128xf32, #tpu.memory_space<vmem_shared>>)
        tpu.yield
      }) : () -> ()
      "tpu.region"() ({
        %run_scoped3A_83 = tpu.sem_alloc : memref<!tpu.dma_semaphore, #tpu.memory_space<semaphore_mem>>
        %dma_start3A_84 = arith.constant 40 : i32
        %dma_start3A_85 = arith.constant 0 : i32
        %dma_start3A_86 = tpu.memref_slice %arg4[%arg1, %dma_start3A_84, %dma_start3A_85] : memref<16x80x128xi32, #tpu.memory_space<hbm>> -> memref<1x40x128xi32, #tpu.memory_space<hbm>>
        %dma_start3A_87 = tpu.memref_squeeze %dma_start3A_86 : memref<1x40x128xi32, #tpu.memory_space<hbm>> -> memref<40x128xi32, #tpu.memory_space<hbm>>
        %dma_start3A_88 = arith.constant 40 : i32
        %dma_start3A_89 = arith.constant 0 : i32
        %dma_start3A_90 = tpu.memref_slice %arg4[%arg1, %dma_start3A_88, %dma_start3A_89] : memref<16x80x128xi32, #tpu.memory_space<hbm>> -> memref<1x40x128xi32, #tpu.memory_space<hbm>>
        %dma_start3A_91 = tpu.memref_squeeze %dma_start3A_90 : memref<1x40x128xi32, #tpu.memory_space<hbm>> -> memref<40x128xi32, #tpu.memory_space<hbm>>
        tpu.enqueue_dma source(%dma_start3A_91 : memref<40x128xi32, #tpu.memory_space<hbm>>) target(%arg8 : memref<40x128xi32, #tpu.memory_space<vmem>>) target_semaphore(%run_scoped3A_83 : memref<!tpu.dma_semaphore, #tpu.memory_space<semaphore_mem>>)
        %dma_wait3A_92 = arith.constant 40 : i32
        %dma_wait3A_93 = arith.constant 0 : i32
        %dma_wait3A_94 = tpu.memref_slice %arg4[%arg1, %dma_wait3A_92, %dma_wait3A_93] : memref<16x80x128xi32, #tpu.memory_space<hbm>> -> memref<1x40x128xi32, #tpu.memory_space<hbm>>
        %dma_wait3A_95 = tpu.memref_squeeze %dma_wait3A_94 : memref<1x40x128xi32, #tpu.memory_space<hbm>> -> memref<40x128xi32, #tpu.memory_space<hbm>>
        %dma_wait3A_96 = arith.constant 40 : i32
        %dma_wait3A_97 = arith.constant 0 : i32
        %dma_wait3A_98 = tpu.memref_slice %arg4[%arg1, %dma_wait3A_96, %dma_wait3A_97] : memref<16x80x128xi32, #tpu.memory_space<hbm>> -> memref<1x40x128xi32, #tpu.memory_space<hbm>>
        %dma_wait3A_99 = tpu.memref_squeeze %dma_wait3A_98 : memref<1x40x128xi32, #tpu.memory_space<hbm>> -> memref<40x128xi32, #tpu.memory_space<hbm>>
        tpu.wait_dma2 semaphore(%run_scoped3A_83 : memref<!tpu.dma_semaphore, #tpu.memory_space<semaphore_mem>>) src(%dma_wait3A_99 : memref<40x128xi32, #tpu.memory_space<hbm>>) dst(%arg8 : memref<40x128xi32, #tpu.memory_space<vmem>>)
        tpu.yield
      }) : () -> ()
      "tpu.region"() ({
        %run_scoped3A_83 = tpu.sem_alloc : memref<!tpu.dma_semaphore, #tpu.memory_space<semaphore_mem>>
        %dma_start3A_84 = arith.constant 40 : i32
        %dma_start3A_85 = arith.constant 0 : i32
        %dma_start3A_86 = tpu.memref_slice %arg5[%arg1, %dma_start3A_84, %dma_start3A_85] : memref<16x80x128xi32, #tpu.memory_space<hbm>> -> memref<1x40x128xi32, #tpu.memory_space<hbm>>
        %dma_start3A_87 = tpu.memref_squeeze %dma_start3A_86 : memref<1x40x128xi32, #tpu.memory_space<hbm>> -> memref<40x128xi32, #tpu.memory_space<hbm>>
        %dma_start3A_88 = arith.constant 40 : i32
        %dma_start3A_89 = arith.constant 0 : i32
        %dma_start3A_90 = tpu.memref_slice %arg5[%arg1, %dma_start3A_88, %dma_start3A_89] : memref<16x80x128xi32, #tpu.memory_space<hbm>> -> memref<1x40x128xi32, #tpu.memory_space<hbm>>
        %dma_start3A_91 = tpu.memref_squeeze %dma_start3A_90 : memref<1x40x128xi32, #tpu.memory_space<hbm>> -> memref<40x128xi32, #tpu.memory_space<hbm>>
        tpu.enqueue_dma source(%dma_start3A_91 : memref<40x128xi32, #tpu.memory_space<hbm>>) target(%arg9 : memref<40x128xi32, #tpu.memory_space<vmem>>) target_semaphore(%run_scoped3A_83 : memref<!tpu.dma_semaphore, #tpu.memory_space<semaphore_mem>>)
        %dma_wait3A_92 = arith.constant 40 : i32
        %dma_wait3A_93 = arith.constant 0 : i32
        %dma_wait3A_94 = tpu.memref_slice %arg5[%arg1, %dma_wait3A_92, %dma_wait3A_93] : memref<16x80x128xi32, #tpu.memory_space<hbm>> -> memref<1x40x128xi32, #tpu.memory_space<hbm>>
        %dma_wait3A_95 = tpu.memref_squeeze %dma_wait3A_94 : memref<1x40x128xi32, #tpu.memory_space<hbm>> -> memref<40x128xi32, #tpu.memory_space<hbm>>
        %dma_wait3A_96 = arith.constant 40 : i32
        %dma_wait3A_97 = arith.constant 0 : i32
        %dma_wait3A_98 = tpu.memref_slice %arg5[%arg1, %dma_wait3A_96, %dma_wait3A_97] : memref<16x80x128xi32, #tpu.memory_space<hbm>> -> memref<1x40x128xi32, #tpu.memory_space<hbm>>
        %dma_wait3A_99 = tpu.memref_squeeze %dma_wait3A_98 : memref<1x40x128xi32, #tpu.memory_space<hbm>> -> memref<40x128xi32, #tpu.memory_space<hbm>>
        tpu.wait_dma2 semaphore(%run_scoped3A_83 : memref<!tpu.dma_semaphore, #tpu.memory_space<semaphore_mem>>) src(%dma_wait3A_99 : memref<40x128xi32, #tpu.memory_space<hbm>>) dst(%arg9 : memref<40x128xi32, #tpu.memory_space<vmem>>)
        tpu.yield
      }) : () -> ()
      %dma_start3A_46 = arith.constant 0 : i32
      %dma_start3A_47 = arith.constant 0 : i32
      %dma_start3A_48 = tpu.memref_slice %arg8[%dma_start3A_46, %dma_start3A_47] : memref<40x128xi32, #tpu.memory_space<vmem>> -> memref<1x128xi32, #tpu.memory_space<vmem>>
      %dma_start3A_49 = tpu.memref_squeeze %dma_start3A_48 : memref<1x128xi32, #tpu.memory_space<vmem>> -> memref<128xi32, #tpu.memory_space<vmem>>
      %dma_start3A_50 = arith.constant 0 : i32
      %dma_start3A_51 = arith.constant 0 : i32
      %dma_start3A_52 = tpu.memref_slice %arg3[%dma_start3A_50, %dma_start3A_51] : memref<10000x128xf32, #tpu.memory_space<hbm>> -> memref<10000x128xf32, #tpu.memory_space<hbm>>
      tpu.enqueue_indirect_dma source(%dma_start3A_52 : memref<10000x128xf32, #tpu.memory_space<hbm>>) target(%arg10 : memref<128x128xf32, #tpu.memory_space<vmem>>) offsets(%dma_start3A_49 : memref<128xi32, #tpu.memory_space<vmem>>) semaphore(%arg13 : memref<!tpu.dma_semaphore, #tpu.memory_space<semaphore_mem>>)
      %dma_start3A_53 = arith.constant 1 : i32
      %dma_start3A_54 = arith.constant 0 : i32
      %dma_start3A_55 = tpu.memref_slice %arg8[%dma_start3A_53, %dma_start3A_54] : memref<40x128xi32, #tpu.memory_space<vmem>> -> memref<1x128xi32, #tpu.memory_space<vmem>>
      %dma_start3A_56 = tpu.memref_squeeze %dma_start3A_55 : memref<1x128xi32, #tpu.memory_space<vmem>> -> memref<128xi32, #tpu.memory_space<vmem>>
      %dma_start3A_57 = arith.constant 0 : i32
      %dma_start3A_58 = arith.constant 0 : i32
      %dma_start3A_59 = tpu.memref_slice %arg3[%dma_start3A_57, %dma_start3A_58] : memref<10000x128xf32, #tpu.memory_space<hbm>> -> memref<10000x128xf32, #tpu.memory_space<hbm>>
      tpu.enqueue_indirect_dma source(%dma_start3A_59 : memref<10000x128xf32, #tpu.memory_space<hbm>>) target(%arg11 : memref<128x128xf32, #tpu.memory_space<vmem>>) offsets(%dma_start3A_56 : memref<128xi32, #tpu.memory_space<vmem>>) semaphore(%arg14 : memref<!tpu.dma_semaphore, #tpu.memory_space<semaphore_mem>>)
      %scan3A_60 = arith.constant 0 : i32
      %scan3A_61 = arith.constant 0 : i32
      %scan3A_62 = arith.constant 19 : i32
      %scan3A_63 = arith.addi %scan3A_61, %scan3A_62 : i32
      %scan3A_64 = arith.constant 1 : i32
      %scan3A_65 = scf.for %scan3A_83 = %scan3A_61 to %scan3A_63 step %scan3A_64 iter_args(%scan3A_84 = %scan3A_60) -> (i32)  : i32 {
        %mul3A_85 = arith.constant 2 : i32
        %mul3A_86 = arith.muli %mul3A_85, %scan3A_83 : i32
        %dma_wait3A_87 = arith.constant 0 : i32
        %dma_wait3A_88 = tpu.memref_slice %arg8[%mul3A_86, %dma_wait3A_87] : memref<40x128xi32, #tpu.memory_space<vmem>> -> memref<1x128xi32, #tpu.memory_space<vmem>>
        %dma_wait3A_89 = tpu.memref_squeeze %dma_wait3A_88 : memref<1x128xi32, #tpu.memory_space<vmem>> -> memref<128xi32, #tpu.memory_space<vmem>>
        %dma_wait3A_90 = arith.constant 0 : i32
        %dma_wait3A_91 = arith.constant 0 : i32
        %dma_wait3A_92 = tpu.memref_slice %arg3[%dma_wait3A_90, %dma_wait3A_91] : memref<10000x128xf32, #tpu.memory_space<hbm>> -> memref<10000x128xf32, #tpu.memory_space<hbm>>
        tpu.wait_indirect_dma semaphore(%arg13 : memref<!tpu.dma_semaphore, #tpu.memory_space<semaphore_mem>>) src(%dma_wait3A_92 : memref<10000x128xf32, #tpu.memory_space<hbm>>) dst(%arg10 : memref<128x128xf32, #tpu.memory_space<vmem>>)
        "tpu.region"() ({
          %run_scoped3A_119 = tpu.sem_alloc : memref<!tpu.dma_semaphore, #tpu.memory_space<semaphore_mem>>
          %dma_start3A_120 = arith.constant 0 : i32
          %dma_start3A_121 = tpu.memref_slice %arg9[%mul3A_86, %dma_start3A_120] : memref<40x128xi32, #tpu.memory_space<vmem>> -> memref<1x128xi32, #tpu.memory_space<vmem>>
          %dma_start3A_122 = tpu.memref_squeeze %dma_start3A_121 : memref<1x128xi32, #tpu.memory_space<vmem>> -> memref<128xi32, #tpu.memory_space<vmem>>
          %dma_start3A_123 = arith.constant 0 : i32
          %dma_start3A_124 = arith.constant 0 : i32
          %dma_start3A_125 = tpu.memref_slice %arg12[%dma_start3A_123, %dma_start3A_124] : memref<10112x128xf32, #tpu.memory_space<vmem_shared>> -> memref<10112x128xf32, #tpu.memory_space<vmem_shared>>
          tpu.enqueue_indirect_dma source(%arg10 : memref<128x128xf32, #tpu.memory_space<vmem>>) target(%dma_start3A_125 : memref<10112x128xf32, #tpu.memory_space<vmem_shared>>) offsets(%dma_start3A_122 : memref<128xi32, #tpu.memory_space<vmem>>) semaphore(%run_scoped3A_119 : memref<!tpu.dma_semaphore, #tpu.memory_space<semaphore_mem>>) {add = true}
          %dma_wait3A_126 = arith.constant 0 : i32
          %dma_wait3A_127 = tpu.memref_slice %arg9[%mul3A_86, %dma_wait3A_126] : memref<40x128xi32, #tpu.memory_space<vmem>> -> memref<1x128xi32, #tpu.memory_space<vmem>>
          %dma_wait3A_128 = tpu.memref_squeeze %dma_wait3A_127 : memref<1x128xi32, #tpu.memory_space<vmem>> -> memref<128xi32, #tpu.memory_space<vmem>>
          %dma_wait3A_129 = arith.constant 0 : i32
          %dma_wait3A_130 = arith.constant 0 : i32
          %dma_wait3A_131 = tpu.memref_slice %arg12[%dma_wait3A_129, %dma_wait3A_130] : memref<10112x128xf32, #tpu.memory_space<vmem_shared>> -> memref<10112x128xf32, #tpu.memory_space<vmem_shared>>
          tpu.wait_indirect_dma semaphore(%run_scoped3A_119 : memref<!tpu.dma_semaphore, #tpu.memory_space<semaphore_mem>>) src(%arg10 : memref<128x128xf32, #tpu.memory_space<vmem>>) dst(%dma_wait3A_131 : memref<10112x128xf32, #tpu.memory_space<vmem_shared>>)
          tpu.yield
        }) : () -> ()
        %add3A = arith.constant 2 : i32
        %add3A_93 = arith.addi %mul3A_86, %add3A : i32
        %dma_start3A_94 = arith.constant 0 : i32
        %dma_start3A_95 = tpu.memref_slice %arg8[%add3A_93, %dma_start3A_94] : memref<40x128xi32, #tpu.memory_space<vmem>> -> memref<1x128xi32, #tpu.memory_space<vmem>>
        %dma_start3A_96 = tpu.memref_squeeze %dma_start3A_95 : memref<1x128xi32, #tpu.memory_space<vmem>> -> memref<128xi32, #tpu.memory_space<vmem>>
        %dma_start3A_97 = arith.constant 0 : i32
        %dma_start3A_98 = arith.constant 0 : i32
        %dma_start3A_99 = tpu.memref_slice %arg3[%dma_start3A_97, %dma_start3A_98] : memref<10000x128xf32, #tpu.memory_space<hbm>> -> memref<10000x128xf32, #tpu.memory_space<hbm>>
        tpu.enqueue_indirect_dma source(%dma_start3A_99 : memref<10000x128xf32, #tpu.memory_space<hbm>>) target(%arg10 : memref<128x128xf32, #tpu.memory_space<vmem>>) offsets(%dma_start3A_96 : memref<128xi32, #tpu.memory_space<vmem>>) semaphore(%arg13 : memref<!tpu.dma_semaphore, #tpu.memory_space<semaphore_mem>>)
        %mul3A_100 = arith.constant 2 : i32
        %mul3A_101 = arith.muli %mul3A_100, %scan3A_83 : i32
        %add3A_102 = arith.constant 1 : i32
        %add3A_103 = arith.addi %mul3A_101, %add3A_102 : i32
        %dma_wait3A_104 = arith.constant 0 : i32
        %dma_wait3A_105 = tpu.memref_slice %arg8[%add3A_103, %dma_wait3A_104] : memref<40x128xi32, #tpu.memory_space<vmem>> -> memref<1x128xi32, #tpu.memory_space<vmem>>
        %dma_wait3A_106 = tpu.memref_squeeze %dma_wait3A_105 : memref<1x128xi32, #tpu.memory_space<vmem>> -> memref<128xi32, #tpu.memory_space<vmem>>
        %dma_wait3A_107 = arith.constant 0 : i32
        %dma_wait3A_108 = arith.constant 0 : i32
        %dma_wait3A_109 = tpu.memref_slice %arg3[%dma_wait3A_107, %dma_wait3A_108] : memref<10000x128xf32, #tpu.memory_space<hbm>> -> memref<10000x128xf32, #tpu.memory_space<hbm>>
        tpu.wait_indirect_dma semaphore(%arg14 : memref<!tpu.dma_semaphore, #tpu.memory_space<semaphore_mem>>) src(%dma_wait3A_109 : memref<10000x128xf32, #tpu.memory_space<hbm>>) dst(%arg11 : memref<128x128xf32, #tpu.memory_space<vmem>>)
        "tpu.region"() ({
          %run_scoped3A_119 = tpu.sem_alloc : memref<!tpu.dma_semaphore, #tpu.memory_space<semaphore_mem>>
          %dma_start3A_120 = arith.constant 0 : i32
          %dma_start3A_121 = tpu.memref_slice %arg9[%add3A_103, %dma_start3A_120] : memref<40x128xi32, #tpu.memory_space<vmem>> -> memref<1x128xi32, #tpu.memory_space<vmem>>
          %dma_start3A_122 = tpu.memref_squeeze %dma_start3A_121 : memref<1x128xi32, #tpu.memory_space<vmem>> -> memref<128xi32, #tpu.memory_space<vmem>>
          %dma_start3A_123 = arith.constant 0 : i32
          %dma_start3A_124 = arith.constant 0 : i32
          %dma_start3A_125 = tpu.memref_slice %arg12[%dma_start3A_123, %dma_start3A_124] : memref<10112x128xf32, #tpu.memory_space<vmem_shared>> -> memref<10112x128xf32, #tpu.memory_space<vmem_shared>>
          tpu.enqueue_indirect_dma source(%arg11 : memref<128x128xf32, #tpu.memory_space<vmem>>) target(%dma_start3A_125 : memref<10112x128xf32, #tpu.memory_space<vmem_shared>>) offsets(%dma_start3A_122 : memref<128xi32, #tpu.memory_space<vmem>>) semaphore(%run_scoped3A_119 : memref<!tpu.dma_semaphore, #tpu.memory_space<semaphore_mem>>) {add = true}
          %dma_wait3A_126 = arith.constant 0 : i32
          %dma_wait3A_127 = tpu.memref_slice %arg9[%add3A_103, %dma_wait3A_126] : memref<40x128xi32, #tpu.memory_space<vmem>> -> memref<1x128xi32, #tpu.memory_space<vmem>>
          %dma_wait3A_128 = tpu.memref_squeeze %dma_wait3A_127 : memref<1x128xi32, #tpu.memory_space<vmem>> -> memref<128xi32, #tpu.memory_space<vmem>>
          %dma_wait3A_129 = arith.constant 0 : i32
          %dma_wait3A_130 = arith.constant 0 : i32
          %dma_wait3A_131 = tpu.memref_slice %arg12[%dma_wait3A_129, %dma_wait3A_130] : memref<10112x128xf32, #tpu.memory_space<vmem_shared>> -> memref<10112x128xf32, #tpu.memory_space<vmem_shared>>
          tpu.wait_indirect_dma semaphore(%run_scoped3A_119 : memref<!tpu.dma_semaphore, #tpu.memory_space<semaphore_mem>>) src(%arg11 : memref<128x128xf32, #tpu.memory_space<vmem>>) dst(%dma_wait3A_131 : memref<10112x128xf32, #tpu.memory_space<vmem_shared>>)
          tpu.yield
        }) : () -> ()
        %add3A_110 = arith.constant 2 : i32
        %add3A_111 = arith.addi %add3A_103, %add3A_110 : i32
        %dma_start3A_112 = arith.constant 0 : i32
        %dma_start3A_113 = tpu.memref_slice %arg8[%add3A_111, %dma_start3A_112] : memref<40x128xi32, #tpu.memory_space<vmem>> -> memref<1x128xi32, #tpu.memory_space<vmem>>
        %dma_start3A_114 = tpu.memref_squeeze %dma_start3A_113 : memref<1x128xi32, #tpu.memory_space<vmem>> -> memref<128xi32, #tpu.memory_space<vmem>>
        %dma_start3A_115 = arith.constant 0 : i32
        %dma_start3A_116 = arith.constant 0 : i32
        %dma_start3A_117 = tpu.memref_slice %arg3[%dma_start3A_115, %dma_start3A_116] : memref<10000x128xf32, #tpu.memory_space<hbm>> -> memref<10000x128xf32, #tpu.memory_space<hbm>>
        tpu.enqueue_indirect_dma source(%dma_start3A_117 : memref<10000x128xf32, #tpu.memory_space<hbm>>) target(%arg11 : memref<128x128xf32, #tpu.memory_space<vmem>>) offsets(%dma_start3A_114 : memref<128xi32, #tpu.memory_space<vmem>>) semaphore(%arg14 : memref<!tpu.dma_semaphore, #tpu.memory_space<semaphore_mem>>)
        %scan3A_118 = arith.constant 0 : i32
        scf.yield %scan3A_118 : i32
      }
      %scan3A_66 = arith.constant 19 : i32
      %dma_wait3A_67 = arith.constant 38 : i32
      %dma_wait3A_68 = arith.constant 0 : i32
      %dma_wait3A_69 = tpu.memref_slice %arg8[%dma_wait3A_67, %dma_wait3A_68] : memref<40x128xi32, #tpu.memory_space<vmem>> -> memref<1x128xi32, #tpu.memory_space<vmem>>
      %dma_wait3A_70 = tpu.memref_squeeze %dma_wait3A_69 : memref<1x128xi32, #tpu.memory_space<vmem>> -> memref<128xi32, #tpu.memory_space<vmem>>
      %dma_wait3A_71 = arith.constant 0 : i32
      %dma_wait3A_72 = arith.constant 0 : i32
      %dma_wait3A_73 = tpu.memref_slice %arg3[%dma_wait3A_71, %dma_wait3A_72] : memref<10000x128xf32, #tpu.memory_space<hbm>> -> memref<10000x128xf32, #tpu.memory_space<hbm>>
      tpu.wait_indirect_dma semaphore(%arg13 : memref<!tpu.dma_semaphore, #tpu.memory_space<semaphore_mem>>) src(%dma_wait3A_73 : memref<10000x128xf32, #tpu.memory_space<hbm>>) dst(%arg10 : memref<128x128xf32, #tpu.memory_space<vmem>>)
      %run_scoped3A_74 = arith.constant 38 : i32
      "tpu.region"() ({
        %run_scoped3A_83 = tpu.sem_alloc : memref<!tpu.dma_semaphore, #tpu.memory_space<semaphore_mem>>
        %dma_start3A_84 = arith.constant 0 : i32
        %dma_start3A_85 = tpu.memref_slice %arg9[%run_scoped3A_74, %dma_start3A_84] : memref<40x128xi32, #tpu.memory_space<vmem>> -> memref<1x128xi32, #tpu.memory_space<vmem>>
        %dma_start3A_86 = tpu.memref_squeeze %dma_start3A_85 : memref<1x128xi32, #tpu.memory_space<vmem>> -> memref<128xi32, #tpu.memory_space<vmem>>
        %dma_start3A_87 = arith.constant 0 : i32
        %dma_start3A_88 = arith.constant 0 : i32
        %dma_start3A_89 = tpu.memref_slice %arg12[%dma_start3A_87, %dma_start3A_88] : memref<10112x128xf32, #tpu.memory_space<vmem_shared>> -> memref<10112x128xf32, #tpu.memory_space<vmem_shared>>
        tpu.enqueue_indirect_dma source(%arg10 : memref<128x128xf32, #tpu.memory_space<vmem>>) target(%dma_start3A_89 : memref<10112x128xf32, #tpu.memory_space<vmem_shared>>) offsets(%dma_start3A_86 : memref<128xi32, #tpu.memory_space<vmem>>) semaphore(%run_scoped3A_83 : memref<!tpu.dma_semaphore, #tpu.memory_space<semaphore_mem>>) {add = true}
        %dma_wait3A_90 = arith.constant 0 : i32
        %dma_wait3A_91 = tpu.memref_slice %arg9[%run_scoped3A_74, %dma_wait3A_90] : memref<40x128xi32, #tpu.memory_space<vmem>> -> memref<1x128xi32, #tpu.memory_space<vmem>>
        %dma_wait3A_92 = tpu.memref_squeeze %dma_wait3A_91 : memref<1x128xi32, #tpu.memory_space<vmem>> -> memref<128xi32, #tpu.memory_space<vmem>>
        %dma_wait3A_93 = arith.constant 0 : i32
        %dma_wait3A_94 = arith.constant 0 : i32
        %dma_wait3A_95 = tpu.memref_slice %arg12[%dma_wait3A_93, %dma_wait3A_94] : memref<10112x128xf32, #tpu.memory_space<vmem_shared>> -> memref<10112x128xf32, #tpu.memory_space<vmem_shared>>
        tpu.wait_indirect_dma semaphore(%run_scoped3A_83 : memref<!tpu.dma_semaphore, #tpu.memory_space<semaphore_mem>>) src(%arg10 : memref<128x128xf32, #tpu.memory_space<vmem>>) dst(%dma_wait3A_95 : memref<10112x128xf32, #tpu.memory_space<vmem_shared>>)
        tpu.yield
      }) : () -> ()
      %dma_wait3A_75 = arith.constant 39 : i32
      %dma_wait3A_76 = arith.constant 0 : i32
      %dma_wait3A_77 = tpu.memref_slice %arg8[%dma_wait3A_75, %dma_wait3A_76] : memref<40x128xi32, #tpu.memory_space<vmem>> -> memref<1x128xi32, #tpu.memory_space<vmem>>
      %dma_wait3A_78 = tpu.memref_squeeze %dma_wait3A_77 : memref<1x128xi32, #tpu.memory_space<vmem>> -> memref<128xi32, #tpu.memory_space<vmem>>
      %dma_wait3A_79 = arith.constant 0 : i32
      %dma_wait3A_80 = arith.constant 0 : i32
      %dma_wait3A_81 = tpu.memref_slice %arg3[%dma_wait3A_79, %dma_wait3A_80] : memref<10000x128xf32, #tpu.memory_space<hbm>> -> memref<10000x128xf32, #tpu.memory_space<hbm>>
      tpu.wait_indirect_dma semaphore(%arg14 : memref<!tpu.dma_semaphore, #tpu.memory_space<semaphore_mem>>) src(%dma_wait3A_81 : memref<10000x128xf32, #tpu.memory_space<hbm>>) dst(%arg11 : memref<128x128xf32, #tpu.memory_space<vmem>>)
      %run_scoped3A_82 = arith.constant 39 : i32
      "tpu.region"() ({
        %run_scoped3A_83 = tpu.sem_alloc : memref<!tpu.dma_semaphore, #tpu.memory_space<semaphore_mem>>
        %dma_start3A_84 = arith.constant 0 : i32
        %dma_start3A_85 = tpu.memref_slice %arg9[%run_scoped3A_82, %dma_start3A_84] : memref<40x128xi32, #tpu.memory_space<vmem>> -> memref<1x128xi32, #tpu.memory_space<vmem>>
        %dma_start3A_86 = tpu.memref_squeeze %dma_start3A_85 : memref<1x128xi32, #tpu.memory_space<vmem>> -> memref<128xi32, #tpu.memory_space<vmem>>
        %dma_start3A_87 = arith.constant 0 : i32
        %dma_start3A_88 = arith.constant 0 : i32
        %dma_start3A_89 = tpu.memref_slice %arg12[%dma_start3A_87, %dma_start3A_88] : memref<10112x128xf32, #tpu.memory_space<vmem_shared>> -> memref<10112x128xf32, #tpu.memory_space<vmem_shared>>
        tpu.enqueue_indirect_dma source(%arg11 : memref<128x128xf32, #tpu.memory_space<vmem>>) target(%dma_start3A_89 : memref<10112x128xf32, #tpu.memory_space<vmem_shared>>) offsets(%dma_start3A_86 : memref<128xi32, #tpu.memory_space<vmem>>) semaphore(%run_scoped3A_83 : memref<!tpu.dma_semaphore, #tpu.memory_space<semaphore_mem>>) {add = true}
        %dma_wait3A_90 = arith.constant 0 : i32
        %dma_wait3A_91 = tpu.memref_slice %arg9[%run_scoped3A_82, %dma_wait3A_90] : memref<40x128xi32, #tpu.memory_space<vmem>> -> memref<1x128xi32, #tpu.memory_space<vmem>>
        %dma_wait3A_92 = tpu.memref_squeeze %dma_wait3A_91 : memref<1x128xi32, #tpu.memory_space<vmem>> -> memref<128xi32, #tpu.memory_space<vmem>>
        %dma_wait3A_93 = arith.constant 0 : i32
        %dma_wait3A_94 = arith.constant 0 : i32
        %dma_wait3A_95 = tpu.memref_slice %arg12[%dma_wait3A_93, %dma_wait3A_94] : memref<10112x128xf32, #tpu.memory_space<vmem_shared>> -> memref<10112x128xf32, #tpu.memory_space<vmem_shared>>
        tpu.wait_indirect_dma semaphore(%run_scoped3A_83 : memref<!tpu.dma_semaphore, #tpu.memory_space<semaphore_mem>>) src(%arg11 : memref<128x128xf32, #tpu.memory_space<vmem>>) dst(%dma_wait3A_95 : memref<10112x128xf32, #tpu.memory_space<vmem_shared>>)
        tpu.yield
      }) : () -> ()
    } else {
    }
    %barrier3A_8 = arith.constant 0 : index
    tpu.barrier barrier_id(%barrier3A_8)
    %mul3A_9 = arith.constant 632 : i32
    %mul3A_10 = arith.muli %arg1, %mul3A_9 : i32
    %mul3A_11 = arith.constant 632 : i32
    %mul3A_12 = arith.muli %arg1, %mul3A_11 : i32
    "tpu.region"() ({
      %run_scoped3A = tpu.sem_alloc : memref<!tpu.dma_semaphore, #tpu.memory_space<semaphore_mem>>
      %dma_start3A = arith.constant 0 : i32
      %dma_start3A_13 = tpu.memref_slice %arg7[%arg0, %mul3A_12, %dma_start3A] : memref<2x10112x128xf32, #tpu.memory_space<hbm>> -> memref<1x632x128xf32, #tpu.memory_space<hbm>>
      %dma_start3A_14 = tpu.memref_squeeze %dma_start3A_13 : memref<1x632x128xf32, #tpu.memory_space<hbm>> -> memref<632x128xf32, #tpu.memory_space<hbm>>
      %dma_start3A_15 = arith.constant 0 : i32
      %dma_start3A_16 = tpu.memref_slice %arg12[%mul3A_10, %dma_start3A_15] : memref<10112x128xf32, #tpu.memory_space<vmem_shared>> -> memref<632x128xf32, #tpu.memory_space<vmem_shared>>
      tpu.enqueue_dma source(%dma_start3A_16 : memref<632x128xf32, #tpu.memory_space<vmem_shared>>) target(%dma_start3A_14 : memref<632x128xf32, #tpu.memory_space<hbm>>) target_semaphore(%run_scoped3A : memref<!tpu.dma_semaphore, #tpu.memory_space<semaphore_mem>>)
      %dma_wait3A = arith.constant 0 : i32
      %dma_wait3A_17 = tpu.memref_slice %arg7[%arg0, %mul3A_12, %dma_wait3A] : memref<2x10112x128xf32, #tpu.memory_space<hbm>> -> memref<1x632x128xf32, #tpu.memory_space<hbm>>
      %dma_wait3A_18 = tpu.memref_squeeze %dma_wait3A_17 : memref<1x632x128xf32, #tpu.memory_space<hbm>> -> memref<632x128xf32, #tpu.memory_space<hbm>>
      %dma_wait3A_19 = arith.constant 0 : i32
      %dma_wait3A_20 = tpu.memref_slice %arg12[%mul3A_10, %dma_wait3A_19] : memref<10112x128xf32, #tpu.memory_space<vmem_shared>> -> memref<632x128xf32, #tpu.memory_space<vmem_shared>>
      tpu.wait_dma2 semaphore(%run_scoped3A : memref<!tpu.dma_semaphore, #tpu.memory_space<semaphore_mem>>) src(%dma_wait3A_20 : memref<632x128xf32, #tpu.memory_space<vmem_shared>>) dst(%dma_wait3A_18 : memref<632x128xf32, #tpu.memory_space<hbm>>)
      tpu.yield
    }) : () -> ()
    return
  }
}

#map = affine_map<(d0, d1) -> (0)>
module attributes {stable_mosaic.version = 14 : i64} {
  func.func @_sc_pre(%arg0: i32, %arg1: i32, %arg2: memref<160256xi32, #tpu.memory_space<hbm>>, %arg3: memref<10240xi32, #tpu.memory_space<hbm>>, %arg4: memref<323584xf32, #tpu.memory_space<hbm>>, %arg5: memref<2560xf32, #tpu.memory_space<hbm>>, %arg6: memref<5008xi32, #tpu.memory_space<vmem>>, %arg7: memref<320xi32, #tpu.memory_space<vmem>>, %arg8: memref<10112xf32, #tpu.memory_space<vmem>>, %arg9: memref<80xf32, #tpu.memory_space<vmem>>) attributes {dimension_semantics = [#tpu.dimension_semantics<core_parallel>, #tpu.dimension_semantics<subcore_parallel>], iteration_bounds = array<i64: 2, 16>, scalar_prefetch = 0 : i64, scratch_operands = 4 : i64, tpu.core_type = #tpu.core_type<sc_vector_subcore>, window_params = [{transform_indices = #map}, {transform_indices = #map}, {transform_indices = #map}, {transform_indices = #map}]} {
    %mul3A = arith.constant 2 : i32
    %mul3A_0 = arith.muli %arg1, %mul3A : i32
    %add3A = arith.addi %mul3A_0, %arg0 : i32
    %mul3A_1 = arith.constant 5008 : i32
    %mul3A_2 = arith.muli %add3A, %mul3A_1 : i32
    "tpu.region"() ({
      %run_scoped3A = tpu.sem_alloc : memref<!tpu.dma_semaphore, #tpu.memory_space<semaphore_mem>>
      %dma_start3A = tpu.memref_slice %arg2[%mul3A_2] : memref<160256xi32, #tpu.memory_space<hbm>> -> memref<5008xi32, #tpu.memory_space<hbm>>
      %dma_start3A_37 = tpu.memref_slice %arg2[%mul3A_2] : memref<160256xi32, #tpu.memory_space<hbm>> -> memref<5008xi32, #tpu.memory_space<hbm>>
      tpu.enqueue_dma source(%dma_start3A_37 : memref<5008xi32, #tpu.memory_space<hbm>>) target(%arg6 : memref<5008xi32, #tpu.memory_space<vmem>>) target_semaphore(%run_scoped3A : memref<!tpu.dma_semaphore, #tpu.memory_space<semaphore_mem>>)
      %dma_wait3A = tpu.memref_slice %arg2[%mul3A_2] : memref<160256xi32, #tpu.memory_space<hbm>> -> memref<5008xi32, #tpu.memory_space<hbm>>
      %dma_wait3A_38 = tpu.memref_slice %arg2[%mul3A_2] : memref<160256xi32, #tpu.memory_space<hbm>> -> memref<5008xi32, #tpu.memory_space<hbm>>
      tpu.wait_dma2 semaphore(%run_scoped3A : memref<!tpu.dma_semaphore, #tpu.memory_space<semaphore_mem>>) src(%dma_wait3A_38 : memref<5008xi32, #tpu.memory_space<hbm>>) dst(%arg6 : memref<5008xi32, #tpu.memory_space<vmem>>)
      tpu.yield
    }) : () -> ()
    %mul3A_3 = arith.constant 320 : i32
    %mul3A_4 = arith.muli %add3A, %mul3A_3 : i32
    "tpu.region"() ({
      %run_scoped3A = tpu.sem_alloc : memref<!tpu.dma_semaphore, #tpu.memory_space<semaphore_mem>>
      %dma_start3A = tpu.memref_slice %arg3[%mul3A_4] : memref<10240xi32, #tpu.memory_space<hbm>> -> memref<320xi32, #tpu.memory_space<hbm>>
      %dma_start3A_37 = tpu.memref_slice %arg3[%mul3A_4] : memref<10240xi32, #tpu.memory_space<hbm>> -> memref<320xi32, #tpu.memory_space<hbm>>
      tpu.enqueue_dma source(%dma_start3A_37 : memref<320xi32, #tpu.memory_space<hbm>>) target(%arg7 : memref<320xi32, #tpu.memory_space<vmem>>) target_semaphore(%run_scoped3A : memref<!tpu.dma_semaphore, #tpu.memory_space<semaphore_mem>>)
      %dma_wait3A = tpu.memref_slice %arg3[%mul3A_4] : memref<10240xi32, #tpu.memory_space<hbm>> -> memref<320xi32, #tpu.memory_space<hbm>>
      %dma_wait3A_38 = tpu.memref_slice %arg3[%mul3A_4] : memref<10240xi32, #tpu.memory_space<hbm>> -> memref<320xi32, #tpu.memory_space<hbm>>
      tpu.wait_dma2 semaphore(%run_scoped3A : memref<!tpu.dma_semaphore, #tpu.memory_space<semaphore_mem>>) src(%dma_wait3A_38 : memref<320xi32, #tpu.memory_space<hbm>>) dst(%arg7 : memref<320xi32, #tpu.memory_space<vmem>>)
      tpu.yield
    }) : () -> ()
    %scan3A = arith.constant 0 : i32
    %scan3A_5 = arith.constant 0 : i32
    %scan3A_6 = arith.constant 632 : i32
    %scan3A_7 = arith.addi %scan3A_5, %scan3A_6 : i32
    %scan3A_8 = arith.constant 1 : i32
    %scan3A_9 = scf.for %scan3A_37 = %scan3A_5 to %scan3A_7 step %scan3A_8 iter_args(%scan3A_38 = %scan3A) -> (i32)  : i32 {
      %broadcast_in_dim3A_39 = arith.constant 0.000000e+00 : f32
      %broadcast_in_dim3A_40 = vector.broadcast %broadcast_in_dim3A_39 : f32 to vector<16xf32>
      %mul3A_41 = arith.constant 16 : i32
      %mul3A_42 = arith.muli %scan3A_37, %mul3A_41 : i32
      %swap3A = arith.index_cast %mul3A_42 : i32 to index
      %swap3A_43 = tpu.vector_load %arg8[%swap3A] {strides = array<i32>} : memref<10112xf32, #tpu.memory_space<vmem>>, vector<16xf32>,
      tpu.vector_store %arg8[%swap3A], %broadcast_in_dim3A_40 {strides = array<i32>} : memref<10112xf32, #tpu.memory_space<vmem>>, vector<16xf32>,
      %scan3A_44 = arith.constant 0 : i32
      scf.yield %scan3A_44 : i32
    }
    %scan3A_10 = arith.constant 632 : i32
    %scan3A_11 = arith.constant 0 : i32
    %scan3A_12 = arith.constant 0 : i32
    %scan3A_13 = arith.constant 5 : i32
    %scan3A_14 = arith.addi %scan3A_12, %scan3A_13 : i32
    %scan3A_15 = arith.constant 1 : i32
    %scan3A_16 = scf.for %scan3A_37 = %scan3A_12 to %scan3A_14 step %scan3A_15 iter_args(%scan3A_38 = %scan3A_11) -> (i32)  : i32 {
      %broadcast_in_dim3A_39 = arith.constant 0.000000e+00 : f32
      %broadcast_in_dim3A_40 = vector.broadcast %broadcast_in_dim3A_39 : f32 to vector<16xf32>
      %mul3A_41 = arith.constant 16 : i32
      %mul3A_42 = arith.muli %scan3A_37, %mul3A_41 : i32
      %swap3A = arith.index_cast %mul3A_42 : i32 to index
      %swap3A_43 = tpu.vector_load %arg9[%swap3A] {strides = array<i32>} : memref<80xf32, #tpu.memory_space<vmem>>, vector<16xf32>,
      tpu.vector_store %arg9[%swap3A], %broadcast_in_dim3A_40 {strides = array<i32>} : memref<80xf32, #tpu.memory_space<vmem>>, vector<16xf32>,
      %scan3A_44 = arith.constant 0 : i32
      scf.yield %scan3A_44 : i32
    }
    %scan3A_17 = arith.constant 5 : i32
    %broadcast_in_dim3A = arith.constant 1.000000e+00 : f32
    %broadcast_in_dim3A_18 = vector.broadcast %broadcast_in_dim3A : f32 to vector<16xf32>
    %scan3A_19 = arith.constant 0 : i32
    %scan3A_20 = arith.constant 0 : i32
    %scan3A_21 = arith.constant 313 : i32
    %scan3A_22 = arith.addi %scan3A_20, %scan3A_21 : i32
    %scan3A_23 = arith.constant 1 : i32
    %scan3A_24 = scf.for %scan3A_37 = %scan3A_20 to %scan3A_22 step %scan3A_23 iter_args(%scan3A_38 = %scan3A_19) -> (i32)  : i32 {
      %mul3A_39 = arith.constant 16 : i32
      %mul3A_40 = arith.muli %scan3A_37, %mul3A_39 : i32
      %get3A = arith.index_cast %mul3A_40 : i32 to index
      %get3A_41 = tpu.vector_load %arg6[%get3A] {strides = array<i32>} : memref<5008xi32, #tpu.memory_space<vmem>>, vector<16xi32>,
      %ge3A = arith.constant 0 : i32
      %ge3A_42 = vector.broadcast %ge3A : i32 to vector<16xi32>
      %ge3A_43 = arith.cmpi sge, %get3A_41, %ge3A_42 : vector<16xi32>
      %jit3A = arith.constant 10000 : i32
      %broadcast_in_dim3A_44 = vector.broadcast %jit3A : i32 to vector<16xi32>
      %select_n3A = arith.select %ge3A_43, %get3A_41, %broadcast_in_dim3A_44 : vector<16xi1>, vector<16xi32>
      tpu.vector_store_idx %arg8[%select_n3A], %broadcast_in_dim3A_18 {add = true} : memref<10112xf32, #tpu.memory_space<vmem>>[vector<16xi32>], vector<16xf32>,
      %scan3A_45 = arith.constant 0 : i32
      scf.yield %scan3A_45 : i32
    }
    %scan3A_25 = arith.constant 313 : i32
    %scan3A_26 = arith.constant 0 : i32
    %scan3A_27 = arith.constant 0 : i32
    %scan3A_28 = arith.constant 20 : i32
    %scan3A_29 = arith.addi %scan3A_27, %scan3A_28 : i32
    %scan3A_30 = arith.constant 1 : i32
    %scan3A_31 = scf.for %scan3A_37 = %scan3A_27 to %scan3A_29 step %scan3A_30 iter_args(%scan3A_38 = %scan3A_26) -> (i32)  : i32 {
      %mul3A_39 = arith.constant 16 : i32
      %mul3A_40 = arith.muli %scan3A_37, %mul3A_39 : i32
      %get3A = arith.index_cast %mul3A_40 : i32 to index
      %get3A_41 = tpu.vector_load %arg7[%get3A] {strides = array<i32>} : memref<320xi32, #tpu.memory_space<vmem>>, vector<16xi32>,
      tpu.vector_store_idx %arg9[%get3A_41], %broadcast_in_dim3A_18 {add = true} : memref<80xf32, #tpu.memory_space<vmem>>[vector<16xi32>], vector<16xf32>,
      %scan3A_42 = arith.constant 0 : i32
      scf.yield %scan3A_42 : i32
    }
    %scan3A_32 = arith.constant 20 : i32
    %mul3A_33 = arith.constant 10112 : i32
    %mul3A_34 = arith.muli %add3A, %mul3A_33 : i32
    "tpu.region"() ({
      %run_scoped3A = tpu.sem_alloc : memref<!tpu.dma_semaphore, #tpu.memory_space<semaphore_mem>>
      %dma_start3A = tpu.memref_slice %arg4[%mul3A_34] : memref<323584xf32, #tpu.memory_space<hbm>> -> memref<10112xf32, #tpu.memory_space<hbm>>
      %dma_start3A_37 = tpu.memref_slice %arg4[%mul3A_34] : memref<323584xf32, #tpu.memory_space<hbm>> -> memref<10112xf32, #tpu.memory_space<hbm>>
      tpu.enqueue_dma source(%arg8 : memref<10112xf32, #tpu.memory_space<vmem>>) target(%dma_start3A_37 : memref<10112xf32, #tpu.memory_space<hbm>>) target_semaphore(%run_scoped3A : memref<!tpu.dma_semaphore, #tpu.memory_space<semaphore_mem>>)
      %dma_wait3A = tpu.memref_slice %arg4[%mul3A_34] : memref<323584xf32, #tpu.memory_space<hbm>> -> memref<10112xf32, #tpu.memory_space<hbm>>
      %dma_wait3A_38 = tpu.memref_slice %arg4[%mul3A_34] : memref<323584xf32, #tpu.memory_space<hbm>> -> memref<10112xf32, #tpu.memory_space<hbm>>
      tpu.wait_dma2 semaphore(%run_scoped3A : memref<!tpu.dma_semaphore, #tpu.memory_space<semaphore_mem>>) src(%arg8 : memref<10112xf32, #tpu.memory_space<vmem>>) dst(%dma_wait3A_38 : memref<10112xf32, #tpu.memory_space<hbm>>)
      tpu.yield
    }) : () -> ()
    %mul3A_35 = arith.constant 80 : i32
    %mul3A_36 = arith.muli %add3A, %mul3A_35 : i32
    "tpu.region"() ({
      %run_scoped3A = tpu.sem_alloc : memref<!tpu.dma_semaphore, #tpu.memory_space<semaphore_mem>>
      %dma_start3A = tpu.memref_slice %arg5[%mul3A_36] : memref<2560xf32, #tpu.memory_space<hbm>> -> memref<80xf32, #tpu.memory_space<hbm>>
      %dma_start3A_37 = tpu.memref_slice %arg5[%mul3A_36] : memref<2560xf32, #tpu.memory_space<hbm>> -> memref<80xf32, #tpu.memory_space<hbm>>
      tpu.enqueue_dma source(%arg9 : memref<80xf32, #tpu.memory_space<vmem>>) target(%dma_start3A_37 : memref<80xf32, #tpu.memory_space<hbm>>) target_semaphore(%run_scoped3A : memref<!tpu.dma_semaphore, #tpu.memory_space<semaphore_mem>>)
      %dma_wait3A = tpu.memref_slice %arg5[%mul3A_36] : memref<2560xf32, #tpu.memory_space<hbm>> -> memref<80xf32, #tpu.memory_space<hbm>>
      %dma_wait3A_38 = tpu.memref_slice %arg5[%mul3A_36] : memref<2560xf32, #tpu.memory_space<hbm>> -> memref<80xf32, #tpu.memory_space<hbm>>
      tpu.wait_dma2 semaphore(%run_scoped3A : memref<!tpu.dma_semaphore, #tpu.memory_space<semaphore_mem>>) src(%arg9 : memref<80xf32, #tpu.memory_space<vmem>>) dst(%dma_wait3A_38 : memref<80xf32, #tpu.memory_space<hbm>>)
      tpu.yield
    }) : () -> ()
    return
  }
}

#map = affine_map<(d0, d1) -> (0, 0)>
#map1 = affine_map<(d0, d1) -> (0, 0, 0)>
module attributes {stable_mosaic.version = 14 : i64} {
  func.func @_sc_agg(%arg0: i32, %arg1: i32, %arg2: memref<10000x128xf32, #tpu.memory_space<hbm>>, %arg3: memref<10000x128xf32, #tpu.memory_space<hbm>>, %arg4: memref<16x80x128xi32, #tpu.memory_space<hbm>>, %arg5: memref<16x80x128xi32, #tpu.memory_space<hbm>>, %arg6: memref<632x128xf32, #tpu.memory_space<hbm>>, %arg7: memref<2x10112x128xf32, #tpu.memory_space<hbm>>, %arg8: memref<40x128xi32, #tpu.memory_space<vmem>>, %arg9: memref<40x128xi32, #tpu.memory_space<vmem>>, %arg10: memref<128x128xf32, #tpu.memory_space<vmem>>, %arg11: memref<128x128xf32, #tpu.memory_space<vmem>>, %arg12: memref<10112x128xf32, #tpu.memory_space<vmem_shared>>, %arg13: memref<!tpu.dma_semaphore, #tpu.memory_space<semaphore_mem>>, %arg14: memref<!tpu.dma_semaphore, #tpu.memory_space<semaphore_mem>>) attributes {dimension_semantics = [#tpu.dimension_semantics<core_parallel>, #tpu.dimension_semantics<subcore_parallel>], iteration_bounds = array<i64: 2, 16>, scalar_prefetch = 0 : i64, scratch_operands = 7 : i64, tpu.core_type = #tpu.core_type<sc_vector_subcore>, window_params = [{transform_indices = #map}, {transform_indices = #map}, {transform_indices = #map1}, {transform_indices = #map1}, {transform_indices = #map}, {transform_indices = #map1}]} {
    %mul3A = arith.constant 632 : i32
    %mul3A_0 = arith.muli %arg1, %mul3A : i32
    "tpu.region"() ({
      %run_scoped3A = tpu.sem_alloc : memref<!tpu.dma_semaphore, #tpu.memory_space<semaphore_mem>>
      %dma_start3A = arith.constant 0 : i32
      %dma_start3A_13 = tpu.memref_slice %arg12[%mul3A_0, %dma_start3A] : memref<10112x128xf32, #tpu.memory_space<vmem_shared>> -> memref<632x128xf32, #tpu.memory_space<vmem_shared>>
      %dma_start3A_14 = arith.constant 0 : i32
      %dma_start3A_15 = arith.constant 0 : i32
      %dma_start3A_16 = tpu.memref_slice %arg6[%dma_start3A_14, %dma_start3A_15] : memref<632x128xf32, #tpu.memory_space<hbm>> -> memref<632x128xf32, #tpu.memory_space<hbm>>
      tpu.enqueue_dma source(%dma_start3A_16 : memref<632x128xf32, #tpu.memory_space<hbm>>) target(%dma_start3A_13 : memref<632x128xf32, #tpu.memory_space<vmem_shared>>) target_semaphore(%run_scoped3A : memref<!tpu.dma_semaphore, #tpu.memory_space<semaphore_mem>>)
      %dma_wait3A = arith.constant 0 : i32
      %dma_wait3A_17 = tpu.memref_slice %arg12[%mul3A_0, %dma_wait3A] : memref<10112x128xf32, #tpu.memory_space<vmem_shared>> -> memref<632x128xf32, #tpu.memory_space<vmem_shared>>
      %dma_wait3A_18 = arith.constant 0 : i32
      %dma_wait3A_19 = arith.constant 0 : i32
      %dma_wait3A_20 = tpu.memref_slice %arg6[%dma_wait3A_18, %dma_wait3A_19] : memref<632x128xf32, #tpu.memory_space<hbm>> -> memref<632x128xf32, #tpu.memory_space<hbm>>
      tpu.wait_dma2 semaphore(%run_scoped3A : memref<!tpu.dma_semaphore, #tpu.memory_space<semaphore_mem>>) src(%dma_wait3A_20 : memref<632x128xf32, #tpu.memory_space<hbm>>) dst(%dma_wait3A_17 : memref<632x128xf32, #tpu.memory_space<vmem_shared>>)
      tpu.yield
    }) : () -> ()
    %barrier3A = arith.constant 0 : index
    tpu.barrier barrier_id(%barrier3A)
    %eq3A = arith.constant 0 : i32
    %eq3A_1 = arith.cmpi eq, %arg0, %eq3A : i32
    %convert_element_type3A = arith.extui %eq3A_1 : i1 to i32
    %cond3A = arith.constant 0 : i32
    %cond3A_2 = arith.cmpi ne, %convert_element_type3A, %cond3A : i32
    scf.if %cond3A_2 {
      "tpu.region"() ({
        %run_scoped3A_83 = tpu.sem_alloc : memref<!tpu.dma_semaphore, #tpu.memory_space<semaphore_mem>>
        %dma_start3A_84 = arith.constant 0 : i32
        %dma_start3A_85 = arith.constant 0 : i32
        %dma_start3A_86 = tpu.memref_slice %arg4[%arg1, %dma_start3A_84, %dma_start3A_85] : memref<16x80x128xi32, #tpu.memory_space<hbm>> -> memref<1x40x128xi32, #tpu.memory_space<hbm>>
        %dma_start3A_87 = tpu.memref_squeeze %dma_start3A_86 : memref<1x40x128xi32, #tpu.memory_space<hbm>> -> memref<40x128xi32, #tpu.memory_space<hbm>>
        %dma_start3A_88 = arith.constant 0 : i32
        %dma_start3A_89 = arith.constant 0 : i32
        %dma_start3A_90 = tpu.memref_slice %arg4[%arg1, %dma_start3A_88, %dma_start3A_89] : memref<16x80x128xi32, #tpu.memory_space<hbm>> -> memref<1x40x128xi32, #tpu.memory_space<hbm>>
        %dma_start3A_91 = tpu.memref_squeeze %dma_start3A_90 : memref<1x40x128xi32, #tpu.memory_space<hbm>> -> memref<40x128xi32, #tpu.memory_space<hbm>>
        tpu.enqueue_dma source(%dma_start3A_91 : memref<40x128xi32, #tpu.memory_space<hbm>>) target(%arg8 : memref<40x128xi32, #tpu.memory_space<vmem>>) target_semaphore(%run_scoped3A_83 : memref<!tpu.dma_semaphore, #tpu.memory_space<semaphore_mem>>)
        %dma_wait3A_92 = arith.constant 0 : i32
        %dma_wait3A_93 = arith.constant 0 : i32
        %dma_wait3A_94 = tpu.memref_slice %arg4[%arg1, %dma_wait3A_92, %dma_wait3A_93] : memref<16x80x128xi32, #tpu.memory_space<hbm>> -> memref<1x40x128xi32, #tpu.memory_space<hbm>>
        %dma_wait3A_95 = tpu.memref_squeeze %dma_wait3A_94 : memref<1x40x128xi32, #tpu.memory_space<hbm>> -> memref<40x128xi32, #tpu.memory_space<hbm>>
        %dma_wait3A_96 = arith.constant 0 : i32
        %dma_wait3A_97 = arith.constant 0 : i32
        %dma_wait3A_98 = tpu.memref_slice %arg4[%arg1, %dma_wait3A_96, %dma_wait3A_97] : memref<16x80x128xi32, #tpu.memory_space<hbm>> -> memref<1x40x128xi32, #tpu.memory_space<hbm>>
        %dma_wait3A_99 = tpu.memref_squeeze %dma_wait3A_98 : memref<1x40x128xi32, #tpu.memory_space<hbm>> -> memref<40x128xi32, #tpu.memory_space<hbm>>
        tpu.wait_dma2 semaphore(%run_scoped3A_83 : memref<!tpu.dma_semaphore, #tpu.memory_space<semaphore_mem>>) src(%dma_wait3A_99 : memref<40x128xi32, #tpu.memory_space<hbm>>) dst(%arg8 : memref<40x128xi32, #tpu.memory_space<vmem>>)
        tpu.yield
      }) : () -> ()
      "tpu.region"() ({
        %run_scoped3A_83 = tpu.sem_alloc : memref<!tpu.dma_semaphore, #tpu.memory_space<semaphore_mem>>
        %dma_start3A_84 = arith.constant 0 : i32
        %dma_start3A_85 = arith.constant 0 : i32
        %dma_start3A_86 = tpu.memref_slice %arg5[%arg1, %dma_start3A_84, %dma_start3A_85] : memref<16x80x128xi32, #tpu.memory_space<hbm>> -> memref<1x40x128xi32, #tpu.memory_space<hbm>>
        %dma_start3A_87 = tpu.memref_squeeze %dma_start3A_86 : memref<1x40x128xi32, #tpu.memory_space<hbm>> -> memref<40x128xi32, #tpu.memory_space<hbm>>
        %dma_start3A_88 = arith.constant 0 : i32
        %dma_start3A_89 = arith.constant 0 : i32
        %dma_start3A_90 = tpu.memref_slice %arg5[%arg1, %dma_start3A_88, %dma_start3A_89] : memref<16x80x128xi32, #tpu.memory_space<hbm>> -> memref<1x40x128xi32, #tpu.memory_space<hbm>>
        %dma_start3A_91 = tpu.memref_squeeze %dma_start3A_90 : memref<1x40x128xi32, #tpu.memory_space<hbm>> -> memref<40x128xi32, #tpu.memory_space<hbm>>
        tpu.enqueue_dma source(%dma_start3A_91 : memref<40x128xi32, #tpu.memory_space<hbm>>) target(%arg9 : memref<40x128xi32, #tpu.memory_space<vmem>>) target_semaphore(%run_scoped3A_83 : memref<!tpu.dma_semaphore, #tpu.memory_space<semaphore_mem>>)
        %dma_wait3A_92 = arith.constant 0 : i32
        %dma_wait3A_93 = arith.constant 0 : i32
        %dma_wait3A_94 = tpu.memref_slice %arg5[%arg1, %dma_wait3A_92, %dma_wait3A_93] : memref<16x80x128xi32, #tpu.memory_space<hbm>> -> memref<1x40x128xi32, #tpu.memory_space<hbm>>
        %dma_wait3A_95 = tpu.memref_squeeze %dma_wait3A_94 : memref<1x40x128xi32, #tpu.memory_space<hbm>> -> memref<40x128xi32, #tpu.memory_space<hbm>>
        %dma_wait3A_96 = arith.constant 0 : i32
        %dma_wait3A_97 = arith.constant 0 : i32
        %dma_wait3A_98 = tpu.memref_slice %arg5[%arg1, %dma_wait3A_96, %dma_wait3A_97] : memref<16x80x128xi32, #tpu.memory_space<hbm>> -> memref<1x40x128xi32, #tpu.memory_space<hbm>>
        %dma_wait3A_99 = tpu.memref_squeeze %dma_wait3A_98 : memref<1x40x128xi32, #tpu.memory_space<hbm>> -> memref<40x128xi32, #tpu.memory_space<hbm>>
        tpu.wait_dma2 semaphore(%run_scoped3A_83 : memref<!tpu.dma_semaphore, #tpu.memory_space<semaphore_mem>>) src(%dma_wait3A_99 : memref<40x128xi32, #tpu.memory_space<hbm>>) dst(%arg9 : memref<40x128xi32, #tpu.memory_space<vmem>>)
        tpu.yield
      }) : () -> ()
      %dma_start3A = arith.constant 0 : i32
      %dma_start3A_13 = arith.constant 0 : i32
      %dma_start3A_14 = tpu.memref_slice %arg8[%dma_start3A, %dma_start3A_13] : memref<40x128xi32, #tpu.memory_space<vmem>> -> memref<1x128xi32, #tpu.memory_space<vmem>>
      %dma_start3A_15 = tpu.memref_squeeze %dma_start3A_14 : memref<1x128xi32, #tpu.memory_space<vmem>> -> memref<128xi32, #tpu.memory_space<vmem>>
      %dma_start3A_16 = arith.constant 0 : i32
      %dma_start3A_17 = arith.constant 0 : i32
      %dma_start3A_18 = tpu.memref_slice %arg2[%dma_start3A_16, %dma_start3A_17] : memref<10000x128xf32, #tpu.memory_space<hbm>> -> memref<10000x128xf32, #tpu.memory_space<hbm>>
      tpu.enqueue_indirect_dma source(%dma_start3A_18 : memref<10000x128xf32, #tpu.memory_space<hbm>>) target(%arg10 : memref<128x128xf32, #tpu.memory_space<vmem>>) offsets(%dma_start3A_15 : memref<128xi32, #tpu.memory_space<vmem>>) semaphore(%arg13 : memref<!tpu.dma_semaphore, #tpu.memory_space<semaphore_mem>>)
      %dma_start3A_19 = arith.constant 1 : i32
      %dma_start3A_20 = arith.constant 0 : i32
      %dma_start3A_21 = tpu.memref_slice %arg8[%dma_start3A_19, %dma_start3A_20] : memref<40x128xi32, #tpu.memory_space<vmem>> -> memref<1x128xi32, #tpu.memory_space<vmem>>
      %dma_start3A_22 = tpu.memref_squeeze %dma_start3A_21 : memref<1x128xi32, #tpu.memory_space<vmem>> -> memref<128xi32, #tpu.memory_space<vmem>>
      %dma_start3A_23 = arith.constant 0 : i32
      %dma_start3A_24 = arith.constant 0 : i32
      %dma_start3A_25 = tpu.memref_slice %arg2[%dma_start3A_23, %dma_start3A_24] : memref<10000x128xf32, #tpu.memory_space<hbm>> -> memref<10000x128xf32, #tpu.memory_space<hbm>>
      tpu.enqueue_indirect_dma source(%dma_start3A_25 : memref<10000x128xf32, #tpu.memory_space<hbm>>) target(%arg11 : memref<128x128xf32, #tpu.memory_space<vmem>>) offsets(%dma_start3A_22 : memref<128xi32, #tpu.memory_space<vmem>>) semaphore(%arg14 : memref<!tpu.dma_semaphore, #tpu.memory_space<semaphore_mem>>)
      %scan3A = arith.constant 0 : i32
      %scan3A_26 = arith.constant 0 : i32
      %scan3A_27 = arith.constant 19 : i32
      %scan3A_28 = arith.addi %scan3A_26, %scan3A_27 : i32
      %scan3A_29 = arith.constant 1 : i32
      %scan3A_30 = scf.for %scan3A_83 = %scan3A_26 to %scan3A_28 step %scan3A_29 iter_args(%scan3A_84 = %scan3A) -> (i32)  : i32 {
        %mul3A_85 = arith.constant 2 : i32
        %mul3A_86 = arith.muli %mul3A_85, %scan3A_83 : i32
        %dma_wait3A_87 = arith.constant 0 : i32
        %dma_wait3A_88 = tpu.memref_slice %arg8[%mul3A_86, %dma_wait3A_87] : memref<40x128xi32, #tpu.memory_space<vmem>> -> memref<1x128xi32, #tpu.memory_space<vmem>>
        %dma_wait3A_89 = tpu.memref_squeeze %dma_wait3A_88 : memref<1x128xi32, #tpu.memory_space<vmem>> -> memref<128xi32, #tpu.memory_space<vmem>>
        %dma_wait3A_90 = arith.constant 0 : i32
        %dma_wait3A_91 = arith.constant 0 : i32
        %dma_wait3A_92 = tpu.memref_slice %arg2[%dma_wait3A_90, %dma_wait3A_91] : memref<10000x128xf32, #tpu.memory_space<hbm>> -> memref<10000x128xf32, #tpu.memory_space<hbm>>
        tpu.wait_indirect_dma semaphore(%arg13 : memref<!tpu.dma_semaphore, #tpu.memory_space<semaphore_mem>>) src(%dma_wait3A_92 : memref<10000x128xf32, #tpu.memory_space<hbm>>) dst(%arg10 : memref<128x128xf32, #tpu.memory_space<vmem>>)
        "tpu.region"() ({
          %run_scoped3A_119 = tpu.sem_alloc : memref<!tpu.dma_semaphore, #tpu.memory_space<semaphore_mem>>
          %dma_start3A_120 = arith.constant 0 : i32
          %dma_start3A_121 = tpu.memref_slice %arg9[%mul3A_86, %dma_start3A_120] : memref<40x128xi32, #tpu.memory_space<vmem>> -> memref<1x128xi32, #tpu.memory_space<vmem>>
          %dma_start3A_122 = tpu.memref_squeeze %dma_start3A_121 : memref<1x128xi32, #tpu.memory_space<vmem>> -> memref<128xi32, #tpu.memory_space<vmem>>
          %dma_start3A_123 = arith.constant 0 : i32
          %dma_start3A_124 = arith.constant 0 : i32
          %dma_start3A_125 = tpu.memref_slice %arg12[%dma_start3A_123, %dma_start3A_124] : memref<10112x128xf32, #tpu.memory_space<vmem_shared>> -> memref<10112x128xf32, #tpu.memory_space<vmem_shared>>
          tpu.enqueue_indirect_dma source(%arg10 : memref<128x128xf32, #tpu.memory_space<vmem>>) target(%dma_start3A_125 : memref<10112x128xf32, #tpu.memory_space<vmem_shared>>) offsets(%dma_start3A_122 : memref<128xi32, #tpu.memory_space<vmem>>) semaphore(%run_scoped3A_119 : memref<!tpu.dma_semaphore, #tpu.memory_space<semaphore_mem>>) {add = true}
          %dma_wait3A_126 = arith.constant 0 : i32
          %dma_wait3A_127 = tpu.memref_slice %arg9[%mul3A_86, %dma_wait3A_126] : memref<40x128xi32, #tpu.memory_space<vmem>> -> memref<1x128xi32, #tpu.memory_space<vmem>>
          %dma_wait3A_128 = tpu.memref_squeeze %dma_wait3A_127 : memref<1x128xi32, #tpu.memory_space<vmem>> -> memref<128xi32, #tpu.memory_space<vmem>>
          %dma_wait3A_129 = arith.constant 0 : i32
          %dma_wait3A_130 = arith.constant 0 : i32
          %dma_wait3A_131 = tpu.memref_slice %arg12[%dma_wait3A_129, %dma_wait3A_130] : memref<10112x128xf32, #tpu.memory_space<vmem_shared>> -> memref<10112x128xf32, #tpu.memory_space<vmem_shared>>
          tpu.wait_indirect_dma semaphore(%run_scoped3A_119 : memref<!tpu.dma_semaphore, #tpu.memory_space<semaphore_mem>>) src(%arg10 : memref<128x128xf32, #tpu.memory_space<vmem>>) dst(%dma_wait3A_131 : memref<10112x128xf32, #tpu.memory_space<vmem_shared>>)
          tpu.yield
        }) : () -> ()
        %add3A = arith.constant 2 : i32
        %add3A_93 = arith.addi %mul3A_86, %add3A : i32
        %dma_start3A_94 = arith.constant 0 : i32
        %dma_start3A_95 = tpu.memref_slice %arg8[%add3A_93, %dma_start3A_94] : memref<40x128xi32, #tpu.memory_space<vmem>> -> memref<1x128xi32, #tpu.memory_space<vmem>>
        %dma_start3A_96 = tpu.memref_squeeze %dma_start3A_95 : memref<1x128xi32, #tpu.memory_space<vmem>> -> memref<128xi32, #tpu.memory_space<vmem>>
        %dma_start3A_97 = arith.constant 0 : i32
        %dma_start3A_98 = arith.constant 0 : i32
        %dma_start3A_99 = tpu.memref_slice %arg2[%dma_start3A_97, %dma_start3A_98] : memref<10000x128xf32, #tpu.memory_space<hbm>> -> memref<10000x128xf32, #tpu.memory_space<hbm>>
        tpu.enqueue_indirect_dma source(%dma_start3A_99 : memref<10000x128xf32, #tpu.memory_space<hbm>>) target(%arg10 : memref<128x128xf32, #tpu.memory_space<vmem>>) offsets(%dma_start3A_96 : memref<128xi32, #tpu.memory_space<vmem>>) semaphore(%arg13 : memref<!tpu.dma_semaphore, #tpu.memory_space<semaphore_mem>>)
        %mul3A_100 = arith.constant 2 : i32
        %mul3A_101 = arith.muli %mul3A_100, %scan3A_83 : i32
        %add3A_102 = arith.constant 1 : i32
        %add3A_103 = arith.addi %mul3A_101, %add3A_102 : i32
        %dma_wait3A_104 = arith.constant 0 : i32
        %dma_wait3A_105 = tpu.memref_slice %arg8[%add3A_103, %dma_wait3A_104] : memref<40x128xi32, #tpu.memory_space<vmem>> -> memref<1x128xi32, #tpu.memory_space<vmem>>
        %dma_wait3A_106 = tpu.memref_squeeze %dma_wait3A_105 : memref<1x128xi32, #tpu.memory_space<vmem>> -> memref<128xi32, #tpu.memory_space<vmem>>
        %dma_wait3A_107 = arith.constant 0 : i32
        %dma_wait3A_108 = arith.constant 0 : i32
        %dma_wait3A_109 = tpu.memref_slice %arg2[%dma_wait3A_107, %dma_wait3A_108] : memref<10000x128xf32, #tpu.memory_space<hbm>> -> memref<10000x128xf32, #tpu.memory_space<hbm>>
        tpu.wait_indirect_dma semaphore(%arg14 : memref<!tpu.dma_semaphore, #tpu.memory_space<semaphore_mem>>) src(%dma_wait3A_109 : memref<10000x128xf32, #tpu.memory_space<hbm>>) dst(%arg11 : memref<128x128xf32, #tpu.memory_space<vmem>>)
        "tpu.region"() ({
          %run_scoped3A_119 = tpu.sem_alloc : memref<!tpu.dma_semaphore, #tpu.memory_space<semaphore_mem>>
          %dma_start3A_120 = arith.constant 0 : i32
          %dma_start3A_121 = tpu.memref_slice %arg9[%add3A_103, %dma_start3A_120] : memref<40x128xi32, #tpu.memory_space<vmem>> -> memref<1x128xi32, #tpu.memory_space<vmem>>
          %dma_start3A_122 = tpu.memref_squeeze %dma_start3A_121 : memref<1x128xi32, #tpu.memory_space<vmem>> -> memref<128xi32, #tpu.memory_space<vmem>>
          %dma_start3A_123 = arith.constant 0 : i32
          %dma_start3A_124 = arith.constant 0 : i32
          %dma_start3A_125 = tpu.memref_slice %arg12[%dma_start3A_123, %dma_start3A_124] : memref<10112x128xf32, #tpu.memory_space<vmem_shared>> -> memref<10112x128xf32, #tpu.memory_space<vmem_shared>>
          tpu.enqueue_indirect_dma source(%arg11 : memref<128x128xf32, #tpu.memory_space<vmem>>) target(%dma_start3A_125 : memref<10112x128xf32, #tpu.memory_space<vmem_shared>>) offsets(%dma_start3A_122 : memref<128xi32, #tpu.memory_space<vmem>>) semaphore(%run_scoped3A_119 : memref<!tpu.dma_semaphore, #tpu.memory_space<semaphore_mem>>) {add = true}
          %dma_wait3A_126 = arith.constant 0 : i32
          %dma_wait3A_127 = tpu.memref_slice %arg9[%add3A_103, %dma_wait3A_126] : memref<40x128xi32, #tpu.memory_space<vmem>> -> memref<1x128xi32, #tpu.memory_space<vmem>>
          %dma_wait3A_128 = tpu.memref_squeeze %dma_wait3A_127 : memref<1x128xi32, #tpu.memory_space<vmem>> -> memref<128xi32, #tpu.memory_space<vmem>>
          %dma_wait3A_129 = arith.constant 0 : i32
          %dma_wait3A_130 = arith.constant 0 : i32
          %dma_wait3A_131 = tpu.memref_slice %arg12[%dma_wait3A_129, %dma_wait3A_130] : memref<10112x128xf32, #tpu.memory_space<vmem_shared>> -> memref<10112x128xf32, #tpu.memory_space<vmem_shared>>
          tpu.wait_indirect_dma semaphore(%run_scoped3A_119 : memref<!tpu.dma_semaphore, #tpu.memory_space<semaphore_mem>>) src(%arg11 : memref<128x128xf32, #tpu.memory_space<vmem>>) dst(%dma_wait3A_131 : memref<10112x128xf32, #tpu.memory_space<vmem_shared>>)
          tpu.yield
        }) : () -> ()
        %add3A_110 = arith.constant 2 : i32
        %add3A_111 = arith.addi %add3A_103, %add3A_110 : i32
        %dma_start3A_112 = arith.constant 0 : i32
        %dma_start3A_113 = tpu.memref_slice %arg8[%add3A_111, %dma_start3A_112] : memref<40x128xi32, #tpu.memory_space<vmem>> -> memref<1x128xi32, #tpu.memory_space<vmem>>
        %dma_start3A_114 = tpu.memref_squeeze %dma_start3A_113 : memref<1x128xi32, #tpu.memory_space<vmem>> -> memref<128xi32, #tpu.memory_space<vmem>>
        %dma_start3A_115 = arith.constant 0 : i32
        %dma_start3A_116 = arith.constant 0 : i32
        %dma_start3A_117 = tpu.memref_slice %arg2[%dma_start3A_115, %dma_start3A_116] : memref<10000x128xf32, #tpu.memory_space<hbm>> -> memref<10000x128xf32, #tpu.memory_space<hbm>>
        tpu.enqueue_indirect_dma source(%dma_start3A_117 : memref<10000x128xf32, #tpu.memory_space<hbm>>) target(%arg11 : memref<128x128xf32, #tpu.memory_space<vmem>>) offsets(%dma_start3A_114 : memref<128xi32, #tpu.memory_space<vmem>>) semaphore(%arg14 : memref<!tpu.dma_semaphore, #tpu.memory_space<semaphore_mem>>)
        %scan3A_118 = arith.constant 0 : i32
        scf.yield %scan3A_118 : i32
      }
      %scan3A_31 = arith.constant 19 : i32
      %dma_wait3A = arith.constant 38 : i32
      %dma_wait3A_32 = arith.constant 0 : i32
      %dma_wait3A_33 = tpu.memref_slice %arg8[%dma_wait3A, %dma_wait3A_32] : memref<40x128xi32, #tpu.memory_space<vmem>> -> memref<1x128xi32, #tpu.memory_space<vmem>>
      %dma_wait3A_34 = tpu.memref_squeeze %dma_wait3A_33 : memref<1x128xi32, #tpu.memory_space<vmem>> -> memref<128xi32, #tpu.memory_space<vmem>>
      %dma_wait3A_35 = arith.constant 0 : i32
      %dma_wait3A_36 = arith.constant 0 : i32
      %dma_wait3A_37 = tpu.memref_slice %arg2[%dma_wait3A_35, %dma_wait3A_36] : memref<10000x128xf32, #tpu.memory_space<hbm>> -> memref<10000x128xf32, #tpu.memory_space<hbm>>
      tpu.wait_indirect_dma semaphore(%arg13 : memref<!tpu.dma_semaphore, #tpu.memory_space<semaphore_mem>>) src(%dma_wait3A_37 : memref<10000x128xf32, #tpu.memory_space<hbm>>) dst(%arg10 : memref<128x128xf32, #tpu.memory_space<vmem>>)
      %run_scoped3A = arith.constant 38 : i32
      "tpu.region"() ({
        %run_scoped3A_83 = tpu.sem_alloc : memref<!tpu.dma_semaphore, #tpu.memory_space<semaphore_mem>>
        %dma_start3A_84 = arith.constant 0 : i32
        %dma_start3A_85 = tpu.memref_slice %arg9[%run_scoped3A, %dma_start3A_84] : memref<40x128xi32, #tpu.memory_space<vmem>> -> memref<1x128xi32, #tpu.memory_space<vmem>>
        %dma_start3A_86 = tpu.memref_squeeze %dma_start3A_85 : memref<1x128xi32, #tpu.memory_space<vmem>> -> memref<128xi32, #tpu.memory_space<vmem>>
        %dma_start3A_87 = arith.constant 0 : i32
        %dma_start3A_88 = arith.constant 0 : i32
        %dma_start3A_89 = tpu.memref_slice %arg12[%dma_start3A_87, %dma_start3A_88] : memref<10112x128xf32, #tpu.memory_space<vmem_shared>> -> memref<10112x128xf32, #tpu.memory_space<vmem_shared>>
        tpu.enqueue_indirect_dma source(%arg10 : memref<128x128xf32, #tpu.memory_space<vmem>>) target(%dma_start3A_89 : memref<10112x128xf32, #tpu.memory_space<vmem_shared>>) offsets(%dma_start3A_86 : memref<128xi32, #tpu.memory_space<vmem>>) semaphore(%run_scoped3A_83 : memref<!tpu.dma_semaphore, #tpu.memory_space<semaphore_mem>>) {add = true}
        %dma_wait3A_90 = arith.constant 0 : i32
        %dma_wait3A_91 = tpu.memref_slice %arg9[%run_scoped3A, %dma_wait3A_90] : memref<40x128xi32, #tpu.memory_space<vmem>> -> memref<1x128xi32, #tpu.memory_space<vmem>>
        %dma_wait3A_92 = tpu.memref_squeeze %dma_wait3A_91 : memref<1x128xi32, #tpu.memory_space<vmem>> -> memref<128xi32, #tpu.memory_space<vmem>>
        %dma_wait3A_93 = arith.constant 0 : i32
        %dma_wait3A_94 = arith.constant 0 : i32
        %dma_wait3A_95 = tpu.memref_slice %arg12[%dma_wait3A_93, %dma_wait3A_94] : memref<10112x128xf32, #tpu.memory_space<vmem_shared>> -> memref<10112x128xf32, #tpu.memory_space<vmem_shared>>
        tpu.wait_indirect_dma semaphore(%run_scoped3A_83 : memref<!tpu.dma_semaphore, #tpu.memory_space<semaphore_mem>>) src(%arg10 : memref<128x128xf32, #tpu.memory_space<vmem>>) dst(%dma_wait3A_95 : memref<10112x128xf32, #tpu.memory_space<vmem_shared>>)
        tpu.yield
      }) : () -> ()
      %dma_wait3A_38 = arith.constant 39 : i32
      %dma_wait3A_39 = arith.constant 0 : i32
      %dma_wait3A_40 = tpu.memref_slice %arg8[%dma_wait3A_38, %dma_wait3A_39] : memref<40x128xi32, #tpu.memory_space<vmem>> -> memref<1x128xi32, #tpu.memory_space<vmem>>
      %dma_wait3A_41 = tpu.memref_squeeze %dma_wait3A_40 : memref<1x128xi32, #tpu.memory_space<vmem>> -> memref<128xi32, #tpu.memory_space<vmem>>
      %dma_wait3A_42 = arith.constant 0 : i32
      %dma_wait3A_43 = arith.constant 0 : i32
      %dma_wait3A_44 = tpu.memref_slice %arg2[%dma_wait3A_42, %dma_wait3A_43] : memref<10000x128xf32, #tpu.memory_space<hbm>> -> memref<10000x128xf32, #tpu.memory_space<hbm>>
      tpu.wait_indirect_dma semaphore(%arg14 : memref<!tpu.dma_semaphore, #tpu.memory_space<semaphore_mem>>) src(%dma_wait3A_44 : memref<10000x128xf32, #tpu.memory_space<hbm>>) dst(%arg11 : memref<128x128xf32, #tpu.memory_space<vmem>>)
      %run_scoped3A_45 = arith.constant 39 : i32
      "tpu.region"() ({
        %run_scoped3A_83 = tpu.sem_alloc : memref<!tpu.dma_semaphore, #tpu.memory_space<semaphore_mem>>
        %dma_start3A_84 = arith.constant 0 : i32
        %dma_start3A_85 = tpu.memref_slice %arg9[%run_scoped3A_45, %dma_start3A_84] : memref<40x128xi32, #tpu.memory_space<vmem>> -> memref<1x128xi32, #tpu.memory_space<vmem>>
        %dma_start3A_86 = tpu.memref_squeeze %dma_start3A_85 : memref<1x128xi32, #tpu.memory_space<vmem>> -> memref<128xi32, #tpu.memory_space<vmem>>
        %dma_start3A_87 = arith.constant 0 : i32
        %dma_start3A_88 = arith.constant 0 : i32
        %dma_start3A_89 = tpu.memref_slice %arg12[%dma_start3A_87, %dma_start3A_88] : memref<10112x128xf32, #tpu.memory_space<vmem_shared>> -> memref<10112x128xf32, #tpu.memory_space<vmem_shared>>
        tpu.enqueue_indirect_dma source(%arg11 : memref<128x128xf32, #tpu.memory_space<vmem>>) target(%dma_start3A_89 : memref<10112x128xf32, #tpu.memory_space<vmem_shared>>) offsets(%dma_start3A_86 : memref<128xi32, #tpu.memory_space<vmem>>) semaphore(%run_scoped3A_83 : memref<!tpu.dma_semaphore, #tpu.memory_space<semaphore_mem>>) {add = true}
        %dma_wait3A_90 = arith.constant 0 : i32
        %dma_wait3A_91 = tpu.memref_slice %arg9[%run_scoped3A_45, %dma_wait3A_90] : memref<40x128xi32, #tpu.memory_space<vmem>> -> memref<1x128xi32, #tpu.memory_space<vmem>>
        %dma_wait3A_92 = tpu.memref_squeeze %dma_wait3A_91 : memref<1x128xi32, #tpu.memory_space<vmem>> -> memref<128xi32, #tpu.memory_space<vmem>>
        %dma_wait3A_93 = arith.constant 0 : i32
        %dma_wait3A_94 = arith.constant 0 : i32
        %dma_wait3A_95 = tpu.memref_slice %arg12[%dma_wait3A_93, %dma_wait3A_94] : memref<10112x128xf32, #tpu.memory_space<vmem_shared>> -> memref<10112x128xf32, #tpu.memory_space<vmem_shared>>
        tpu.wait_indirect_dma semaphore(%run_scoped3A_83 : memref<!tpu.dma_semaphore, #tpu.memory_space<semaphore_mem>>) src(%arg11 : memref<128x128xf32, #tpu.memory_space<vmem>>) dst(%dma_wait3A_95 : memref<10112x128xf32, #tpu.memory_space<vmem_shared>>)
        tpu.yield
      }) : () -> ()
      "tpu.region"() ({
        %run_scoped3A_83 = tpu.sem_alloc : memref<!tpu.dma_semaphore, #tpu.memory_space<semaphore_mem>>
        %dma_start3A_84 = arith.constant 40 : i32
        %dma_start3A_85 = arith.constant 0 : i32
        %dma_start3A_86 = tpu.memref_slice %arg4[%arg1, %dma_start3A_84, %dma_start3A_85] : memref<16x80x128xi32, #tpu.memory_space<hbm>> -> memref<1x40x128xi32, #tpu.memory_space<hbm>>
        %dma_start3A_87 = tpu.memref_squeeze %dma_start3A_86 : memref<1x40x128xi32, #tpu.memory_space<hbm>> -> memref<40x128xi32, #tpu.memory_space<hbm>>
        %dma_start3A_88 = arith.constant 40 : i32
        %dma_start3A_89 = arith.constant 0 : i32
        %dma_start3A_90 = tpu.memref_slice %arg4[%arg1, %dma_start3A_88, %dma_start3A_89] : memref<16x80x128xi32, #tpu.memory_space<hbm>> -> memref<1x40x128xi32, #tpu.memory_space<hbm>>
        %dma_start3A_91 = tpu.memref_squeeze %dma_start3A_90 : memref<1x40x128xi32, #tpu.memory_space<hbm>> -> memref<40x128xi32, #tpu.memory_space<hbm>>
        tpu.enqueue_dma source(%dma_start3A_91 : memref<40x128xi32, #tpu.memory_space<hbm>>) target(%arg8 : memref<40x128xi32, #tpu.memory_space<vmem>>) target_semaphore(%run_scoped3A_83 : memref<!tpu.dma_semaphore, #tpu.memory_space<semaphore_mem>>)
        %dma_wait3A_92 = arith.constant 40 : i32
        %dma_wait3A_93 = arith.constant 0 : i32
        %dma_wait3A_94 = tpu.memref_slice %arg4[%arg1, %dma_wait3A_92, %dma_wait3A_93] : memref<16x80x128xi32, #tpu.memory_space<hbm>> -> memref<1x40x128xi32, #tpu.memory_space<hbm>>
        %dma_wait3A_95 = tpu.memref_squeeze %dma_wait3A_94 : memref<1x40x128xi32, #tpu.memory_space<hbm>> -> memref<40x128xi32, #tpu.memory_space<hbm>>
        %dma_wait3A_96 = arith.constant 40 : i32
        %dma_wait3A_97 = arith.constant 0 : i32
        %dma_wait3A_98 = tpu.memref_slice %arg4[%arg1, %dma_wait3A_96, %dma_wait3A_97] : memref<16x80x128xi32, #tpu.memory_space<hbm>> -> memref<1x40x128xi32, #tpu.memory_space<hbm>>
        %dma_wait3A_99 = tpu.memref_squeeze %dma_wait3A_98 : memref<1x40x128xi32, #tpu.memory_space<hbm>> -> memref<40x128xi32, #tpu.memory_space<hbm>>
        tpu.wait_dma2 semaphore(%run_scoped3A_83 : memref<!tpu.dma_semaphore, #tpu.memory_space<semaphore_mem>>) src(%dma_wait3A_99 : memref<40x128xi32, #tpu.memory_space<hbm>>) dst(%arg8 : memref<40x128xi32, #tpu.memory_space<vmem>>)
        tpu.yield
      }) : () -> ()
      "tpu.region"() ({
        %run_scoped3A_83 = tpu.sem_alloc : memref<!tpu.dma_semaphore, #tpu.memory_space<semaphore_mem>>
        %dma_start3A_84 = arith.constant 40 : i32
        %dma_start3A_85 = arith.constant 0 : i32
        %dma_start3A_86 = tpu.memref_slice %arg5[%arg1, %dma_start3A_84, %dma_start3A_85] : memref<16x80x128xi32, #tpu.memory_space<hbm>> -> memref<1x40x128xi32, #tpu.memory_space<hbm>>
        %dma_start3A_87 = tpu.memref_squeeze %dma_start3A_86 : memref<1x40x128xi32, #tpu.memory_space<hbm>> -> memref<40x128xi32, #tpu.memory_space<hbm>>
        %dma_start3A_88 = arith.constant 40 : i32
        %dma_start3A_89 = arith.constant 0 : i32
        %dma_start3A_90 = tpu.memref_slice %arg5[%arg1, %dma_start3A_88, %dma_start3A_89] : memref<16x80x128xi32, #tpu.memory_space<hbm>> -> memref<1x40x128xi32, #tpu.memory_space<hbm>>
        %dma_start3A_91 = tpu.memref_squeeze %dma_start3A_90 : memref<1x40x128xi32, #tpu.memory_space<hbm>> -> memref<40x128xi32, #tpu.memory_space<hbm>>
        tpu.enqueue_dma source(%dma_start3A_91 : memref<40x128xi32, #tpu.memory_space<hbm>>) target(%arg9 : memref<40x128xi32, #tpu.memory_space<vmem>>) target_semaphore(%run_scoped3A_83 : memref<!tpu.dma_semaphore, #tpu.memory_space<semaphore_mem>>)
        %dma_wait3A_92 = arith.constant 40 : i32
        %dma_wait3A_93 = arith.constant 0 : i32
        %dma_wait3A_94 = tpu.memref_slice %arg5[%arg1, %dma_wait3A_92, %dma_wait3A_93] : memref<16x80x128xi32, #tpu.memory_space<hbm>> -> memref<1x40x128xi32, #tpu.memory_space<hbm>>
        %dma_wait3A_95 = tpu.memref_squeeze %dma_wait3A_94 : memref<1x40x128xi32, #tpu.memory_space<hbm>> -> memref<40x128xi32, #tpu.memory_space<hbm>>
        %dma_wait3A_96 = arith.constant 40 : i32
        %dma_wait3A_97 = arith.constant 0 : i32
        %dma_wait3A_98 = tpu.memref_slice %arg5[%arg1, %dma_wait3A_96, %dma_wait3A_97] : memref<16x80x128xi32, #tpu.memory_space<hbm>> -> memref<1x40x128xi32, #tpu.memory_space<hbm>>
        %dma_wait3A_99 = tpu.memref_squeeze %dma_wait3A_98 : memref<1x40x128xi32, #tpu.memory_space<hbm>> -> memref<40x128xi32, #tpu.memory_space<hbm>>
        tpu.wait_dma2 semaphore(%run_scoped3A_83 : memref<!tpu.dma_semaphore, #tpu.memory_space<semaphore_mem>>) src(%dma_wait3A_99 : memref<40x128xi32, #tpu.memory_space<hbm>>) dst(%arg9 : memref<40x128xi32, #tpu.memory_space<vmem>>)
        tpu.yield
      }) : () -> ()
      %dma_start3A_46 = arith.constant 0 : i32
      %dma_start3A_47 = arith.constant 0 : i32
      %dma_start3A_48 = tpu.memref_slice %arg8[%dma_start3A_46, %dma_start3A_47] : memref<40x128xi32, #tpu.memory_space<vmem>> -> memref<1x128xi32, #tpu.memory_space<vmem>>
      %dma_start3A_49 = tpu.memref_squeeze %dma_start3A_48 : memref<1x128xi32, #tpu.memory_space<vmem>> -> memref<128xi32, #tpu.memory_space<vmem>>
      %dma_start3A_50 = arith.constant 0 : i32
      %dma_start3A_51 = arith.constant 0 : i32
      %dma_start3A_52 = tpu.memref_slice %arg2[%dma_start3A_50, %dma_start3A_51] : memref<10000x128xf32, #tpu.memory_space<hbm>> -> memref<10000x128xf32, #tpu.memory_space<hbm>>
      tpu.enqueue_indirect_dma source(%dma_start3A_52 : memref<10000x128xf32, #tpu.memory_space<hbm>>) target(%arg10 : memref<128x128xf32, #tpu.memory_space<vmem>>) offsets(%dma_start3A_49 : memref<128xi32, #tpu.memory_space<vmem>>) semaphore(%arg13 : memref<!tpu.dma_semaphore, #tpu.memory_space<semaphore_mem>>)
      %dma_start3A_53 = arith.constant 1 : i32
      %dma_start3A_54 = arith.constant 0 : i32
      %dma_start3A_55 = tpu.memref_slice %arg8[%dma_start3A_53, %dma_start3A_54] : memref<40x128xi32, #tpu.memory_space<vmem>> -> memref<1x128xi32, #tpu.memory_space<vmem>>
      %dma_start3A_56 = tpu.memref_squeeze %dma_start3A_55 : memref<1x128xi32, #tpu.memory_space<vmem>> -> memref<128xi32, #tpu.memory_space<vmem>>
      %dma_start3A_57 = arith.constant 0 : i32
      %dma_start3A_58 = arith.constant 0 : i32
      %dma_start3A_59 = tpu.memref_slice %arg2[%dma_start3A_57, %dma_start3A_58] : memref<10000x128xf32, #tpu.memory_space<hbm>> -> memref<10000x128xf32, #tpu.memory_space<hbm>>
      tpu.enqueue_indirect_dma source(%dma_start3A_59 : memref<10000x128xf32, #tpu.memory_space<hbm>>) target(%arg11 : memref<128x128xf32, #tpu.memory_space<vmem>>) offsets(%dma_start3A_56 : memref<128xi32, #tpu.memory_space<vmem>>) semaphore(%arg14 : memref<!tpu.dma_semaphore, #tpu.memory_space<semaphore_mem>>)
      %scan3A_60 = arith.constant 0 : i32
      %scan3A_61 = arith.constant 0 : i32
      %scan3A_62 = arith.constant 19 : i32
      %scan3A_63 = arith.addi %scan3A_61, %scan3A_62 : i32
      %scan3A_64 = arith.constant 1 : i32
      %scan3A_65 = scf.for %scan3A_83 = %scan3A_61 to %scan3A_63 step %scan3A_64 iter_args(%scan3A_84 = %scan3A_60) -> (i32)  : i32 {
        %mul3A_85 = arith.constant 2 : i32
        %mul3A_86 = arith.muli %mul3A_85, %scan3A_83 : i32
        %dma_wait3A_87 = arith.constant 0 : i32
        %dma_wait3A_88 = tpu.memref_slice %arg8[%mul3A_86, %dma_wait3A_87] : memref<40x128xi32, #tpu.memory_space<vmem>> -> memref<1x128xi32, #tpu.memory_space<vmem>>
        %dma_wait3A_89 = tpu.memref_squeeze %dma_wait3A_88 : memref<1x128xi32, #tpu.memory_space<vmem>> -> memref<128xi32, #tpu.memory_space<vmem>>
        %dma_wait3A_90 = arith.constant 0 : i32
        %dma_wait3A_91 = arith.constant 0 : i32
        %dma_wait3A_92 = tpu.memref_slice %arg2[%dma_wait3A_90, %dma_wait3A_91] : memref<10000x128xf32, #tpu.memory_space<hbm>> -> memref<10000x128xf32, #tpu.memory_space<hbm>>
        tpu.wait_indirect_dma semaphore(%arg13 : memref<!tpu.dma_semaphore, #tpu.memory_space<semaphore_mem>>) src(%dma_wait3A_92 : memref<10000x128xf32, #tpu.memory_space<hbm>>) dst(%arg10 : memref<128x128xf32, #tpu.memory_space<vmem>>)
        "tpu.region"() ({
          %run_scoped3A_119 = tpu.sem_alloc : memref<!tpu.dma_semaphore, #tpu.memory_space<semaphore_mem>>
          %dma_start3A_120 = arith.constant 0 : i32
          %dma_start3A_121 = tpu.memref_slice %arg9[%mul3A_86, %dma_start3A_120] : memref<40x128xi32, #tpu.memory_space<vmem>> -> memref<1x128xi32, #tpu.memory_space<vmem>>
          %dma_start3A_122 = tpu.memref_squeeze %dma_start3A_121 : memref<1x128xi32, #tpu.memory_space<vmem>> -> memref<128xi32, #tpu.memory_space<vmem>>
          %dma_start3A_123 = arith.constant 0 : i32
          %dma_start3A_124 = arith.constant 0 : i32
          %dma_start3A_125 = tpu.memref_slice %arg12[%dma_start3A_123, %dma_start3A_124] : memref<10112x128xf32, #tpu.memory_space<vmem_shared>> -> memref<10112x128xf32, #tpu.memory_space<vmem_shared>>
          tpu.enqueue_indirect_dma source(%arg10 : memref<128x128xf32, #tpu.memory_space<vmem>>) target(%dma_start3A_125 : memref<10112x128xf32, #tpu.memory_space<vmem_shared>>) offsets(%dma_start3A_122 : memref<128xi32, #tpu.memory_space<vmem>>) semaphore(%run_scoped3A_119 : memref<!tpu.dma_semaphore, #tpu.memory_space<semaphore_mem>>) {add = true}
          %dma_wait3A_126 = arith.constant 0 : i32
          %dma_wait3A_127 = tpu.memref_slice %arg9[%mul3A_86, %dma_wait3A_126] : memref<40x128xi32, #tpu.memory_space<vmem>> -> memref<1x128xi32, #tpu.memory_space<vmem>>
          %dma_wait3A_128 = tpu.memref_squeeze %dma_wait3A_127 : memref<1x128xi32, #tpu.memory_space<vmem>> -> memref<128xi32, #tpu.memory_space<vmem>>
          %dma_wait3A_129 = arith.constant 0 : i32
          %dma_wait3A_130 = arith.constant 0 : i32
          %dma_wait3A_131 = tpu.memref_slice %arg12[%dma_wait3A_129, %dma_wait3A_130] : memref<10112x128xf32, #tpu.memory_space<vmem_shared>> -> memref<10112x128xf32, #tpu.memory_space<vmem_shared>>
          tpu.wait_indirect_dma semaphore(%run_scoped3A_119 : memref<!tpu.dma_semaphore, #tpu.memory_space<semaphore_mem>>) src(%arg10 : memref<128x128xf32, #tpu.memory_space<vmem>>) dst(%dma_wait3A_131 : memref<10112x128xf32, #tpu.memory_space<vmem_shared>>)
          tpu.yield
        }) : () -> ()
        %add3A = arith.constant 2 : i32
        %add3A_93 = arith.addi %mul3A_86, %add3A : i32
        %dma_start3A_94 = arith.constant 0 : i32
        %dma_start3A_95 = tpu.memref_slice %arg8[%add3A_93, %dma_start3A_94] : memref<40x128xi32, #tpu.memory_space<vmem>> -> memref<1x128xi32, #tpu.memory_space<vmem>>
        %dma_start3A_96 = tpu.memref_squeeze %dma_start3A_95 : memref<1x128xi32, #tpu.memory_space<vmem>> -> memref<128xi32, #tpu.memory_space<vmem>>
        %dma_start3A_97 = arith.constant 0 : i32
        %dma_start3A_98 = arith.constant 0 : i32
        %dma_start3A_99 = tpu.memref_slice %arg2[%dma_start3A_97, %dma_start3A_98] : memref<10000x128xf32, #tpu.memory_space<hbm>> -> memref<10000x128xf32, #tpu.memory_space<hbm>>
        tpu.enqueue_indirect_dma source(%dma_start3A_99 : memref<10000x128xf32, #tpu.memory_space<hbm>>) target(%arg10 : memref<128x128xf32, #tpu.memory_space<vmem>>) offsets(%dma_start3A_96 : memref<128xi32, #tpu.memory_space<vmem>>) semaphore(%arg13 : memref<!tpu.dma_semaphore, #tpu.memory_space<semaphore_mem>>)
        %mul3A_100 = arith.constant 2 : i32
        %mul3A_101 = arith.muli %mul3A_100, %scan3A_83 : i32
        %add3A_102 = arith.constant 1 : i32
        %add3A_103 = arith.addi %mul3A_101, %add3A_102 : i32
        %dma_wait3A_104 = arith.constant 0 : i32
        %dma_wait3A_105 = tpu.memref_slice %arg8[%add3A_103, %dma_wait3A_104] : memref<40x128xi32, #tpu.memory_space<vmem>> -> memref<1x128xi32, #tpu.memory_space<vmem>>
        %dma_wait3A_106 = tpu.memref_squeeze %dma_wait3A_105 : memref<1x128xi32, #tpu.memory_space<vmem>> -> memref<128xi32, #tpu.memory_space<vmem>>
        %dma_wait3A_107 = arith.constant 0 : i32
        %dma_wait3A_108 = arith.constant 0 : i32
        %dma_wait3A_109 = tpu.memref_slice %arg2[%dma_wait3A_107, %dma_wait3A_108] : memref<10000x128xf32, #tpu.memory_space<hbm>> -> memref<10000x128xf32, #tpu.memory_space<hbm>>
        tpu.wait_indirect_dma semaphore(%arg14 : memref<!tpu.dma_semaphore, #tpu.memory_space<semaphore_mem>>) src(%dma_wait3A_109 : memref<10000x128xf32, #tpu.memory_space<hbm>>) dst(%arg11 : memref<128x128xf32, #tpu.memory_space<vmem>>)
        "tpu.region"() ({
          %run_scoped3A_119 = tpu.sem_alloc : memref<!tpu.dma_semaphore, #tpu.memory_space<semaphore_mem>>
          %dma_start3A_120 = arith.constant 0 : i32
          %dma_start3A_121 = tpu.memref_slice %arg9[%add3A_103, %dma_start3A_120] : memref<40x128xi32, #tpu.memory_space<vmem>> -> memref<1x128xi32, #tpu.memory_space<vmem>>
          %dma_start3A_122 = tpu.memref_squeeze %dma_start3A_121 : memref<1x128xi32, #tpu.memory_space<vmem>> -> memref<128xi32, #tpu.memory_space<vmem>>
          %dma_start3A_123 = arith.constant 0 : i32
          %dma_start3A_124 = arith.constant 0 : i32
          %dma_start3A_125 = tpu.memref_slice %arg12[%dma_start3A_123, %dma_start3A_124] : memref<10112x128xf32, #tpu.memory_space<vmem_shared>> -> memref<10112x128xf32, #tpu.memory_space<vmem_shared>>
          tpu.enqueue_indirect_dma source(%arg11 : memref<128x128xf32, #tpu.memory_space<vmem>>) target(%dma_start3A_125 : memref<10112x128xf32, #tpu.memory_space<vmem_shared>>) offsets(%dma_start3A_122 : memref<128xi32, #tpu.memory_space<vmem>>) semaphore(%run_scoped3A_119 : memref<!tpu.dma_semaphore, #tpu.memory_space<semaphore_mem>>) {add = true}
          %dma_wait3A_126 = arith.constant 0 : i32
          %dma_wait3A_127 = tpu.memref_slice %arg9[%add3A_103, %dma_wait3A_126] : memref<40x128xi32, #tpu.memory_space<vmem>> -> memref<1x128xi32, #tpu.memory_space<vmem>>
          %dma_wait3A_128 = tpu.memref_squeeze %dma_wait3A_127 : memref<1x128xi32, #tpu.memory_space<vmem>> -> memref<128xi32, #tpu.memory_space<vmem>>
          %dma_wait3A_129 = arith.constant 0 : i32
          %dma_wait3A_130 = arith.constant 0 : i32
          %dma_wait3A_131 = tpu.memref_slice %arg12[%dma_wait3A_129, %dma_wait3A_130] : memref<10112x128xf32, #tpu.memory_space<vmem_shared>> -> memref<10112x128xf32, #tpu.memory_space<vmem_shared>>
          tpu.wait_indirect_dma semaphore(%run_scoped3A_119 : memref<!tpu.dma_semaphore, #tpu.memory_space<semaphore_mem>>) src(%arg11 : memref<128x128xf32, #tpu.memory_space<vmem>>) dst(%dma_wait3A_131 : memref<10112x128xf32, #tpu.memory_space<vmem_shared>>)
          tpu.yield
        }) : () -> ()
        %add3A_110 = arith.constant 2 : i32
        %add3A_111 = arith.addi %add3A_103, %add3A_110 : i32
        %dma_start3A_112 = arith.constant 0 : i32
        %dma_start3A_113 = tpu.memref_slice %arg8[%add3A_111, %dma_start3A_112] : memref<40x128xi32, #tpu.memory_space<vmem>> -> memref<1x128xi32, #tpu.memory_space<vmem>>
        %dma_start3A_114 = tpu.memref_squeeze %dma_start3A_113 : memref<1x128xi32, #tpu.memory_space<vmem>> -> memref<128xi32, #tpu.memory_space<vmem>>
        %dma_start3A_115 = arith.constant 0 : i32
        %dma_start3A_116 = arith.constant 0 : i32
        %dma_start3A_117 = tpu.memref_slice %arg2[%dma_start3A_115, %dma_start3A_116] : memref<10000x128xf32, #tpu.memory_space<hbm>> -> memref<10000x128xf32, #tpu.memory_space<hbm>>
        tpu.enqueue_indirect_dma source(%dma_start3A_117 : memref<10000x128xf32, #tpu.memory_space<hbm>>) target(%arg11 : memref<128x128xf32, #tpu.memory_space<vmem>>) offsets(%dma_start3A_114 : memref<128xi32, #tpu.memory_space<vmem>>) semaphore(%arg14 : memref<!tpu.dma_semaphore, #tpu.memory_space<semaphore_mem>>)
        %scan3A_118 = arith.constant 0 : i32
        scf.yield %scan3A_118 : i32
      }
      %scan3A_66 = arith.constant 19 : i32
      %dma_wait3A_67 = arith.constant 38 : i32
      %dma_wait3A_68 = arith.constant 0 : i32
      %dma_wait3A_69 = tpu.memref_slice %arg8[%dma_wait3A_67, %dma_wait3A_68] : memref<40x128xi32, #tpu.memory_space<vmem>> -> memref<1x128xi32, #tpu.memory_space<vmem>>
      %dma_wait3A_70 = tpu.memref_squeeze %dma_wait3A_69 : memref<1x128xi32, #tpu.memory_space<vmem>> -> memref<128xi32, #tpu.memory_space<vmem>>
      %dma_wait3A_71 = arith.constant 0 : i32
      %dma_wait3A_72 = arith.constant 0 : i32
      %dma_wait3A_73 = tpu.memref_slice %arg2[%dma_wait3A_71, %dma_wait3A_72] : memref<10000x128xf32, #tpu.memory_space<hbm>> -> memref<10000x128xf32, #tpu.memory_space<hbm>>
      tpu.wait_indirect_dma semaphore(%arg13 : memref<!tpu.dma_semaphore, #tpu.memory_space<semaphore_mem>>) src(%dma_wait3A_73 : memref<10000x128xf32, #tpu.memory_space<hbm>>) dst(%arg10 : memref<128x128xf32, #tpu.memory_space<vmem>>)
      %run_scoped3A_74 = arith.constant 38 : i32
      "tpu.region"() ({
        %run_scoped3A_83 = tpu.sem_alloc : memref<!tpu.dma_semaphore, #tpu.memory_space<semaphore_mem>>
        %dma_start3A_84 = arith.constant 0 : i32
        %dma_start3A_85 = tpu.memref_slice %arg9[%run_scoped3A_74, %dma_start3A_84] : memref<40x128xi32, #tpu.memory_space<vmem>> -> memref<1x128xi32, #tpu.memory_space<vmem>>
        %dma_start3A_86 = tpu.memref_squeeze %dma_start3A_85 : memref<1x128xi32, #tpu.memory_space<vmem>> -> memref<128xi32, #tpu.memory_space<vmem>>
        %dma_start3A_87 = arith.constant 0 : i32
        %dma_start3A_88 = arith.constant 0 : i32
        %dma_start3A_89 = tpu.memref_slice %arg12[%dma_start3A_87, %dma_start3A_88] : memref<10112x128xf32, #tpu.memory_space<vmem_shared>> -> memref<10112x128xf32, #tpu.memory_space<vmem_shared>>
        tpu.enqueue_indirect_dma source(%arg10 : memref<128x128xf32, #tpu.memory_space<vmem>>) target(%dma_start3A_89 : memref<10112x128xf32, #tpu.memory_space<vmem_shared>>) offsets(%dma_start3A_86 : memref<128xi32, #tpu.memory_space<vmem>>) semaphore(%run_scoped3A_83 : memref<!tpu.dma_semaphore, #tpu.memory_space<semaphore_mem>>) {add = true}
        %dma_wait3A_90 = arith.constant 0 : i32
        %dma_wait3A_91 = tpu.memref_slice %arg9[%run_scoped3A_74, %dma_wait3A_90] : memref<40x128xi32, #tpu.memory_space<vmem>> -> memref<1x128xi32, #tpu.memory_space<vmem>>
        %dma_wait3A_92 = tpu.memref_squeeze %dma_wait3A_91 : memref<1x128xi32, #tpu.memory_space<vmem>> -> memref<128xi32, #tpu.memory_space<vmem>>
        %dma_wait3A_93 = arith.constant 0 : i32
        %dma_wait3A_94 = arith.constant 0 : i32
        %dma_wait3A_95 = tpu.memref_slice %arg12[%dma_wait3A_93, %dma_wait3A_94] : memref<10112x128xf32, #tpu.memory_space<vmem_shared>> -> memref<10112x128xf32, #tpu.memory_space<vmem_shared>>
        tpu.wait_indirect_dma semaphore(%run_scoped3A_83 : memref<!tpu.dma_semaphore, #tpu.memory_space<semaphore_mem>>) src(%arg10 : memref<128x128xf32, #tpu.memory_space<vmem>>) dst(%dma_wait3A_95 : memref<10112x128xf32, #tpu.memory_space<vmem_shared>>)
        tpu.yield
      }) : () -> ()
      %dma_wait3A_75 = arith.constant 39 : i32
      %dma_wait3A_76 = arith.constant 0 : i32
      %dma_wait3A_77 = tpu.memref_slice %arg8[%dma_wait3A_75, %dma_wait3A_76] : memref<40x128xi32, #tpu.memory_space<vmem>> -> memref<1x128xi32, #tpu.memory_space<vmem>>
      %dma_wait3A_78 = tpu.memref_squeeze %dma_wait3A_77 : memref<1x128xi32, #tpu.memory_space<vmem>> -> memref<128xi32, #tpu.memory_space<vmem>>
      %dma_wait3A_79 = arith.constant 0 : i32
      %dma_wait3A_80 = arith.constant 0 : i32
      %dma_wait3A_81 = tpu.memref_slice %arg2[%dma_wait3A_79, %dma_wait3A_80] : memref<10000x128xf32, #tpu.memory_space<hbm>> -> memref<10000x128xf32, #tpu.memory_space<hbm>>
      tpu.wait_indirect_dma semaphore(%arg14 : memref<!tpu.dma_semaphore, #tpu.memory_space<semaphore_mem>>) src(%dma_wait3A_81 : memref<10000x128xf32, #tpu.memory_space<hbm>>) dst(%arg11 : memref<128x128xf32, #tpu.memory_space<vmem>>)
      %run_scoped3A_82 = arith.constant 39 : i32
      "tpu.region"() ({
        %run_scoped3A_83 = tpu.sem_alloc : memref<!tpu.dma_semaphore, #tpu.memory_space<semaphore_mem>>
        %dma_start3A_84 = arith.constant 0 : i32
        %dma_start3A_85 = tpu.memref_slice %arg9[%run_scoped3A_82, %dma_start3A_84] : memref<40x128xi32, #tpu.memory_space<vmem>> -> memref<1x128xi32, #tpu.memory_space<vmem>>
        %dma_start3A_86 = tpu.memref_squeeze %dma_start3A_85 : memref<1x128xi32, #tpu.memory_space<vmem>> -> memref<128xi32, #tpu.memory_space<vmem>>
        %dma_start3A_87 = arith.constant 0 : i32
        %dma_start3A_88 = arith.constant 0 : i32
        %dma_start3A_89 = tpu.memref_slice %arg12[%dma_start3A_87, %dma_start3A_88] : memref<10112x128xf32, #tpu.memory_space<vmem_shared>> -> memref<10112x128xf32, #tpu.memory_space<vmem_shared>>
        tpu.enqueue_indirect_dma source(%arg11 : memref<128x128xf32, #tpu.memory_space<vmem>>) target(%dma_start3A_89 : memref<10112x128xf32, #tpu.memory_space<vmem_shared>>) offsets(%dma_start3A_86 : memref<128xi32, #tpu.memory_space<vmem>>) semaphore(%run_scoped3A_83 : memref<!tpu.dma_semaphore, #tpu.memory_space<semaphore_mem>>) {add = true}
        %dma_wait3A_90 = arith.constant 0 : i32
        %dma_wait3A_91 = tpu.memref_slice %arg9[%run_scoped3A_82, %dma_wait3A_90] : memref<40x128xi32, #tpu.memory_space<vmem>> -> memref<1x128xi32, #tpu.memory_space<vmem>>
        %dma_wait3A_92 = tpu.memref_squeeze %dma_wait3A_91 : memref<1x128xi32, #tpu.memory_space<vmem>> -> memref<128xi32, #tpu.memory_space<vmem>>
        %dma_wait3A_93 = arith.constant 0 : i32
        %dma_wait3A_94 = arith.constant 0 : i32
        %dma_wait3A_95 = tpu.memref_slice %arg12[%dma_wait3A_93, %dma_wait3A_94] : memref<10112x128xf32, #tpu.memory_space<vmem_shared>> -> memref<10112x128xf32, #tpu.memory_space<vmem_shared>>
        tpu.wait_indirect_dma semaphore(%run_scoped3A_83 : memref<!tpu.dma_semaphore, #tpu.memory_space<semaphore_mem>>) src(%arg11 : memref<128x128xf32, #tpu.memory_space<vmem>>) dst(%dma_wait3A_95 : memref<10112x128xf32, #tpu.memory_space<vmem_shared>>)
        tpu.yield
      }) : () -> ()
    } else {
    }
    %eq3A_3 = arith.constant 1 : i32
    %eq3A_4 = arith.cmpi eq, %arg0, %eq3A_3 : i32
    %convert_element_type3A_5 = arith.extui %eq3A_4 : i1 to i32
    %cond3A_6 = arith.constant 0 : i32
    %cond3A_7 = arith.cmpi ne, %convert_element_type3A_5, %cond3A_6 : i32
    scf.if %cond3A_7 {
      "tpu.region"() ({
        %run_scoped3A_83 = tpu.sem_alloc : memref<!tpu.dma_semaphore, #tpu.memory_space<semaphore_mem>>
        %dma_start3A_84 = arith.constant 0 : i32
        %dma_start3A_85 = arith.constant 0 : i32
        %dma_start3A_86 = tpu.memref_slice %arg4[%arg1, %dma_start3A_84, %dma_start3A_85] : memref<16x80x128xi32, #tpu.memory_space<hbm>> -> memref<1x40x128xi32, #tpu.memory_space<hbm>>
        %dma_start3A_87 = tpu.memref_squeeze %dma_start3A_86 : memref<1x40x128xi32, #tpu.memory_space<hbm>> -> memref<40x128xi32, #tpu.memory_space<hbm>>
        %dma_start3A_88 = arith.constant 0 : i32
        %dma_start3A_89 = arith.constant 0 : i32
        %dma_start3A_90 = tpu.memref_slice %arg4[%arg1, %dma_start3A_88, %dma_start3A_89] : memref<16x80x128xi32, #tpu.memory_space<hbm>> -> memref<1x40x128xi32, #tpu.memory_space<hbm>>
        %dma_start3A_91 = tpu.memref_squeeze %dma_start3A_90 : memref<1x40x128xi32, #tpu.memory_space<hbm>> -> memref<40x128xi32, #tpu.memory_space<hbm>>
        tpu.enqueue_dma source(%dma_start3A_91 : memref<40x128xi32, #tpu.memory_space<hbm>>) target(%arg8 : memref<40x128xi32, #tpu.memory_space<vmem>>) target_semaphore(%run_scoped3A_83 : memref<!tpu.dma_semaphore, #tpu.memory_space<semaphore_mem>>)
        %dma_wait3A_92 = arith.constant 0 : i32
        %dma_wait3A_93 = arith.constant 0 : i32
        %dma_wait3A_94 = tpu.memref_slice %arg4[%arg1, %dma_wait3A_92, %dma_wait3A_93] : memref<16x80x128xi32, #tpu.memory_space<hbm>> -> memref<1x40x128xi32, #tpu.memory_space<hbm>>
        %dma_wait3A_95 = tpu.memref_squeeze %dma_wait3A_94 : memref<1x40x128xi32, #tpu.memory_space<hbm>> -> memref<40x128xi32, #tpu.memory_space<hbm>>
        %dma_wait3A_96 = arith.constant 0 : i32
        %dma_wait3A_97 = arith.constant 0 : i32
        %dma_wait3A_98 = tpu.memref_slice %arg4[%arg1, %dma_wait3A_96, %dma_wait3A_97] : memref<16x80x128xi32, #tpu.memory_space<hbm>> -> memref<1x40x128xi32, #tpu.memory_space<hbm>>
        %dma_wait3A_99 = tpu.memref_squeeze %dma_wait3A_98 : memref<1x40x128xi32, #tpu.memory_space<hbm>> -> memref<40x128xi32, #tpu.memory_space<hbm>>
        tpu.wait_dma2 semaphore(%run_scoped3A_83 : memref<!tpu.dma_semaphore, #tpu.memory_space<semaphore_mem>>) src(%dma_wait3A_99 : memref<40x128xi32, #tpu.memory_space<hbm>>) dst(%arg8 : memref<40x128xi32, #tpu.memory_space<vmem>>)
        tpu.yield
      }) : () -> ()
      "tpu.region"() ({
        %run_scoped3A_83 = tpu.sem_alloc : memref<!tpu.dma_semaphore, #tpu.memory_space<semaphore_mem>>
        %dma_start3A_84 = arith.constant 0 : i32
        %dma_start3A_85 = arith.constant 0 : i32
        %dma_start3A_86 = tpu.memref_slice %arg5[%arg1, %dma_start3A_84, %dma_start3A_85] : memref<16x80x128xi32, #tpu.memory_space<hbm>> -> memref<1x40x128xi32, #tpu.memory_space<hbm>>
        %dma_start3A_87 = tpu.memref_squeeze %dma_start3A_86 : memref<1x40x128xi32, #tpu.memory_space<hbm>> -> memref<40x128xi32, #tpu.memory_space<hbm>>
        %dma_start3A_88 = arith.constant 0 : i32
        %dma_start3A_89 = arith.constant 0 : i32
        %dma_start3A_90 = tpu.memref_slice %arg5[%arg1, %dma_start3A_88, %dma_start3A_89] : memref<16x80x128xi32, #tpu.memory_space<hbm>> -> memref<1x40x128xi32, #tpu.memory_space<hbm>>
        %dma_start3A_91 = tpu.memref_squeeze %dma_start3A_90 : memref<1x40x128xi32, #tpu.memory_space<hbm>> -> memref<40x128xi32, #tpu.memory_space<hbm>>
        tpu.enqueue_dma source(%dma_start3A_91 : memref<40x128xi32, #tpu.memory_space<hbm>>) target(%arg9 : memref<40x128xi32, #tpu.memory_space<vmem>>) target_semaphore(%run_scoped3A_83 : memref<!tpu.dma_semaphore, #tpu.memory_space<semaphore_mem>>)
        %dma_wait3A_92 = arith.constant 0 : i32
        %dma_wait3A_93 = arith.constant 0 : i32
        %dma_wait3A_94 = tpu.memref_slice %arg5[%arg1, %dma_wait3A_92, %dma_wait3A_93] : memref<16x80x128xi32, #tpu.memory_space<hbm>> -> memref<1x40x128xi32, #tpu.memory_space<hbm>>
        %dma_wait3A_95 = tpu.memref_squeeze %dma_wait3A_94 : memref<1x40x128xi32, #tpu.memory_space<hbm>> -> memref<40x128xi32, #tpu.memory_space<hbm>>
        %dma_wait3A_96 = arith.constant 0 : i32
        %dma_wait3A_97 = arith.constant 0 : i32
        %dma_wait3A_98 = tpu.memref_slice %arg5[%arg1, %dma_wait3A_96, %dma_wait3A_97] : memref<16x80x128xi32, #tpu.memory_space<hbm>> -> memref<1x40x128xi32, #tpu.memory_space<hbm>>
        %dma_wait3A_99 = tpu.memref_squeeze %dma_wait3A_98 : memref<1x40x128xi32, #tpu.memory_space<hbm>> -> memref<40x128xi32, #tpu.memory_space<hbm>>
        tpu.wait_dma2 semaphore(%run_scoped3A_83 : memref<!tpu.dma_semaphore, #tpu.memory_space<semaphore_mem>>) src(%dma_wait3A_99 : memref<40x128xi32, #tpu.memory_space<hbm>>) dst(%arg9 : memref<40x128xi32, #tpu.memory_space<vmem>>)
        tpu.yield
      }) : () -> ()
      %dma_start3A = arith.constant 0 : i32
      %dma_start3A_13 = arith.constant 0 : i32
      %dma_start3A_14 = tpu.memref_slice %arg8[%dma_start3A, %dma_start3A_13] : memref<40x128xi32, #tpu.memory_space<vmem>> -> memref<1x128xi32, #tpu.memory_space<vmem>>
      %dma_start3A_15 = tpu.memref_squeeze %dma_start3A_14 : memref<1x128xi32, #tpu.memory_space<vmem>> -> memref<128xi32, #tpu.memory_space<vmem>>
      %dma_start3A_16 = arith.constant 0 : i32
      %dma_start3A_17 = arith.constant 0 : i32
      %dma_start3A_18 = tpu.memref_slice %arg3[%dma_start3A_16, %dma_start3A_17] : memref<10000x128xf32, #tpu.memory_space<hbm>> -> memref<10000x128xf32, #tpu.memory_space<hbm>>
      tpu.enqueue_indirect_dma source(%dma_start3A_18 : memref<10000x128xf32, #tpu.memory_space<hbm>>) target(%arg10 : memref<128x128xf32, #tpu.memory_space<vmem>>) offsets(%dma_start3A_15 : memref<128xi32, #tpu.memory_space<vmem>>) semaphore(%arg13 : memref<!tpu.dma_semaphore, #tpu.memory_space<semaphore_mem>>)
      %dma_start3A_19 = arith.constant 1 : i32
      %dma_start3A_20 = arith.constant 0 : i32
      %dma_start3A_21 = tpu.memref_slice %arg8[%dma_start3A_19, %dma_start3A_20] : memref<40x128xi32, #tpu.memory_space<vmem>> -> memref<1x128xi32, #tpu.memory_space<vmem>>
      %dma_start3A_22 = tpu.memref_squeeze %dma_start3A_21 : memref<1x128xi32, #tpu.memory_space<vmem>> -> memref<128xi32, #tpu.memory_space<vmem>>
      %dma_start3A_23 = arith.constant 0 : i32
      %dma_start3A_24 = arith.constant 0 : i32
      %dma_start3A_25 = tpu.memref_slice %arg3[%dma_start3A_23, %dma_start3A_24] : memref<10000x128xf32, #tpu.memory_space<hbm>> -> memref<10000x128xf32, #tpu.memory_space<hbm>>
      tpu.enqueue_indirect_dma source(%dma_start3A_25 : memref<10000x128xf32, #tpu.memory_space<hbm>>) target(%arg11 : memref<128x128xf32, #tpu.memory_space<vmem>>) offsets(%dma_start3A_22 : memref<128xi32, #tpu.memory_space<vmem>>) semaphore(%arg14 : memref<!tpu.dma_semaphore, #tpu.memory_space<semaphore_mem>>)
      %scan3A = arith.constant 0 : i32
      %scan3A_26 = arith.constant 0 : i32
      %scan3A_27 = arith.constant 19 : i32
      %scan3A_28 = arith.addi %scan3A_26, %scan3A_27 : i32
      %scan3A_29 = arith.constant 1 : i32
      %scan3A_30 = scf.for %scan3A_83 = %scan3A_26 to %scan3A_28 step %scan3A_29 iter_args(%scan3A_84 = %scan3A) -> (i32)  : i32 {
        %mul3A_85 = arith.constant 2 : i32
        %mul3A_86 = arith.muli %mul3A_85, %scan3A_83 : i32
        %dma_wait3A_87 = arith.constant 0 : i32
        %dma_wait3A_88 = tpu.memref_slice %arg8[%mul3A_86, %dma_wait3A_87] : memref<40x128xi32, #tpu.memory_space<vmem>> -> memref<1x128xi32, #tpu.memory_space<vmem>>
        %dma_wait3A_89 = tpu.memref_squeeze %dma_wait3A_88 : memref<1x128xi32, #tpu.memory_space<vmem>> -> memref<128xi32, #tpu.memory_space<vmem>>
        %dma_wait3A_90 = arith.constant 0 : i32
        %dma_wait3A_91 = arith.constant 0 : i32
        %dma_wait3A_92 = tpu.memref_slice %arg3[%dma_wait3A_90, %dma_wait3A_91] : memref<10000x128xf32, #tpu.memory_space<hbm>> -> memref<10000x128xf32, #tpu.memory_space<hbm>>
        tpu.wait_indirect_dma semaphore(%arg13 : memref<!tpu.dma_semaphore, #tpu.memory_space<semaphore_mem>>) src(%dma_wait3A_92 : memref<10000x128xf32, #tpu.memory_space<hbm>>) dst(%arg10 : memref<128x128xf32, #tpu.memory_space<vmem>>)
        "tpu.region"() ({
          %run_scoped3A_119 = tpu.sem_alloc : memref<!tpu.dma_semaphore, #tpu.memory_space<semaphore_mem>>
          %dma_start3A_120 = arith.constant 0 : i32
          %dma_start3A_121 = tpu.memref_slice %arg9[%mul3A_86, %dma_start3A_120] : memref<40x128xi32, #tpu.memory_space<vmem>> -> memref<1x128xi32, #tpu.memory_space<vmem>>
          %dma_start3A_122 = tpu.memref_squeeze %dma_start3A_121 : memref<1x128xi32, #tpu.memory_space<vmem>> -> memref<128xi32, #tpu.memory_space<vmem>>
          %dma_start3A_123 = arith.constant 0 : i32
          %dma_start3A_124 = arith.constant 0 : i32
          %dma_start3A_125 = tpu.memref_slice %arg12[%dma_start3A_123, %dma_start3A_124] : memref<10112x128xf32, #tpu.memory_space<vmem_shared>> -> memref<10112x128xf32, #tpu.memory_space<vmem_shared>>
          tpu.enqueue_indirect_dma source(%arg10 : memref<128x128xf32, #tpu.memory_space<vmem>>) target(%dma_start3A_125 : memref<10112x128xf32, #tpu.memory_space<vmem_shared>>) offsets(%dma_start3A_122 : memref<128xi32, #tpu.memory_space<vmem>>) semaphore(%run_scoped3A_119 : memref<!tpu.dma_semaphore, #tpu.memory_space<semaphore_mem>>) {add = true}
          %dma_wait3A_126 = arith.constant 0 : i32
          %dma_wait3A_127 = tpu.memref_slice %arg9[%mul3A_86, %dma_wait3A_126] : memref<40x128xi32, #tpu.memory_space<vmem>> -> memref<1x128xi32, #tpu.memory_space<vmem>>
          %dma_wait3A_128 = tpu.memref_squeeze %dma_wait3A_127 : memref<1x128xi32, #tpu.memory_space<vmem>> -> memref<128xi32, #tpu.memory_space<vmem>>
          %dma_wait3A_129 = arith.constant 0 : i32
          %dma_wait3A_130 = arith.constant 0 : i32
          %dma_wait3A_131 = tpu.memref_slice %arg12[%dma_wait3A_129, %dma_wait3A_130] : memref<10112x128xf32, #tpu.memory_space<vmem_shared>> -> memref<10112x128xf32, #tpu.memory_space<vmem_shared>>
          tpu.wait_indirect_dma semaphore(%run_scoped3A_119 : memref<!tpu.dma_semaphore, #tpu.memory_space<semaphore_mem>>) src(%arg10 : memref<128x128xf32, #tpu.memory_space<vmem>>) dst(%dma_wait3A_131 : memref<10112x128xf32, #tpu.memory_space<vmem_shared>>)
          tpu.yield
        }) : () -> ()
        %add3A = arith.constant 2 : i32
        %add3A_93 = arith.addi %mul3A_86, %add3A : i32
        %dma_start3A_94 = arith.constant 0 : i32
        %dma_start3A_95 = tpu.memref_slice %arg8[%add3A_93, %dma_start3A_94] : memref<40x128xi32, #tpu.memory_space<vmem>> -> memref<1x128xi32, #tpu.memory_space<vmem>>
        %dma_start3A_96 = tpu.memref_squeeze %dma_start3A_95 : memref<1x128xi32, #tpu.memory_space<vmem>> -> memref<128xi32, #tpu.memory_space<vmem>>
        %dma_start3A_97 = arith.constant 0 : i32
        %dma_start3A_98 = arith.constant 0 : i32
        %dma_start3A_99 = tpu.memref_slice %arg3[%dma_start3A_97, %dma_start3A_98] : memref<10000x128xf32, #tpu.memory_space<hbm>> -> memref<10000x128xf32, #tpu.memory_space<hbm>>
        tpu.enqueue_indirect_dma source(%dma_start3A_99 : memref<10000x128xf32, #tpu.memory_space<hbm>>) target(%arg10 : memref<128x128xf32, #tpu.memory_space<vmem>>) offsets(%dma_start3A_96 : memref<128xi32, #tpu.memory_space<vmem>>) semaphore(%arg13 : memref<!tpu.dma_semaphore, #tpu.memory_space<semaphore_mem>>)
        %mul3A_100 = arith.constant 2 : i32
        %mul3A_101 = arith.muli %mul3A_100, %scan3A_83 : i32
        %add3A_102 = arith.constant 1 : i32
        %add3A_103 = arith.addi %mul3A_101, %add3A_102 : i32
        %dma_wait3A_104 = arith.constant 0 : i32
        %dma_wait3A_105 = tpu.memref_slice %arg8[%add3A_103, %dma_wait3A_104] : memref<40x128xi32, #tpu.memory_space<vmem>> -> memref<1x128xi32, #tpu.memory_space<vmem>>
        %dma_wait3A_106 = tpu.memref_squeeze %dma_wait3A_105 : memref<1x128xi32, #tpu.memory_space<vmem>> -> memref<128xi32, #tpu.memory_space<vmem>>
        %dma_wait3A_107 = arith.constant 0 : i32
        %dma_wait3A_108 = arith.constant 0 : i32
        %dma_wait3A_109 = tpu.memref_slice %arg3[%dma_wait3A_107, %dma_wait3A_108] : memref<10000x128xf32, #tpu.memory_space<hbm>> -> memref<10000x128xf32, #tpu.memory_space<hbm>>
        tpu.wait_indirect_dma semaphore(%arg14 : memref<!tpu.dma_semaphore, #tpu.memory_space<semaphore_mem>>) src(%dma_wait3A_109 : memref<10000x128xf32, #tpu.memory_space<hbm>>) dst(%arg11 : memref<128x128xf32, #tpu.memory_space<vmem>>)
        "tpu.region"() ({
          %run_scoped3A_119 = tpu.sem_alloc : memref<!tpu.dma_semaphore, #tpu.memory_space<semaphore_mem>>
          %dma_start3A_120 = arith.constant 0 : i32
          %dma_start3A_121 = tpu.memref_slice %arg9[%add3A_103, %dma_start3A_120] : memref<40x128xi32, #tpu.memory_space<vmem>> -> memref<1x128xi32, #tpu.memory_space<vmem>>
          %dma_start3A_122 = tpu.memref_squeeze %dma_start3A_121 : memref<1x128xi32, #tpu.memory_space<vmem>> -> memref<128xi32, #tpu.memory_space<vmem>>
          %dma_start3A_123 = arith.constant 0 : i32
          %dma_start3A_124 = arith.constant 0 : i32
          %dma_start3A_125 = tpu.memref_slice %arg12[%dma_start3A_123, %dma_start3A_124] : memref<10112x128xf32, #tpu.memory_space<vmem_shared>> -> memref<10112x128xf32, #tpu.memory_space<vmem_shared>>
          tpu.enqueue_indirect_dma source(%arg11 : memref<128x128xf32, #tpu.memory_space<vmem>>) target(%dma_start3A_125 : memref<10112x128xf32, #tpu.memory_space<vmem_shared>>) offsets(%dma_start3A_122 : memref<128xi32, #tpu.memory_space<vmem>>) semaphore(%run_scoped3A_119 : memref<!tpu.dma_semaphore, #tpu.memory_space<semaphore_mem>>) {add = true}
          %dma_wait3A_126 = arith.constant 0 : i32
          %dma_wait3A_127 = tpu.memref_slice %arg9[%add3A_103, %dma_wait3A_126] : memref<40x128xi32, #tpu.memory_space<vmem>> -> memref<1x128xi32, #tpu.memory_space<vmem>>
          %dma_wait3A_128 = tpu.memref_squeeze %dma_wait3A_127 : memref<1x128xi32, #tpu.memory_space<vmem>> -> memref<128xi32, #tpu.memory_space<vmem>>
          %dma_wait3A_129 = arith.constant 0 : i32
          %dma_wait3A_130 = arith.constant 0 : i32
          %dma_wait3A_131 = tpu.memref_slice %arg12[%dma_wait3A_129, %dma_wait3A_130] : memref<10112x128xf32, #tpu.memory_space<vmem_shared>> -> memref<10112x128xf32, #tpu.memory_space<vmem_shared>>
          tpu.wait_indirect_dma semaphore(%run_scoped3A_119 : memref<!tpu.dma_semaphore, #tpu.memory_space<semaphore_mem>>) src(%arg11 : memref<128x128xf32, #tpu.memory_space<vmem>>) dst(%dma_wait3A_131 : memref<10112x128xf32, #tpu.memory_space<vmem_shared>>)
          tpu.yield
        }) : () -> ()
        %add3A_110 = arith.constant 2 : i32
        %add3A_111 = arith.addi %add3A_103, %add3A_110 : i32
        %dma_start3A_112 = arith.constant 0 : i32
        %dma_start3A_113 = tpu.memref_slice %arg8[%add3A_111, %dma_start3A_112] : memref<40x128xi32, #tpu.memory_space<vmem>> -> memref<1x128xi32, #tpu.memory_space<vmem>>
        %dma_start3A_114 = tpu.memref_squeeze %dma_start3A_113 : memref<1x128xi32, #tpu.memory_space<vmem>> -> memref<128xi32, #tpu.memory_space<vmem>>
        %dma_start3A_115 = arith.constant 0 : i32
        %dma_start3A_116 = arith.constant 0 : i32
        %dma_start3A_117 = tpu.memref_slice %arg3[%dma_start3A_115, %dma_start3A_116] : memref<10000x128xf32, #tpu.memory_space<hbm>> -> memref<10000x128xf32, #tpu.memory_space<hbm>>
        tpu.enqueue_indirect_dma source(%dma_start3A_117 : memref<10000x128xf32, #tpu.memory_space<hbm>>) target(%arg11 : memref<128x128xf32, #tpu.memory_space<vmem>>) offsets(%dma_start3A_114 : memref<128xi32, #tpu.memory_space<vmem>>) semaphore(%arg14 : memref<!tpu.dma_semaphore, #tpu.memory_space<semaphore_mem>>)
        %scan3A_118 = arith.constant 0 : i32
        scf.yield %scan3A_118 : i32
      }
      %scan3A_31 = arith.constant 19 : i32
      %dma_wait3A = arith.constant 38 : i32
      %dma_wait3A_32 = arith.constant 0 : i32
      %dma_wait3A_33 = tpu.memref_slice %arg8[%dma_wait3A, %dma_wait3A_32] : memref<40x128xi32, #tpu.memory_space<vmem>> -> memref<1x128xi32, #tpu.memory_space<vmem>>
      %dma_wait3A_34 = tpu.memref_squeeze %dma_wait3A_33 : memref<1x128xi32, #tpu.memory_space<vmem>> -> memref<128xi32, #tpu.memory_space<vmem>>
      %dma_wait3A_35 = arith.constant 0 : i32
      %dma_wait3A_36 = arith.constant 0 : i32
      %dma_wait3A_37 = tpu.memref_slice %arg3[%dma_wait3A_35, %dma_wait3A_36] : memref<10000x128xf32, #tpu.memory_space<hbm>> -> memref<10000x128xf32, #tpu.memory_space<hbm>>
      tpu.wait_indirect_dma semaphore(%arg13 : memref<!tpu.dma_semaphore, #tpu.memory_space<semaphore_mem>>) src(%dma_wait3A_37 : memref<10000x128xf32, #tpu.memory_space<hbm>>) dst(%arg10 : memref<128x128xf32, #tpu.memory_space<vmem>>)
      %run_scoped3A = arith.constant 38 : i32
      "tpu.region"() ({
        %run_scoped3A_83 = tpu.sem_alloc : memref<!tpu.dma_semaphore, #tpu.memory_space<semaphore_mem>>
        %dma_start3A_84 = arith.constant 0 : i32
        %dma_start3A_85 = tpu.memref_slice %arg9[%run_scoped3A, %dma_start3A_84] : memref<40x128xi32, #tpu.memory_space<vmem>> -> memref<1x128xi32, #tpu.memory_space<vmem>>
        %dma_start3A_86 = tpu.memref_squeeze %dma_start3A_85 : memref<1x128xi32, #tpu.memory_space<vmem>> -> memref<128xi32, #tpu.memory_space<vmem>>
        %dma_start3A_87 = arith.constant 0 : i32
        %dma_start3A_88 = arith.constant 0 : i32
        %dma_start3A_89 = tpu.memref_slice %arg12[%dma_start3A_87, %dma_start3A_88] : memref<10112x128xf32, #tpu.memory_space<vmem_shared>> -> memref<10112x128xf32, #tpu.memory_space<vmem_shared>>
        tpu.enqueue_indirect_dma source(%arg10 : memref<128x128xf32, #tpu.memory_space<vmem>>) target(%dma_start3A_89 : memref<10112x128xf32, #tpu.memory_space<vmem_shared>>) offsets(%dma_start3A_86 : memref<128xi32, #tpu.memory_space<vmem>>) semaphore(%run_scoped3A_83 : memref<!tpu.dma_semaphore, #tpu.memory_space<semaphore_mem>>) {add = true}
        %dma_wait3A_90 = arith.constant 0 : i32
        %dma_wait3A_91 = tpu.memref_slice %arg9[%run_scoped3A, %dma_wait3A_90] : memref<40x128xi32, #tpu.memory_space<vmem>> -> memref<1x128xi32, #tpu.memory_space<vmem>>
        %dma_wait3A_92 = tpu.memref_squeeze %dma_wait3A_91 : memref<1x128xi32, #tpu.memory_space<vmem>> -> memref<128xi32, #tpu.memory_space<vmem>>
        %dma_wait3A_93 = arith.constant 0 : i32
        %dma_wait3A_94 = arith.constant 0 : i32
        %dma_wait3A_95 = tpu.memref_slice %arg12[%dma_wait3A_93, %dma_wait3A_94] : memref<10112x128xf32, #tpu.memory_space<vmem_shared>> -> memref<10112x128xf32, #tpu.memory_space<vmem_shared>>
        tpu.wait_indirect_dma semaphore(%run_scoped3A_83 : memref<!tpu.dma_semaphore, #tpu.memory_space<semaphore_mem>>) src(%arg10 : memref<128x128xf32, #tpu.memory_space<vmem>>) dst(%dma_wait3A_95 : memref<10112x128xf32, #tpu.memory_space<vmem_shared>>)
        tpu.yield
      }) : () -> ()
      %dma_wait3A_38 = arith.constant 39 : i32
      %dma_wait3A_39 = arith.constant 0 : i32
      %dma_wait3A_40 = tpu.memref_slice %arg8[%dma_wait3A_38, %dma_wait3A_39] : memref<40x128xi32, #tpu.memory_space<vmem>> -> memref<1x128xi32, #tpu.memory_space<vmem>>
      %dma_wait3A_41 = tpu.memref_squeeze %dma_wait3A_40 : memref<1x128xi32, #tpu.memory_space<vmem>> -> memref<128xi32, #tpu.memory_space<vmem>>
      %dma_wait3A_42 = arith.constant 0 : i32
      %dma_wait3A_43 = arith.constant 0 : i32
      %dma_wait3A_44 = tpu.memref_slice %arg3[%dma_wait3A_42, %dma_wait3A_43] : memref<10000x128xf32, #tpu.memory_space<hbm>> -> memref<10000x128xf32, #tpu.memory_space<hbm>>
      tpu.wait_indirect_dma semaphore(%arg14 : memref<!tpu.dma_semaphore, #tpu.memory_space<semaphore_mem>>) src(%dma_wait3A_44 : memref<10000x128xf32, #tpu.memory_space<hbm>>) dst(%arg11 : memref<128x128xf32, #tpu.memory_space<vmem>>)
      %run_scoped3A_45 = arith.constant 39 : i32
      "tpu.region"() ({
        %run_scoped3A_83 = tpu.sem_alloc : memref<!tpu.dma_semaphore, #tpu.memory_space<semaphore_mem>>
        %dma_start3A_84 = arith.constant 0 : i32
        %dma_start3A_85 = tpu.memref_slice %arg9[%run_scoped3A_45, %dma_start3A_84] : memref<40x128xi32, #tpu.memory_space<vmem>> -> memref<1x128xi32, #tpu.memory_space<vmem>>
        %dma_start3A_86 = tpu.memref_squeeze %dma_start3A_85 : memref<1x128xi32, #tpu.memory_space<vmem>> -> memref<128xi32, #tpu.memory_space<vmem>>
        %dma_start3A_87 = arith.constant 0 : i32
        %dma_start3A_88 = arith.constant 0 : i32
        %dma_start3A_89 = tpu.memref_slice %arg12[%dma_start3A_87, %dma_start3A_88] : memref<10112x128xf32, #tpu.memory_space<vmem_shared>> -> memref<10112x128xf32, #tpu.memory_space<vmem_shared>>
        tpu.enqueue_indirect_dma source(%arg11 : memref<128x128xf32, #tpu.memory_space<vmem>>) target(%dma_start3A_89 : memref<10112x128xf32, #tpu.memory_space<vmem_shared>>) offsets(%dma_start3A_86 : memref<128xi32, #tpu.memory_space<vmem>>) semaphore(%run_scoped3A_83 : memref<!tpu.dma_semaphore, #tpu.memory_space<semaphore_mem>>) {add = true}
        %dma_wait3A_90 = arith.constant 0 : i32
        %dma_wait3A_91 = tpu.memref_slice %arg9[%run_scoped3A_45, %dma_wait3A_90] : memref<40x128xi32, #tpu.memory_space<vmem>> -> memref<1x128xi32, #tpu.memory_space<vmem>>
        %dma_wait3A_92 = tpu.memref_squeeze %dma_wait3A_91 : memref<1x128xi32, #tpu.memory_space<vmem>> -> memref<128xi32, #tpu.memory_space<vmem>>
        %dma_wait3A_93 = arith.constant 0 : i32
        %dma_wait3A_94 = arith.constant 0 : i32
        %dma_wait3A_95 = tpu.memref_slice %arg12[%dma_wait3A_93, %dma_wait3A_94] : memref<10112x128xf32, #tpu.memory_space<vmem_shared>> -> memref<10112x128xf32, #tpu.memory_space<vmem_shared>>
        tpu.wait_indirect_dma semaphore(%run_scoped3A_83 : memref<!tpu.dma_semaphore, #tpu.memory_space<semaphore_mem>>) src(%arg11 : memref<128x128xf32, #tpu.memory_space<vmem>>) dst(%dma_wait3A_95 : memref<10112x128xf32, #tpu.memory_space<vmem_shared>>)
        tpu.yield
      }) : () -> ()
      "tpu.region"() ({
        %run_scoped3A_83 = tpu.sem_alloc : memref<!tpu.dma_semaphore, #tpu.memory_space<semaphore_mem>>
        %dma_start3A_84 = arith.constant 40 : i32
        %dma_start3A_85 = arith.constant 0 : i32
        %dma_start3A_86 = tpu.memref_slice %arg4[%arg1, %dma_start3A_84, %dma_start3A_85] : memref<16x80x128xi32, #tpu.memory_space<hbm>> -> memref<1x40x128xi32, #tpu.memory_space<hbm>>
        %dma_start3A_87 = tpu.memref_squeeze %dma_start3A_86 : memref<1x40x128xi32, #tpu.memory_space<hbm>> -> memref<40x128xi32, #tpu.memory_space<hbm>>
        %dma_start3A_88 = arith.constant 40 : i32
        %dma_start3A_89 = arith.constant 0 : i32
        %dma_start3A_90 = tpu.memref_slice %arg4[%arg1, %dma_start3A_88, %dma_start3A_89] : memref<16x80x128xi32, #tpu.memory_space<hbm>> -> memref<1x40x128xi32, #tpu.memory_space<hbm>>
        %dma_start3A_91 = tpu.memref_squeeze %dma_start3A_90 : memref<1x40x128xi32, #tpu.memory_space<hbm>> -> memref<40x128xi32, #tpu.memory_space<hbm>>
        tpu.enqueue_dma source(%dma_start3A_91 : memref<40x128xi32, #tpu.memory_space<hbm>>) target(%arg8 : memref<40x128xi32, #tpu.memory_space<vmem>>) target_semaphore(%run_scoped3A_83 : memref<!tpu.dma_semaphore, #tpu.memory_space<semaphore_mem>>)
        %dma_wait3A_92 = arith.constant 40 : i32
        %dma_wait3A_93 = arith.constant 0 : i32
        %dma_wait3A_94 = tpu.memref_slice %arg4[%arg1, %dma_wait3A_92, %dma_wait3A_93] : memref<16x80x128xi32, #tpu.memory_space<hbm>> -> memref<1x40x128xi32, #tpu.memory_space<hbm>>
        %dma_wait3A_95 = tpu.memref_squeeze %dma_wait3A_94 : memref<1x40x128xi32, #tpu.memory_space<hbm>> -> memref<40x128xi32, #tpu.memory_space<hbm>>
        %dma_wait3A_96 = arith.constant 40 : i32
        %dma_wait3A_97 = arith.constant 0 : i32
        %dma_wait3A_98 = tpu.memref_slice %arg4[%arg1, %dma_wait3A_96, %dma_wait3A_97] : memref<16x80x128xi32, #tpu.memory_space<hbm>> -> memref<1x40x128xi32, #tpu.memory_space<hbm>>
        %dma_wait3A_99 = tpu.memref_squeeze %dma_wait3A_98 : memref<1x40x128xi32, #tpu.memory_space<hbm>> -> memref<40x128xi32, #tpu.memory_space<hbm>>
        tpu.wait_dma2 semaphore(%run_scoped3A_83 : memref<!tpu.dma_semaphore, #tpu.memory_space<semaphore_mem>>) src(%dma_wait3A_99 : memref<40x128xi32, #tpu.memory_space<hbm>>) dst(%arg8 : memref<40x128xi32, #tpu.memory_space<vmem>>)
        tpu.yield
      }) : () -> ()
      "tpu.region"() ({
        %run_scoped3A_83 = tpu.sem_alloc : memref<!tpu.dma_semaphore, #tpu.memory_space<semaphore_mem>>
        %dma_start3A_84 = arith.constant 40 : i32
        %dma_start3A_85 = arith.constant 0 : i32
        %dma_start3A_86 = tpu.memref_slice %arg5[%arg1, %dma_start3A_84, %dma_start3A_85] : memref<16x80x128xi32, #tpu.memory_space<hbm>> -> memref<1x40x128xi32, #tpu.memory_space<hbm>>
        %dma_start3A_87 = tpu.memref_squeeze %dma_start3A_86 : memref<1x40x128xi32, #tpu.memory_space<hbm>> -> memref<40x128xi32, #tpu.memory_space<hbm>>
        %dma_start3A_88 = arith.constant 40 : i32
        %dma_start3A_89 = arith.constant 0 : i32
        %dma_start3A_90 = tpu.memref_slice %arg5[%arg1, %dma_start3A_88, %dma_start3A_89] : memref<16x80x128xi32, #tpu.memory_space<hbm>> -> memref<1x40x128xi32, #tpu.memory_space<hbm>>
        %dma_start3A_91 = tpu.memref_squeeze %dma_start3A_90 : memref<1x40x128xi32, #tpu.memory_space<hbm>> -> memref<40x128xi32, #tpu.memory_space<hbm>>
        tpu.enqueue_dma source(%dma_start3A_91 : memref<40x128xi32, #tpu.memory_space<hbm>>) target(%arg9 : memref<40x128xi32, #tpu.memory_space<vmem>>) target_semaphore(%run_scoped3A_83 : memref<!tpu.dma_semaphore, #tpu.memory_space<semaphore_mem>>)
        %dma_wait3A_92 = arith.constant 40 : i32
        %dma_wait3A_93 = arith.constant 0 : i32
        %dma_wait3A_94 = tpu.memref_slice %arg5[%arg1, %dma_wait3A_92, %dma_wait3A_93] : memref<16x80x128xi32, #tpu.memory_space<hbm>> -> memref<1x40x128xi32, #tpu.memory_space<hbm>>
        %dma_wait3A_95 = tpu.memref_squeeze %dma_wait3A_94 : memref<1x40x128xi32, #tpu.memory_space<hbm>> -> memref<40x128xi32, #tpu.memory_space<hbm>>
        %dma_wait3A_96 = arith.constant 40 : i32
        %dma_wait3A_97 = arith.constant 0 : i32
        %dma_wait3A_98 = tpu.memref_slice %arg5[%arg1, %dma_wait3A_96, %dma_wait3A_97] : memref<16x80x128xi32, #tpu.memory_space<hbm>> -> memref<1x40x128xi32, #tpu.memory_space<hbm>>
        %dma_wait3A_99 = tpu.memref_squeeze %dma_wait3A_98 : memref<1x40x128xi32, #tpu.memory_space<hbm>> -> memref<40x128xi32, #tpu.memory_space<hbm>>
        tpu.wait_dma2 semaphore(%run_scoped3A_83 : memref<!tpu.dma_semaphore, #tpu.memory_space<semaphore_mem>>) src(%dma_wait3A_99 : memref<40x128xi32, #tpu.memory_space<hbm>>) dst(%arg9 : memref<40x128xi32, #tpu.memory_space<vmem>>)
        tpu.yield
      }) : () -> ()
      %dma_start3A_46 = arith.constant 0 : i32
      %dma_start3A_47 = arith.constant 0 : i32
      %dma_start3A_48 = tpu.memref_slice %arg8[%dma_start3A_46, %dma_start3A_47] : memref<40x128xi32, #tpu.memory_space<vmem>> -> memref<1x128xi32, #tpu.memory_space<vmem>>
      %dma_start3A_49 = tpu.memref_squeeze %dma_start3A_48 : memref<1x128xi32, #tpu.memory_space<vmem>> -> memref<128xi32, #tpu.memory_space<vmem>>
      %dma_start3A_50 = arith.constant 0 : i32
      %dma_start3A_51 = arith.constant 0 : i32
      %dma_start3A_52 = tpu.memref_slice %arg3[%dma_start3A_50, %dma_start3A_51] : memref<10000x128xf32, #tpu.memory_space<hbm>> -> memref<10000x128xf32, #tpu.memory_space<hbm>>
      tpu.enqueue_indirect_dma source(%dma_start3A_52 : memref<10000x128xf32, #tpu.memory_space<hbm>>) target(%arg10 : memref<128x128xf32, #tpu.memory_space<vmem>>) offsets(%dma_start3A_49 : memref<128xi32, #tpu.memory_space<vmem>>) semaphore(%arg13 : memref<!tpu.dma_semaphore, #tpu.memory_space<semaphore_mem>>)
      %dma_start3A_53 = arith.constant 1 : i32
      %dma_start3A_54 = arith.constant 0 : i32
      %dma_start3A_55 = tpu.memref_slice %arg8[%dma_start3A_53, %dma_start3A_54] : memref<40x128xi32, #tpu.memory_space<vmem>> -> memref<1x128xi32, #tpu.memory_space<vmem>>
      %dma_start3A_56 = tpu.memref_squeeze %dma_start3A_55 : memref<1x128xi32, #tpu.memory_space<vmem>> -> memref<128xi32, #tpu.memory_space<vmem>>
      %dma_start3A_57 = arith.constant 0 : i32
      %dma_start3A_58 = arith.constant 0 : i32
      %dma_start3A_59 = tpu.memref_slice %arg3[%dma_start3A_57, %dma_start3A_58] : memref<10000x128xf32, #tpu.memory_space<hbm>> -> memref<10000x128xf32, #tpu.memory_space<hbm>>
      tpu.enqueue_indirect_dma source(%dma_start3A_59 : memref<10000x128xf32, #tpu.memory_space<hbm>>) target(%arg11 : memref<128x128xf32, #tpu.memory_space<vmem>>) offsets(%dma_start3A_56 : memref<128xi32, #tpu.memory_space<vmem>>) semaphore(%arg14 : memref<!tpu.dma_semaphore, #tpu.memory_space<semaphore_mem>>)
      %scan3A_60 = arith.constant 0 : i32
      %scan3A_61 = arith.constant 0 : i32
      %scan3A_62 = arith.constant 19 : i32
      %scan3A_63 = arith.addi %scan3A_61, %scan3A_62 : i32
      %scan3A_64 = arith.constant 1 : i32
      %scan3A_65 = scf.for %scan3A_83 = %scan3A_61 to %scan3A_63 step %scan3A_64 iter_args(%scan3A_84 = %scan3A_60) -> (i32)  : i32 {
        %mul3A_85 = arith.constant 2 : i32
        %mul3A_86 = arith.muli %mul3A_85, %scan3A_83 : i32
        %dma_wait3A_87 = arith.constant 0 : i32
        %dma_wait3A_88 = tpu.memref_slice %arg8[%mul3A_86, %dma_wait3A_87] : memref<40x128xi32, #tpu.memory_space<vmem>> -> memref<1x128xi32, #tpu.memory_space<vmem>>
        %dma_wait3A_89 = tpu.memref_squeeze %dma_wait3A_88 : memref<1x128xi32, #tpu.memory_space<vmem>> -> memref<128xi32, #tpu.memory_space<vmem>>
        %dma_wait3A_90 = arith.constant 0 : i32
        %dma_wait3A_91 = arith.constant 0 : i32
        %dma_wait3A_92 = tpu.memref_slice %arg3[%dma_wait3A_90, %dma_wait3A_91] : memref<10000x128xf32, #tpu.memory_space<hbm>> -> memref<10000x128xf32, #tpu.memory_space<hbm>>
        tpu.wait_indirect_dma semaphore(%arg13 : memref<!tpu.dma_semaphore, #tpu.memory_space<semaphore_mem>>) src(%dma_wait3A_92 : memref<10000x128xf32, #tpu.memory_space<hbm>>) dst(%arg10 : memref<128x128xf32, #tpu.memory_space<vmem>>)
        "tpu.region"() ({
          %run_scoped3A_119 = tpu.sem_alloc : memref<!tpu.dma_semaphore, #tpu.memory_space<semaphore_mem>>
          %dma_start3A_120 = arith.constant 0 : i32
          %dma_start3A_121 = tpu.memref_slice %arg9[%mul3A_86, %dma_start3A_120] : memref<40x128xi32, #tpu.memory_space<vmem>> -> memref<1x128xi32, #tpu.memory_space<vmem>>
          %dma_start3A_122 = tpu.memref_squeeze %dma_start3A_121 : memref<1x128xi32, #tpu.memory_space<vmem>> -> memref<128xi32, #tpu.memory_space<vmem>>
          %dma_start3A_123 = arith.constant 0 : i32
          %dma_start3A_124 = arith.constant 0 : i32
          %dma_start3A_125 = tpu.memref_slice %arg12[%dma_start3A_123, %dma_start3A_124] : memref<10112x128xf32, #tpu.memory_space<vmem_shared>> -> memref<10112x128xf32, #tpu.memory_space<vmem_shared>>
          tpu.enqueue_indirect_dma source(%arg10 : memref<128x128xf32, #tpu.memory_space<vmem>>) target(%dma_start3A_125 : memref<10112x128xf32, #tpu.memory_space<vmem_shared>>) offsets(%dma_start3A_122 : memref<128xi32, #tpu.memory_space<vmem>>) semaphore(%run_scoped3A_119 : memref<!tpu.dma_semaphore, #tpu.memory_space<semaphore_mem>>) {add = true}
          %dma_wait3A_126 = arith.constant 0 : i32
          %dma_wait3A_127 = tpu.memref_slice %arg9[%mul3A_86, %dma_wait3A_126] : memref<40x128xi32, #tpu.memory_space<vmem>> -> memref<1x128xi32, #tpu.memory_space<vmem>>
          %dma_wait3A_128 = tpu.memref_squeeze %dma_wait3A_127 : memref<1x128xi32, #tpu.memory_space<vmem>> -> memref<128xi32, #tpu.memory_space<vmem>>
          %dma_wait3A_129 = arith.constant 0 : i32
          %dma_wait3A_130 = arith.constant 0 : i32
          %dma_wait3A_131 = tpu.memref_slice %arg12[%dma_wait3A_129, %dma_wait3A_130] : memref<10112x128xf32, #tpu.memory_space<vmem_shared>> -> memref<10112x128xf32, #tpu.memory_space<vmem_shared>>
          tpu.wait_indirect_dma semaphore(%run_scoped3A_119 : memref<!tpu.dma_semaphore, #tpu.memory_space<semaphore_mem>>) src(%arg10 : memref<128x128xf32, #tpu.memory_space<vmem>>) dst(%dma_wait3A_131 : memref<10112x128xf32, #tpu.memory_space<vmem_shared>>)
          tpu.yield
        }) : () -> ()
        %add3A = arith.constant 2 : i32
        %add3A_93 = arith.addi %mul3A_86, %add3A : i32
        %dma_start3A_94 = arith.constant 0 : i32
        %dma_start3A_95 = tpu.memref_slice %arg8[%add3A_93, %dma_start3A_94] : memref<40x128xi32, #tpu.memory_space<vmem>> -> memref<1x128xi32, #tpu.memory_space<vmem>>
        %dma_start3A_96 = tpu.memref_squeeze %dma_start3A_95 : memref<1x128xi32, #tpu.memory_space<vmem>> -> memref<128xi32, #tpu.memory_space<vmem>>
        %dma_start3A_97 = arith.constant 0 : i32
        %dma_start3A_98 = arith.constant 0 : i32
        %dma_start3A_99 = tpu.memref_slice %arg3[%dma_start3A_97, %dma_start3A_98] : memref<10000x128xf32, #tpu.memory_space<hbm>> -> memref<10000x128xf32, #tpu.memory_space<hbm>>
        tpu.enqueue_indirect_dma source(%dma_start3A_99 : memref<10000x128xf32, #tpu.memory_space<hbm>>) target(%arg10 : memref<128x128xf32, #tpu.memory_space<vmem>>) offsets(%dma_start3A_96 : memref<128xi32, #tpu.memory_space<vmem>>) semaphore(%arg13 : memref<!tpu.dma_semaphore, #tpu.memory_space<semaphore_mem>>)
        %mul3A_100 = arith.constant 2 : i32
        %mul3A_101 = arith.muli %mul3A_100, %scan3A_83 : i32
        %add3A_102 = arith.constant 1 : i32
        %add3A_103 = arith.addi %mul3A_101, %add3A_102 : i32
        %dma_wait3A_104 = arith.constant 0 : i32
        %dma_wait3A_105 = tpu.memref_slice %arg8[%add3A_103, %dma_wait3A_104] : memref<40x128xi32, #tpu.memory_space<vmem>> -> memref<1x128xi32, #tpu.memory_space<vmem>>
        %dma_wait3A_106 = tpu.memref_squeeze %dma_wait3A_105 : memref<1x128xi32, #tpu.memory_space<vmem>> -> memref<128xi32, #tpu.memory_space<vmem>>
        %dma_wait3A_107 = arith.constant 0 : i32
        %dma_wait3A_108 = arith.constant 0 : i32
        %dma_wait3A_109 = tpu.memref_slice %arg3[%dma_wait3A_107, %dma_wait3A_108] : memref<10000x128xf32, #tpu.memory_space<hbm>> -> memref<10000x128xf32, #tpu.memory_space<hbm>>
        tpu.wait_indirect_dma semaphore(%arg14 : memref<!tpu.dma_semaphore, #tpu.memory_space<semaphore_mem>>) src(%dma_wait3A_109 : memref<10000x128xf32, #tpu.memory_space<hbm>>) dst(%arg11 : memref<128x128xf32, #tpu.memory_space<vmem>>)
        "tpu.region"() ({
          %run_scoped3A_119 = tpu.sem_alloc : memref<!tpu.dma_semaphore, #tpu.memory_space<semaphore_mem>>
          %dma_start3A_120 = arith.constant 0 : i32
          %dma_start3A_121 = tpu.memref_slice %arg9[%add3A_103, %dma_start3A_120] : memref<40x128xi32, #tpu.memory_space<vmem>> -> memref<1x128xi32, #tpu.memory_space<vmem>>
          %dma_start3A_122 = tpu.memref_squeeze %dma_start3A_121 : memref<1x128xi32, #tpu.memory_space<vmem>> -> memref<128xi32, #tpu.memory_space<vmem>>
          %dma_start3A_123 = arith.constant 0 : i32
          %dma_start3A_124 = arith.constant 0 : i32
          %dma_start3A_125 = tpu.memref_slice %arg12[%dma_start3A_123, %dma_start3A_124] : memref<10112x128xf32, #tpu.memory_space<vmem_shared>> -> memref<10112x128xf32, #tpu.memory_space<vmem_shared>>
          tpu.enqueue_indirect_dma source(%arg11 : memref<128x128xf32, #tpu.memory_space<vmem>>) target(%dma_start3A_125 : memref<10112x128xf32, #tpu.memory_space<vmem_shared>>) offsets(%dma_start3A_122 : memref<128xi32, #tpu.memory_space<vmem>>) semaphore(%run_scoped3A_119 : memref<!tpu.dma_semaphore, #tpu.memory_space<semaphore_mem>>) {add = true}
          %dma_wait3A_126 = arith.constant 0 : i32
          %dma_wait3A_127 = tpu.memref_slice %arg9[%add3A_103, %dma_wait3A_126] : memref<40x128xi32, #tpu.memory_space<vmem>> -> memref<1x128xi32, #tpu.memory_space<vmem>>
          %dma_wait3A_128 = tpu.memref_squeeze %dma_wait3A_127 : memref<1x128xi32, #tpu.memory_space<vmem>> -> memref<128xi32, #tpu.memory_space<vmem>>
          %dma_wait3A_129 = arith.constant 0 : i32
          %dma_wait3A_130 = arith.constant 0 : i32
          %dma_wait3A_131 = tpu.memref_slice %arg12[%dma_wait3A_129, %dma_wait3A_130] : memref<10112x128xf32, #tpu.memory_space<vmem_shared>> -> memref<10112x128xf32, #tpu.memory_space<vmem_shared>>
          tpu.wait_indirect_dma semaphore(%run_scoped3A_119 : memref<!tpu.dma_semaphore, #tpu.memory_space<semaphore_mem>>) src(%arg11 : memref<128x128xf32, #tpu.memory_space<vmem>>) dst(%dma_wait3A_131 : memref<10112x128xf32, #tpu.memory_space<vmem_shared>>)
          tpu.yield
        }) : () -> ()
        %add3A_110 = arith.constant 2 : i32
        %add3A_111 = arith.addi %add3A_103, %add3A_110 : i32
        %dma_start3A_112 = arith.constant 0 : i32
        %dma_start3A_113 = tpu.memref_slice %arg8[%add3A_111, %dma_start3A_112] : memref<40x128xi32, #tpu.memory_space<vmem>> -> memref<1x128xi32, #tpu.memory_space<vmem>>
        %dma_start3A_114 = tpu.memref_squeeze %dma_start3A_113 : memref<1x128xi32, #tpu.memory_space<vmem>> -> memref<128xi32, #tpu.memory_space<vmem>>
        %dma_start3A_115 = arith.constant 0 : i32
        %dma_start3A_116 = arith.constant 0 : i32
        %dma_start3A_117 = tpu.memref_slice %arg3[%dma_start3A_115, %dma_start3A_116] : memref<10000x128xf32, #tpu.memory_space<hbm>> -> memref<10000x128xf32, #tpu.memory_space<hbm>>
        tpu.enqueue_indirect_dma source(%dma_start3A_117 : memref<10000x128xf32, #tpu.memory_space<hbm>>) target(%arg11 : memref<128x128xf32, #tpu.memory_space<vmem>>) offsets(%dma_start3A_114 : memref<128xi32, #tpu.memory_space<vmem>>) semaphore(%arg14 : memref<!tpu.dma_semaphore, #tpu.memory_space<semaphore_mem>>)
        %scan3A_118 = arith.constant 0 : i32
        scf.yield %scan3A_118 : i32
      }
      %scan3A_66 = arith.constant 19 : i32
      %dma_wait3A_67 = arith.constant 38 : i32
      %dma_wait3A_68 = arith.constant 0 : i32
      %dma_wait3A_69 = tpu.memref_slice %arg8[%dma_wait3A_67, %dma_wait3A_68] : memref<40x128xi32, #tpu.memory_space<vmem>> -> memref<1x128xi32, #tpu.memory_space<vmem>>
      %dma_wait3A_70 = tpu.memref_squeeze %dma_wait3A_69 : memref<1x128xi32, #tpu.memory_space<vmem>> -> memref<128xi32, #tpu.memory_space<vmem>>
      %dma_wait3A_71 = arith.constant 0 : i32
      %dma_wait3A_72 = arith.constant 0 : i32
      %dma_wait3A_73 = tpu.memref_slice %arg3[%dma_wait3A_71, %dma_wait3A_72] : memref<10000x128xf32, #tpu.memory_space<hbm>> -> memref<10000x128xf32, #tpu.memory_space<hbm>>
      tpu.wait_indirect_dma semaphore(%arg13 : memref<!tpu.dma_semaphore, #tpu.memory_space<semaphore_mem>>) src(%dma_wait3A_73 : memref<10000x128xf32, #tpu.memory_space<hbm>>) dst(%arg10 : memref<128x128xf32, #tpu.memory_space<vmem>>)
      %run_scoped3A_74 = arith.constant 38 : i32
      "tpu.region"() ({
        %run_scoped3A_83 = tpu.sem_alloc : memref<!tpu.dma_semaphore, #tpu.memory_space<semaphore_mem>>
        %dma_start3A_84 = arith.constant 0 : i32
        %dma_start3A_85 = tpu.memref_slice %arg9[%run_scoped3A_74, %dma_start3A_84] : memref<40x128xi32, #tpu.memory_space<vmem>> -> memref<1x128xi32, #tpu.memory_space<vmem>>
        %dma_start3A_86 = tpu.memref_squeeze %dma_start3A_85 : memref<1x128xi32, #tpu.memory_space<vmem>> -> memref<128xi32, #tpu.memory_space<vmem>>
        %dma_start3A_87 = arith.constant 0 : i32
        %dma_start3A_88 = arith.constant 0 : i32
        %dma_start3A_89 = tpu.memref_slice %arg12[%dma_start3A_87, %dma_start3A_88] : memref<10112x128xf32, #tpu.memory_space<vmem_shared>> -> memref<10112x128xf32, #tpu.memory_space<vmem_shared>>
        tpu.enqueue_indirect_dma source(%arg10 : memref<128x128xf32, #tpu.memory_space<vmem>>) target(%dma_start3A_89 : memref<10112x128xf32, #tpu.memory_space<vmem_shared>>) offsets(%dma_start3A_86 : memref<128xi32, #tpu.memory_space<vmem>>) semaphore(%run_scoped3A_83 : memref<!tpu.dma_semaphore, #tpu.memory_space<semaphore_mem>>) {add = true}
        %dma_wait3A_90 = arith.constant 0 : i32
        %dma_wait3A_91 = tpu.memref_slice %arg9[%run_scoped3A_74, %dma_wait3A_90] : memref<40x128xi32, #tpu.memory_space<vmem>> -> memref<1x128xi32, #tpu.memory_space<vmem>>
        %dma_wait3A_92 = tpu.memref_squeeze %dma_wait3A_91 : memref<1x128xi32, #tpu.memory_space<vmem>> -> memref<128xi32, #tpu.memory_space<vmem>>
        %dma_wait3A_93 = arith.constant 0 : i32
        %dma_wait3A_94 = arith.constant 0 : i32
        %dma_wait3A_95 = tpu.memref_slice %arg12[%dma_wait3A_93, %dma_wait3A_94] : memref<10112x128xf32, #tpu.memory_space<vmem_shared>> -> memref<10112x128xf32, #tpu.memory_space<vmem_shared>>
        tpu.wait_indirect_dma semaphore(%run_scoped3A_83 : memref<!tpu.dma_semaphore, #tpu.memory_space<semaphore_mem>>) src(%arg10 : memref<128x128xf32, #tpu.memory_space<vmem>>) dst(%dma_wait3A_95 : memref<10112x128xf32, #tpu.memory_space<vmem_shared>>)
        tpu.yield
      }) : () -> ()
      %dma_wait3A_75 = arith.constant 39 : i32
      %dma_wait3A_76 = arith.constant 0 : i32
      %dma_wait3A_77 = tpu.memref_slice %arg8[%dma_wait3A_75, %dma_wait3A_76] : memref<40x128xi32, #tpu.memory_space<vmem>> -> memref<1x128xi32, #tpu.memory_space<vmem>>
      %dma_wait3A_78 = tpu.memref_squeeze %dma_wait3A_77 : memref<1x128xi32, #tpu.memory_space<vmem>> -> memref<128xi32, #tpu.memory_space<vmem>>
      %dma_wait3A_79 = arith.constant 0 : i32
      %dma_wait3A_80 = arith.constant 0 : i32
      %dma_wait3A_81 = tpu.memref_slice %arg3[%dma_wait3A_79, %dma_wait3A_80] : memref<10000x128xf32, #tpu.memory_space<hbm>> -> memref<10000x128xf32, #tpu.memory_space<hbm>>
      tpu.wait_indirect_dma semaphore(%arg14 : memref<!tpu.dma_semaphore, #tpu.memory_space<semaphore_mem>>) src(%dma_wait3A_81 : memref<10000x128xf32, #tpu.memory_space<hbm>>) dst(%arg11 : memref<128x128xf32, #tpu.memory_space<vmem>>)
      %run_scoped3A_82 = arith.constant 39 : i32
      "tpu.region"() ({
        %run_scoped3A_83 = tpu.sem_alloc : memref<!tpu.dma_semaphore, #tpu.memory_space<semaphore_mem>>
        %dma_start3A_84 = arith.constant 0 : i32
        %dma_start3A_85 = tpu.memref_slice %arg9[%run_scoped3A_82, %dma_start3A_84] : memref<40x128xi32, #tpu.memory_space<vmem>> -> memref<1x128xi32, #tpu.memory_space<vmem>>
        %dma_start3A_86 = tpu.memref_squeeze %dma_start3A_85 : memref<1x128xi32, #tpu.memory_space<vmem>> -> memref<128xi32, #tpu.memory_space<vmem>>
        %dma_start3A_87 = arith.constant 0 : i32
        %dma_start3A_88 = arith.constant 0 : i32
        %dma_start3A_89 = tpu.memref_slice %arg12[%dma_start3A_87, %dma_start3A_88] : memref<10112x128xf32, #tpu.memory_space<vmem_shared>> -> memref<10112x128xf32, #tpu.memory_space<vmem_shared>>
        tpu.enqueue_indirect_dma source(%arg11 : memref<128x128xf32, #tpu.memory_space<vmem>>) target(%dma_start3A_89 : memref<10112x128xf32, #tpu.memory_space<vmem_shared>>) offsets(%dma_start3A_86 : memref<128xi32, #tpu.memory_space<vmem>>) semaphore(%run_scoped3A_83 : memref<!tpu.dma_semaphore, #tpu.memory_space<semaphore_mem>>) {add = true}
        %dma_wait3A_90 = arith.constant 0 : i32
        %dma_wait3A_91 = tpu.memref_slice %arg9[%run_scoped3A_82, %dma_wait3A_90] : memref<40x128xi32, #tpu.memory_space<vmem>> -> memref<1x128xi32, #tpu.memory_space<vmem>>
        %dma_wait3A_92 = tpu.memref_squeeze %dma_wait3A_91 : memref<1x128xi32, #tpu.memory_space<vmem>> -> memref<128xi32, #tpu.memory_space<vmem>>
        %dma_wait3A_93 = arith.constant 0 : i32
        %dma_wait3A_94 = arith.constant 0 : i32
        %dma_wait3A_95 = tpu.memref_slice %arg12[%dma_wait3A_93, %dma_wait3A_94] : memref<10112x128xf32, #tpu.memory_space<vmem_shared>> -> memref<10112x128xf32, #tpu.memory_space<vmem_shared>>
        tpu.wait_indirect_dma semaphore(%run_scoped3A_83 : memref<!tpu.dma_semaphore, #tpu.memory_space<semaphore_mem>>) src(%arg11 : memref<128x128xf32, #tpu.memory_space<vmem>>) dst(%dma_wait3A_95 : memref<10112x128xf32, #tpu.memory_space<vmem_shared>>)
        tpu.yield
      }) : () -> ()
    } else {
    }
    %barrier3A_8 = arith.constant 0 : index
    tpu.barrier barrier_id(%barrier3A_8)
    %mul3A_9 = arith.constant 632 : i32
    %mul3A_10 = arith.muli %arg1, %mul3A_9 : i32
    %mul3A_11 = arith.constant 632 : i32
    %mul3A_12 = arith.muli %arg1, %mul3A_11 : i32
    "tpu.region"() ({
      %run_scoped3A = tpu.sem_alloc : memref<!tpu.dma_semaphore, #tpu.memory_space<semaphore_mem>>
      %dma_start3A = arith.constant 0 : i32
      %dma_start3A_13 = tpu.memref_slice %arg7[%arg0, %mul3A_12, %dma_start3A] : memref<2x10112x128xf32, #tpu.memory_space<hbm>> -> memref<1x632x128xf32, #tpu.memory_space<hbm>>
      %dma_start3A_14 = tpu.memref_squeeze %dma_start3A_13 : memref<1x632x128xf32, #tpu.memory_space<hbm>> -> memref<632x128xf32, #tpu.memory_space<hbm>>
      %dma_start3A_15 = arith.constant 0 : i32
      %dma_start3A_16 = tpu.memref_slice %arg12[%mul3A_10, %dma_start3A_15] : memref<10112x128xf32, #tpu.memory_space<vmem_shared>> -> memref<632x128xf32, #tpu.memory_space<vmem_shared>>
      tpu.enqueue_dma source(%dma_start3A_16 : memref<632x128xf32, #tpu.memory_space<vmem_shared>>) target(%dma_start3A_14 : memref<632x128xf32, #tpu.memory_space<hbm>>) target_semaphore(%run_scoped3A : memref<!tpu.dma_semaphore, #tpu.memory_space<semaphore_mem>>)
      %dma_wait3A = arith.constant 0 : i32
      %dma_wait3A_17 = tpu.memref_slice %arg7[%arg0, %mul3A_12, %dma_wait3A] : memref<2x10112x128xf32, #tpu.memory_space<hbm>> -> memref<1x632x128xf32, #tpu.memory_space<hbm>>
      %dma_wait3A_18 = tpu.memref_squeeze %dma_wait3A_17 : memref<1x632x128xf32, #tpu.memory_space<hbm>> -> memref<632x128xf32, #tpu.memory_space<hbm>>
      %dma_wait3A_19 = arith.constant 0 : i32
      %dma_wait3A_20 = tpu.memref_slice %arg12[%mul3A_10, %dma_wait3A_19] : memref<10112x128xf32, #tpu.memory_space<vmem_shared>> -> memref<632x128xf32, #tpu.memory_space<vmem_shared>>
      tpu.wait_dma2 semaphore(%run_scoped3A : memref<!tpu.dma_semaphore, #tpu.memory_space<semaphore_mem>>) src(%dma_wait3A_20 : memref<632x128xf32, #tpu.memory_space<vmem_shared>>) dst(%dma_wait3A_18 : memref<632x128xf32, #tpu.memory_space<hbm>>)
      tpu.yield
    }) : () -> ()
    return
  }
}

module attributes {stable_mosaic.version = 14 : i64} {
  func.func @_tc_a_body(%arg0: i32, %arg1: memref<1000x32xf32, #tpu.memory_space<vmem>>, %arg2: memref<1000x256xf32, #tpu.memory_space<vmem>>, %arg3: memref<256x256xf32, #tpu.memory_space<vmem>>, %arg4: memref<1000x128xf32, #tpu.memory_space<vmem>>, %arg5: memref<1000x128xf32, #tpu.memory_space<vmem>>, %arg6: memref<1000x1xf32, #tpu.memory_space<vmem>>) attributes {dimension_semantics = [#tpu.dimension_semantics<arbitrary>], iteration_bounds = array<i64: 10>, scalar_prefetch = 0 : i64, scratch_operands = 0 : i64, tpu.core_type = #tpu.core_type<tc>, window_params = [{transform_indices = @transform_0, window_bounds = array<i64: 1000, 32>}, {transform_indices = @transform_1, window_bounds = array<i64: 1000, 256>}, {pipeline_mode = #tpu.pipeline_mode<synchronous>, transform_indices = @transform_2, window_bounds = array<i64: 256, 256>}, {transform_indices = @transform_3, window_bounds = array<i64: 1000, 128>}, {transform_indices = @transform_4, window_bounds = array<i64: 1000, 128>}, {transform_indices = @transform_5, window_bounds = array<i64: 1000, 1>}]} {
    %get3A = arith.constant 0 : index
    %get3A_0 = arith.constant 0 : index
    %get3A_1 = vector.load %arg1[%get3A, %get3A_0] : memref<1000x32xf32, #tpu.memory_space<vmem>>, vector<1000x32xf32>
    %reduce_sum3A = arith.constant dense<0.000000e+00> : vector<1000xf32>
    %reduce_sum3A_2 = vector.multi_reduction <add>, %get3A_1, %reduce_sum3A [1] : vector<1000x32xf32> to vector<1000xf32>
    %add3A = arith.constant 1.000000e+00 : f32
    %add3A_3 = vector.broadcast %add3A : f32 to vector<1000xf32>
    %add3A_4 = arith.addf %add3A_3, %reduce_sum3A_2 : vector<1000xf32>
    %rsqrt3A = math.rsqrt %add3A_4 : vector<1000xf32>
    %broadcast_in_dim3A = vector.shape_cast %rsqrt3A : vector<1000xf32> to vector<1000x1xf32>
    %get3A_5 = arith.constant 0 : index
    %get3A_6 = arith.constant 0 : index
    %get3A_7 = vector.load %arg2[%get3A_5, %get3A_6] : memref<1000x256xf32, #tpu.memory_space<vmem>>, vector<1000x256xf32>
    %get3A_8 = arith.constant 0 : index
    %get3A_9 = arith.constant 0 : index
    %get3A_10 = vector.load %arg3[%get3A_8, %get3A_9] : memref<256x256xf32, #tpu.memory_space<vmem>>, vector<256x256xf32>
    %dot_general3A = arith.constant dense<0.000000e+00> : vector<1000x256xf32>
    %dot_general3A_11 = tpu.matmul %get3A_7, %get3A_10, %dot_general3A {dimension_numbers = #tpu.dot_dimension_numbers<[1], [0], [0], [1], [0, 0, 1, 1], [], []>, transpose_lhs_hint = false} : vector<1000x256xf32>, vector<256x256xf32>, vector<1000x256xf32> -> vector<1000x256xf32>
    %mul3A = vector.broadcast %broadcast_in_dim3A : vector<1000x1xf32> to vector<1000x256xf32>
    %mul3A_12 = arith.mulf %dot_general3A_11, %mul3A : vector<1000x256xf32>
    %slice3A = vector.extract_strided_slice %mul3A_12 {offsets = [0, 0], sizes = [1000, 128], strides = [1, 1]} : vector<1000x256xf32> to vector<1000x128xf32>
    %swap3A = arith.constant 0 : index
    %swap3A_13 = arith.constant 0 : index
    %swap3A_14 = vector.load %arg4[%swap3A, %swap3A_13] : memref<1000x128xf32, #tpu.memory_space<vmem>>, vector<1000x128xf32>
    tpu.vector_store %arg4[%swap3A, %swap3A_13], %slice3A {strides = array<i32>} : memref<1000x128xf32, #tpu.memory_space<vmem>>, vector<1000x128xf32>,
    %slice3A_15 = vector.extract_strided_slice %mul3A_12 {offsets = [0, 128], sizes = [1000, 128], strides = [1, 1]} : vector<1000x256xf32> to vector<1000x128xf32>
    %swap3A_16 = arith.constant 0 : index
    %swap3A_17 = arith.constant 0 : index
    %swap3A_18 = vector.load %arg5[%swap3A_16, %swap3A_17] : memref<1000x128xf32, #tpu.memory_space<vmem>>, vector<1000x128xf32>
    tpu.vector_store %arg5[%swap3A_16, %swap3A_17], %slice3A_15 {strides = array<i32>} : memref<1000x128xf32, #tpu.memory_space<vmem>>, vector<1000x128xf32>,
    %swap3A_19 = arith.constant 0 : index
    %swap3A_20 = arith.constant 0 : index
    %swap3A_21 = vector.load %arg6[%swap3A_19, %swap3A_20] : memref<1000x1xf32, #tpu.memory_space<vmem>>, vector<1000x1xf32>
    tpu.vector_store %arg6[%swap3A_19, %swap3A_20], %broadcast_in_dim3A {strides = array<i32>} : memref<1000x1xf32, #tpu.memory_space<vmem>>, vector<1000x1xf32>,
    return
  }
  func.func @transform_0(%arg0: i32) -> (i32, i32) {
    %c0_i32 = arith.constant 0 : i32
    %c0_i32_0 = arith.constant 0 : i32
    return %arg0, %c0_i32 : i32, i32
  }
  func.func @transform_1(%arg0: i32) -> (i32, i32) {
    %c0_i32 = arith.constant 0 : i32
    %c0_i32_0 = arith.constant 0 : i32
    return %arg0, %c0_i32 : i32, i32
  }
  func.func @transform_2(%arg0: i32) -> (i32, i32) {
    %c0_i32 = arith.constant 0 : i32
    %c0_i32_0 = arith.constant 0 : i32
    %c0_i32_1 = arith.constant 0 : i32
    return %c0_i32, %c0_i32_0 : i32, i32
  }
  func.func @transform_3(%arg0: i32) -> (i32, i32) {
    %c0_i32 = arith.constant 0 : i32
    %c0_i32_0 = arith.constant 0 : i32
    return %arg0, %c0_i32 : i32, i32
  }
  func.func @transform_4(%arg0: i32) -> (i32, i32) {
    %c0_i32 = arith.constant 0 : i32
    %c0_i32_0 = arith.constant 0 : i32
    return %arg0, %c0_i32 : i32, i32
  }
  func.func @transform_5(%arg0: i32) -> (i32, i32) {
    %c0_i32 = arith.constant 0 : i32
    %c0_i32_0 = arith.constant 0 : i32
    return %arg0, %c0_i32 : i32, i32
  }
}

module attributes {stable_mosaic.version = 14 : i64} {
  func.func @_tc_b_body(%arg0: i32, %arg1: memref<1x1000x128xf32, #tpu.memory_space<vmem>>, %arg2: memref<1x1000x128xf32, #tpu.memory_space<vmem>>, %arg3: memref<1000x128xf32, #tpu.memory_space<vmem>>, %arg4: memref<1000x128xf32, #tpu.memory_space<vmem>>, %arg5: memref<1000x1xf32, #tpu.memory_space<vmem>>, %arg6: memref<1x256xf32, #tpu.memory_space<vmem>>, %arg7: memref<256x256xf32, #tpu.memory_space<vmem>>, %arg8: memref<1000x128xf32, #tpu.memory_space<vmem>>, %arg9: memref<1000x128xf32, #tpu.memory_space<vmem>>) attributes {dimension_semantics = [#tpu.dimension_semantics<arbitrary>], iteration_bounds = array<i64: 10>, scalar_prefetch = 0 : i64, scratch_operands = 0 : i64, tpu.core_type = #tpu.core_type<tc>, window_params = [{transform_indices = @transform_0, window_bounds = array<i64: 1, 1000, 128>}, {transform_indices = @transform_1, window_bounds = array<i64: 1, 1000, 128>}, {transform_indices = @transform_2, window_bounds = array<i64: 1000, 128>}, {transform_indices = @transform_3, window_bounds = array<i64: 1000, 128>}, {transform_indices = @transform_4, window_bounds = array<i64: 1000, 1>}, {pipeline_mode = #tpu.pipeline_mode<synchronous>, transform_indices = @transform_5, window_bounds = array<i64: 1, 256>}, {pipeline_mode = #tpu.pipeline_mode<synchronous>, transform_indices = @transform_6, window_bounds = array<i64: 256, 256>}, {transform_indices = @transform_7, window_bounds = array<i64: 1000, 128>}, {transform_indices = @transform_8, window_bounds = array<i64: 1000, 128>}]} {
    %get3A = arith.constant 0 : index
    %get3A_0 = arith.constant 0 : index
    %get3A_1 = arith.constant 0 : index
    %get3A_2 = vector.load %arg1[%get3A, %get3A_0, %get3A_1] : memref<1x1000x128xf32, #tpu.memory_space<vmem>>, vector<1x1000x128xf32>
    %get3A_3 = vector.shape_cast %get3A_2 : vector<1x1000x128xf32> to vector<1000x128xf32>
    %get3A_4 = arith.constant 0 : index
    %get3A_5 = arith.constant 0 : index
    %get3A_6 = arith.constant 0 : index
    %get3A_7 = vector.load %arg2[%get3A_4, %get3A_5, %get3A_6] : memref<1x1000x128xf32, #tpu.memory_space<vmem>>, vector<1x1000x128xf32>
    %get3A_8 = vector.shape_cast %get3A_7 : vector<1x1000x128xf32> to vector<1000x128xf32>
    %concatenate3A = tpu.concatenate %get3A_3, %get3A_8 in 1 : vector<1000x128xf32>, vector<1000x128xf32> -> vector<1000x256xf32>
    %get3A_9 = arith.constant 0 : index
    %get3A_10 = arith.constant 0 : index
    %get3A_11 = vector.load %arg3[%get3A_9, %get3A_10] : memref<1000x128xf32, #tpu.memory_space<vmem>>, vector<1000x128xf32>
    %get3A_12 = arith.constant 0 : index
    %get3A_13 = arith.constant 0 : index
    %get3A_14 = vector.load %arg4[%get3A_12, %get3A_13] : memref<1000x128xf32, #tpu.memory_space<vmem>>, vector<1000x128xf32>
    %concatenate3A_15 = tpu.concatenate %get3A_11, %get3A_14 in 1 : vector<1000x128xf32>, vector<1000x128xf32> -> vector<1000x256xf32>
    %get3A_16 = arith.constant 0 : index
    %get3A_17 = arith.constant 0 : index
    %get3A_18 = vector.load %arg5[%get3A_16, %get3A_17] : memref<1000x1xf32, #tpu.memory_space<vmem>>, vector<1000x1xf32>
    %add3A = arith.addf %concatenate3A, %concatenate3A_15 : vector<1000x256xf32>
    %mul3A = vector.broadcast %get3A_18 : vector<1000x1xf32> to vector<1000x256xf32>
    %mul3A_19 = arith.mulf %mul3A, %add3A : vector<1000x256xf32>
    %get3A_20 = arith.constant 0 : index
    %get3A_21 = arith.constant 0 : index
    %get3A_22 = vector.load %arg6[%get3A_20, %get3A_21] : memref<1x256xf32, #tpu.memory_space<vmem>>, vector<1x256xf32>
    %add3A_23 = vector.broadcast %get3A_22 : vector<1x256xf32> to vector<1000x256xf32>
    %add3A_24 = arith.addf %mul3A_19, %add3A_23 : vector<1000x256xf32>
    %max3A = arith.constant 0.000000e+00 : f32
    %max3A_25 = vector.broadcast %max3A : f32 to vector<1000x256xf32>
    %max3A_26 = arith.maximumf %add3A_24, %max3A_25 : vector<1000x256xf32>
    %get3A_27 = arith.constant 0 : index
    %get3A_28 = arith.constant 0 : index
    %get3A_29 = vector.load %arg7[%get3A_27, %get3A_28] : memref<256x256xf32, #tpu.memory_space<vmem>>, vector<256x256xf32>
    %dot_general3A = arith.constant dense<0.000000e+00> : vector<1000x256xf32>
    %dot_general3A_30 = tpu.matmul %max3A_26, %get3A_29, %dot_general3A {dimension_numbers = #tpu.dot_dimension_numbers<[1], [0], [0], [1], [0, 0, 1, 1], [], []>, transpose_lhs_hint = false} : vector<1000x256xf32>, vector<256x256xf32>, vector<1000x256xf32> -> vector<1000x256xf32>
    %get3A_31 = arith.constant 0 : index
    %get3A_32 = arith.constant 0 : index
    %get3A_33 = vector.load %arg5[%get3A_31, %get3A_32] : memref<1000x1xf32, #tpu.memory_space<vmem>>, vector<1000x1xf32>
    %mul3A_34 = vector.broadcast %get3A_33 : vector<1000x1xf32> to vector<1000x256xf32>
    %mul3A_35 = arith.mulf %dot_general3A_30, %mul3A_34 : vector<1000x256xf32>
    %slice3A = vector.extract_strided_slice %mul3A_35 {offsets = [0, 0], sizes = [1000, 128], strides = [1, 1]} : vector<1000x256xf32> to vector<1000x128xf32>
    %swap3A = arith.constant 0 : index
    %swap3A_36 = arith.constant 0 : index
    %swap3A_37 = vector.load %arg8[%swap3A, %swap3A_36] : memref<1000x128xf32, #tpu.memory_space<vmem>>, vector<1000x128xf32>
    tpu.vector_store %arg8[%swap3A, %swap3A_36], %slice3A {strides = array<i32>} : memref<1000x128xf32, #tpu.memory_space<vmem>>, vector<1000x128xf32>,
    %slice3A_38 = vector.extract_strided_slice %mul3A_35 {offsets = [0, 128], sizes = [1000, 128], strides = [1, 1]} : vector<1000x256xf32> to vector<1000x128xf32>
    %swap3A_39 = arith.constant 0 : index
    %swap3A_40 = arith.constant 0 : index
    %swap3A_41 = vector.load %arg9[%swap3A_39, %swap3A_40] : memref<1000x128xf32, #tpu.memory_space<vmem>>, vector<1000x128xf32>
    tpu.vector_store %arg9[%swap3A_39, %swap3A_40], %slice3A_38 {strides = array<i32>} : memref<1000x128xf32, #tpu.memory_space<vmem>>, vector<1000x128xf32>,
    return
  }
  func.func @transform_0(%arg0: i32) -> (i32, i32, i32) {
    %c0_i32 = arith.constant 0 : i32
    %c0_i32_0 = arith.constant 0 : i32
    %c0_i32_1 = arith.constant 0 : i32
    return %c0_i32, %arg0, %c0_i32_0 : i32, i32, i32
  }
  func.func @transform_1(%arg0: i32) -> (i32, i32, i32) {
    %c1_i32 = arith.constant 1 : i32
    %c0_i32 = arith.constant 0 : i32
    %c0_i32_0 = arith.constant 0 : i32
    return %c1_i32, %arg0, %c0_i32 : i32, i32, i32
  }
  func.func @transform_2(%arg0: i32) -> (i32, i32) {
    %c0_i32 = arith.constant 0 : i32
    %c0_i32_0 = arith.constant 0 : i32
    return %arg0, %c0_i32 : i32, i32
  }
  func.func @transform_3(%arg0: i32) -> (i32, i32) {
    %c0_i32 = arith.constant 0 : i32
    %c0_i32_0 = arith.constant 0 : i32
    return %arg0, %c0_i32 : i32, i32
  }
  func.func @transform_4(%arg0: i32) -> (i32, i32) {
    %c0_i32 = arith.constant 0 : i32
    %c0_i32_0 = arith.constant 0 : i32
    return %arg0, %c0_i32 : i32, i32
  }
  func.func @transform_5(%arg0: i32) -> (i32, i32) {
    %c0_i32 = arith.constant 0 : i32
    %c0_i32_0 = arith.constant 0 : i32
    %c0_i32_1 = arith.constant 0 : i32
    return %c0_i32, %c0_i32_0 : i32, i32
  }
  func.func @transform_6(%arg0: i32) -> (i32, i32) {
    %c0_i32 = arith.constant 0 : i32
    %c0_i32_0 = arith.constant 0 : i32
    %c0_i32_1 = arith.constant 0 : i32
    return %c0_i32, %c0_i32_0 : i32, i32
  }
  func.func @transform_7(%arg0: i32) -> (i32, i32) {
    %c0_i32 = arith.constant 0 : i32
    %c0_i32_0 = arith.constant 0 : i32
    return %arg0, %c0_i32 : i32, i32
  }
  func.func @transform_8(%arg0: i32) -> (i32, i32) {
    %c0_i32 = arith.constant 0 : i32
    %c0_i32_0 = arith.constant 0 : i32
    return %arg0, %c0_i32 : i32, i32
  }
}

module attributes {stable_mosaic.version = 14 : i64} {
  func.func @_tc_cd_body(%arg0: i32, %arg1: memref<1x1000x128xf32, #tpu.memory_space<vmem>>, %arg2: memref<1x1000x128xf32, #tpu.memory_space<vmem>>, %arg3: memref<1000x128xf32, #tpu.memory_space<vmem>>, %arg4: memref<1000x128xf32, #tpu.memory_space<vmem>>, %arg5: memref<1000x1xf32, #tpu.memory_space<vmem>>, %arg6: memref<1000x1xi32, #tpu.memory_space<vmem>>, %arg7: memref<1x256xf32, #tpu.memory_space<vmem>>, %arg8: memref<64x32xf32, #tpu.memory_space<vmem>>, %arg9: memref<256x128xf32, #tpu.memory_space<vmem>>, %arg10: memref<1x128xf32, #tpu.memory_space<vmem>>, %arg11: memref<128x1xf32, #tpu.memory_space<vmem>>, %arg12: memref<1x1xf32, #tpu.memory_space<vmem>>, %arg13: memref<64x1xf32, #tpu.memory_space<vmem>>, %arg14: memref<64x256xf32, #tpu.memory_space<vmem>>) attributes {dimension_semantics = [#tpu.dimension_semantics<arbitrary>], iteration_bounds = array<i64: 10>, scalar_prefetch = 0 : i64, scratch_operands = 1 : i64, tpu.core_type = #tpu.core_type<tc>, window_params = [{transform_indices = @transform_0, window_bounds = array<i64: 1, 1000, 128>}, {transform_indices = @transform_1, window_bounds = array<i64: 1, 1000, 128>}, {transform_indices = @transform_2, window_bounds = array<i64: 1000, 128>}, {transform_indices = @transform_3, window_bounds = array<i64: 1000, 128>}, {transform_indices = @transform_4, window_bounds = array<i64: 1000, 1>}, {transform_indices = @transform_5, window_bounds = array<i64: 1000, 1>}, {pipeline_mode = #tpu.pipeline_mode<synchronous>, transform_indices = @transform_6, window_bounds = array<i64: 1, 256>}, {pipeline_mode = #tpu.pipeline_mode<synchronous>, transform_indices = @transform_7, window_bounds = array<i64: 64, 32>}, {pipeline_mode = #tpu.pipeline_mode<synchronous>, transform_indices = @transform_8, window_bounds = array<i64: 256, 128>}, {pipeline_mode = #tpu.pipeline_mode<synchronous>, transform_indices = @transform_9, window_bounds = array<i64: 1, 128>}, {pipeline_mode = #tpu.pipeline_mode<synchronous>, transform_indices = @transform_10, window_bounds = array<i64: 128, 1>}, {pipeline_mode = #tpu.pipeline_mode<synchronous>, transform_indices = @transform_11, window_bounds = array<i64: 1, 1>}, {pipeline_mode = #tpu.pipeline_mode<synchronous>, transform_indices = @transform_12, window_bounds = array<i64: 64, 1>}]} {
    %get3A = arith.constant 0 : index
    %get3A_0 = arith.constant 0 : index
    %get3A_1 = arith.constant 0 : index
    %get3A_2 = vector.load %arg1[%get3A, %get3A_0, %get3A_1] : memref<1x1000x128xf32, #tpu.memory_space<vmem>>, vector<1x1000x128xf32>
    %get3A_3 = vector.shape_cast %get3A_2 : vector<1x1000x128xf32> to vector<1000x128xf32>
    %get3A_4 = arith.constant 0 : index
    %get3A_5 = arith.constant 0 : index
    %get3A_6 = arith.constant 0 : index
    %get3A_7 = vector.load %arg2[%get3A_4, %get3A_5, %get3A_6] : memref<1x1000x128xf32, #tpu.memory_space<vmem>>, vector<1x1000x128xf32>
    %get3A_8 = vector.shape_cast %get3A_7 : vector<1x1000x128xf32> to vector<1000x128xf32>
    %concatenate3A = tpu.concatenate %get3A_3, %get3A_8 in 1 : vector<1000x128xf32>, vector<1000x128xf32> -> vector<1000x256xf32>
    %get3A_9 = arith.constant 0 : index
    %get3A_10 = arith.constant 0 : index
    %get3A_11 = vector.load %arg3[%get3A_9, %get3A_10] : memref<1000x128xf32, #tpu.memory_space<vmem>>, vector<1000x128xf32>
    %get3A_12 = arith.constant 0 : index
    %get3A_13 = arith.constant 0 : index
    %get3A_14 = vector.load %arg4[%get3A_12, %get3A_13] : memref<1000x128xf32, #tpu.memory_space<vmem>>, vector<1000x128xf32>
    %concatenate3A_15 = tpu.concatenate %get3A_11, %get3A_14 in 1 : vector<1000x128xf32>, vector<1000x128xf32> -> vector<1000x256xf32>
    %get3A_16 = arith.constant 0 : index
    %get3A_17 = arith.constant 0 : index
    %get3A_18 = vector.load %arg5[%get3A_16, %get3A_17] : memref<1000x1xf32, #tpu.memory_space<vmem>>, vector<1000x1xf32>
    %add3A = arith.addf %concatenate3A, %concatenate3A_15 : vector<1000x256xf32>
    %mul3A = vector.broadcast %get3A_18 : vector<1000x1xf32> to vector<1000x256xf32>
    %mul3A_19 = arith.mulf %mul3A, %add3A : vector<1000x256xf32>
    %get3A_20 = arith.constant 0 : index
    %get3A_21 = arith.constant 0 : index
    %get3A_22 = vector.load %arg7[%get3A_20, %get3A_21] : memref<1x256xf32, #tpu.memory_space<vmem>>, vector<1x256xf32>
    %add3A_23 = vector.broadcast %get3A_22 : vector<1x256xf32> to vector<1000x256xf32>
    %add3A_24 = arith.addf %mul3A_19, %add3A_23 : vector<1000x256xf32>
    %iota3A = tpu.iota {dimensions = array<i32: 1>} : vector<1x64xi32>
    %get3A_25 = arith.constant 0 : index
    %get3A_26 = arith.constant 0 : index
    %get3A_27 = vector.load %arg6[%get3A_25, %get3A_26] : memref<1000x1xi32, #tpu.memory_space<vmem>>, vector<1000x1xi32>
    %eq3A = vector.broadcast %get3A_27 : vector<1000x1xi32> to vector<1000x64xi32>
    %eq3A_28 = vector.broadcast %iota3A : vector<1x64xi32> to vector<1000x64xi32>
    %eq3A_29 = arith.cmpi eq, %eq3A, %eq3A_28 : vector<1000x64xi32>
    %convert_element_type3A = arith.extui %eq3A_29 : vector<1000x64xi1> to vector<1000x64xi32>
    %convert_element_type3A_30 = arith.sitofp %convert_element_type3A : vector<1000x64xi32> to vector<1000x64xf32>
    %dot_general3A = arith.constant dense<0.000000e+00> : vector<64x256xf32>
    %dot_general3A_31 = tpu.matmul %convert_element_type3A_30, %add3A_24, %dot_general3A {dimension_numbers = #tpu.dot_dimension_numbers<[0], [0], [1], [1], [0, 1, 1, 1], [], []>, precision = #tpu.contract_precision<fp32>, transpose_lhs_hint = false} : vector<1000x64xf32>, vector<1000x256xf32>, vector<64x256xf32> -> vector<64x256xf32>
    %eq3A_32 = arith.constant 0 : i32
    %eq3A_33 = arith.cmpi eq, %arg0, %eq3A_32 : i32
    %convert_element_type3A_34 = arith.extui %eq3A_33 : i1 to i32
    %cond3A = arith.constant 0 : i32
    %cond3A_35 = arith.cmpi ne, %convert_element_type3A_34, %cond3A : i32
    scf.if %cond3A_35 {
      %swap3A = arith.constant 0 : index
      %swap3A_45 = arith.constant 0 : index
      %swap3A_46 = vector.load %arg14[%swap3A, %swap3A_45] : memref<64x256xf32, #tpu.memory_space<vmem>>, vector<64x256xf32>
      tpu.vector_store %arg14[%swap3A, %swap3A_45], %dot_general3A_31 {strides = array<i32>} : memref<64x256xf32, #tpu.memory_space<vmem>>, vector<64x256xf32>,
    } else {
    }
    %gt3A = arith.constant 0 : i32
    %gt3A_36 = arith.cmpi sgt, %arg0, %gt3A : i32
    %convert_element_type3A_37 = arith.extui %gt3A_36 : i1 to i32
    %cond3A_38 = arith.constant 0 : i32
    %cond3A_39 = arith.cmpi ne, %convert_element_type3A_37, %cond3A_38 : i32
    scf.if %cond3A_39 {
      %get3A_45 = arith.constant 0 : index
      %get3A_46 = arith.constant 0 : index
      %get3A_47 = vector.load %arg14[%get3A_45, %get3A_46] : memref<64x256xf32, #tpu.memory_space<vmem>>, vector<64x256xf32>
      %add3A_48 = arith.addf %get3A_47, %dot_general3A_31 : vector<64x256xf32>
      %swap3A = arith.constant 0 : index
      %swap3A_49 = arith.constant 0 : index
      %swap3A_50 = vector.load %arg14[%swap3A, %swap3A_49] : memref<64x256xf32, #tpu.memory_space<vmem>>, vector<64x256xf32>
      tpu.vector_store %arg14[%swap3A, %swap3A_49], %add3A_48 {strides = array<i32>} : memref<64x256xf32, #tpu.memory_space<vmem>>, vector<64x256xf32>,
    } else {
    }
    %eq3A_40 = arith.constant 9 : i32
    %eq3A_41 = arith.cmpi eq, %arg0, %eq3A_40 : i32
    %convert_element_type3A_42 = arith.extui %eq3A_41 : i1 to i32
    %cond3A_43 = arith.constant 0 : i32
    %cond3A_44 = arith.cmpi ne, %convert_element_type3A_42, %cond3A_43 : i32
    scf.if %cond3A_44 {
      %get3A_45 = arith.constant 0 : index
      %get3A_46 = arith.constant 0 : index
      %get3A_47 = vector.load %arg8[%get3A_45, %get3A_46] : memref<64x32xf32, #tpu.memory_space<vmem>>, vector<64x32xf32>
      %reduce_sum3A = arith.constant dense<0.000000e+00> : vector<64xf32>
      %reduce_sum3A_48 = vector.multi_reduction <add>, %get3A_47, %reduce_sum3A [1] : vector<64x32xf32> to vector<64xf32>
      %get3A_49 = arith.constant 0 : index
      %get3A_50 = arith.constant 0 : index
      %get3A_51 = vector.load %arg14[%get3A_49, %get3A_50] : memref<64x256xf32, #tpu.memory_space<vmem>>, vector<64x256xf32>
      %max3A = arith.constant 1.000000e+00 : f32
      %max3A_52 = vector.broadcast %max3A : f32 to vector<64xf32>
      %max3A_53 = arith.maximumf %reduce_sum3A_48, %max3A_52 : vector<64xf32>
      %broadcast_in_dim3A = vector.shape_cast %max3A_53 : vector<64xf32> to vector<64x1xf32>
      %div3A = vector.broadcast %broadcast_in_dim3A : vector<64x1xf32> to vector<64x256xf32>
      %div3A_54 = arith.divf %get3A_51, %div3A : vector<64x256xf32>
      %get3A_55 = arith.constant 0 : index
      %get3A_56 = arith.constant 0 : index
      %get3A_57 = vector.load %arg9[%get3A_55, %get3A_56] : memref<256x128xf32, #tpu.memory_space<vmem>>, vector<256x128xf32>
      %dot_general3A_58 = arith.constant dense<0.000000e+00> : vector<64x128xf32>
      %dot_general3A_59 = tpu.matmul %div3A_54, %get3A_57, %dot_general3A_58 {dimension_numbers = #tpu.dot_dimension_numbers<[1], [0], [0], [1], [0, 0, 1, 1], [], []>, transpose_lhs_hint = false} : vector<64x256xf32>, vector<256x128xf32>, vector<64x128xf32> -> vector<64x128xf32>
      %get3A_60 = arith.constant 0 : index
      %get3A_61 = arith.constant 0 : index
      %get3A_62 = vector.load %arg10[%get3A_60, %get3A_61] : memref<1x128xf32, #tpu.memory_space<vmem>>, vector<1x128xf32>
      %add3A_63 = vector.broadcast %get3A_62 : vector<1x128xf32> to vector<64x128xf32>
      %add3A_64 = arith.addf %dot_general3A_59, %add3A_63 : vector<64x128xf32>
      %max3A_65 = arith.constant 0.000000e+00 : f32
      %max3A_66 = vector.broadcast %max3A_65 : f32 to vector<64x128xf32>
      %max3A_67 = arith.maximumf %add3A_64, %max3A_66 : vector<64x128xf32>
      %get3A_68 = arith.constant 0 : index
      %get3A_69 = arith.constant 0 : index
      %get3A_70 = vector.load %arg11[%get3A_68, %get3A_69] : memref<128x1xf32, #tpu.memory_space<vmem>>, vector<128x1xf32>
      %dot_general3A_71 = arith.constant dense<0.000000e+00> : vector<64x1xf32>
      %dot_general3A_72 = tpu.matmul %max3A_67, %get3A_70, %dot_general3A_71 {dimension_numbers = #tpu.dot_dimension_numbers<[1], [0], [0], [1], [0, 0, 1, 1], [], []>, transpose_lhs_hint = false} : vector<64x128xf32>, vector<128x1xf32>, vector<64x1xf32> -> vector<64x1xf32>
      %get3A_73 = arith.constant 0 : index
      %get3A_74 = arith.constant 0 : index
      %get3A_75 = vector.load %arg12[%get3A_73, %get3A_74] : memref<1x1xf32, #tpu.memory_space<vmem>>, vector<1x1xf32>
      %add3A_76 = vector.broadcast %get3A_75 : vector<1x1xf32> to vector<64x1xf32>
      %add3A_77 = arith.addf %dot_general3A_72, %add3A_76 : vector<64x1xf32>
      %swap3A = arith.constant 0 : index
      %swap3A_78 = arith.constant 0 : index
      %swap3A_79 = vector.load %arg13[%swap3A, %swap3A_78] : memref<64x1xf32, #tpu.memory_space<vmem>>, vector<64x1xf32>
      tpu.vector_store %arg13[%swap3A, %swap3A_78], %add3A_77 {strides = array<i32>} : memref<64x1xf32, #tpu.memory_space<vmem>>, vector<64x1xf32>,
    } else {
    }
    return
  }
  func.func @transform_0(%arg0: i32) -> (i32, i32, i32) {
    %c0_i32 = arith.constant 0 : i32
    %c0_i32_0 = arith.constant 0 : i32
    %c0_i32_1 = arith.constant 0 : i32
    return %c0_i32, %arg0, %c0_i32_0 : i32, i32, i32
  }
  func.func @transform_1(%arg0: i32) -> (i32, i32, i32) {
    %c1_i32 = arith.constant 1 : i32
    %c0_i32 = arith.constant 0 : i32
    %c0_i32_0 = arith.constant 0 : i32
    return %c1_i32, %arg0, %c0_i32 : i32, i32, i32
  }
  func.func @transform_2(%arg0: i32) -> (i32, i32) {
    %c0_i32 = arith.constant 0 : i32
    %c0_i32_0 = arith.constant 0 : i32
    return %arg0, %c0_i32 : i32, i32
  }
  func.func @transform_3(%arg0: i32) -> (i32, i32) {
    %c0_i32 = arith.constant 0 : i32
    %c0_i32_0 = arith.constant 0 : i32
    return %arg0, %c0_i32 : i32, i32
  }
  func.func @transform_4(%arg0: i32) -> (i32, i32) {
    %c0_i32 = arith.constant 0 : i32
    %c0_i32_0 = arith.constant 0 : i32
    return %arg0, %c0_i32 : i32, i32
  }
  func.func @transform_5(%arg0: i32) -> (i32, i32) {
    %c0_i32 = arith.constant 0 : i32
    %c0_i32_0 = arith.constant 0 : i32
    return %arg0, %c0_i32 : i32, i32
  }
  func.func @transform_6(%arg0: i32) -> (i32, i32) {
    %c0_i32 = arith.constant 0 : i32
    %c0_i32_0 = arith.constant 0 : i32
    %c0_i32_1 = arith.constant 0 : i32
    return %c0_i32, %c0_i32_0 : i32, i32
  }
  func.func @transform_7(%arg0: i32) -> (i32, i32) {
    %c0_i32 = arith.constant 0 : i32
    %c0_i32_0 = arith.constant 0 : i32
    %c0_i32_1 = arith.constant 0 : i32
    return %c0_i32, %c0_i32_0 : i32, i32
  }
  func.func @transform_8(%arg0: i32) -> (i32, i32) {
    %c0_i32 = arith.constant 0 : i32
    %c0_i32_0 = arith.constant 0 : i32
    %c0_i32_1 = arith.constant 0 : i32
    return %c0_i32, %c0_i32_0 : i32, i32
  }
  func.func @transform_9(%arg0: i32) -> (i32, i32) {
    %c0_i32 = arith.constant 0 : i32
    %c0_i32_0 = arith.constant 0 : i32
    %c0_i32_1 = arith.constant 0 : i32
    return %c0_i32, %c0_i32_0 : i32, i32
  }
  func.func @transform_10(%arg0: i32) -> (i32, i32) {
    %c0_i32 = arith.constant 0 : i32
    %c0_i32_0 = arith.constant 0 : i32
    %c0_i32_1 = arith.constant 0 : i32
    return %c0_i32, %c0_i32_0 : i32, i32
  }
  func.func @transform_11(%arg0: i32) -> (i32, i32) {
    %c0_i32 = arith.constant 0 : i32
    %c0_i32_0 = arith.constant 0 : i32
    %c0_i32_1 = arith.constant 0 : i32
    return %c0_i32, %c0_i32_0 : i32, i32
  }
  func.func @transform_12(%arg0: i32) -> (i32, i32) {
    %c0_i32 = arith.constant 0 : i32
    %c0_i32_0 = arith.constant 0 : i32
    %c0_i32_1 = arith.constant 0 : i32
    return %c0_i32, %c0_i32_0 : i32, i32
  }
}

</mosaic_0001>

<sc_bundles>
// kernel: kernel.11.cloned.1.call-start
scs
__scs_entry_jumppad:
0x0: {  	(pc) =	sbr.rel $0x88, $3  }
0x1: {  	(tag) =	ssettag $0x0;
	lr =	simm.s32 $0x1  }
0x2: {  	[smem:$0x3F96] =	sst lr;
	_ =	strace $0xD0000000  }
0x3: {  	_ = 	snop  }
0x4: {  	_ = 	snop  }
0x5: {  	_ = 	snop  }
0x6: {  	_ = 	snop  }
0x7: {  	_ = 	snop  }
__scs_overlays_trampoline_lowered:
0x8: {  	[smem:$0x3FA5] =	sst s0  }
0x9: {  	[smem:$0x3FA6] =	sst s1  }
0xa: {  	[smem:$0x3FA7] =	sst s2  }
0xb: {  	[smem:$0x3FA8] =	sst s3  }
0xc: {  	[smem:$0x3FA9] =	sst s4  }
0xd: {  	[smem:$0x3FAA] =	sst s5  }
0xe: {  	[smem:$0x3FAB] =	sst s6  }
0xf: {  	[smem:$0x3FAC] =	sst s7  }
0x10: {  	[smem:$0x3FAD] =	sst s8  }
0x11: {  	[smem:$0x3FAE] =	sst s9;
	s0 =	simm.s32 @!p0 $0x0  }
0x12: {  	s1 =	sld [smem:$0x3F94];
	s0 =	simm.s32 @p0 $0x1  }
0x13: {  	[smem:$0x3FAF] =	sst s0;
	s0 =	simm.s32 @!p1 $0x0  }
0x14: {  	s2 =	sld [smem:$0x3F93];
	s0 =	simm.s32 @p1 $0x1  }
0x15: {  	[smem:$0x3FB0] =	sst s0;
	s0 =	simm.s32 @!p2 $0x0  }
0x16: {  	s3 =	sld [smem:$0x3FDB];
	s0 =	simm.s32 @p2 $0x1  }
0x17: {  	s4 =	simm.s32 $0x1BF5;
	[smem:$0x3FB2] =	sst s0  }
0x18: {  	s0 =	sld [smem:$0x3F95];
	_ =	swait.ge [sflag:s4], $0x0  }
0x19: {  	s7 =	sld [smem:$0x3F96]  }
0x1a: {  	s8 =	sadd.s32 $0xFFFFE003, lr  }
0x1b: {  	s9 =	sadd.s32 $0xFFFFFEF7, lr;
	s5 =	simm.s32 $0xFFFFFFFF;
	p2 =	slt.u32 s8, $0xFFFFF086  }
0x1c: {  	p1 =	slt.u32 s9, $0xF7A;
	s5 =	simm.s32 @!p2 $0x0  }
0x1d: {  	s5 =	simm.s32 @p1 $0x1;
	p0 =	seq.s32 s7, s2  }
0x1e: {  	s7 =	smul.u32 @!p0 $0xF7A, s2;
	p2 =	seq.s32 @!p0 s5, $0x0  }
0x1f: {  	s9 =	smul.u32 $0xF7A, s1;
	s8 =	simm.s32 @!p0 $0x1BF5;
	p2 =	por !p2, p0  }
0x20: {  	[sflag:s8] =	ssyncset.s32 @!p0 $0xFFFFF086;
	s6 =	sadd.s32 @!p0 s3, s7;
	s7 =	simm.s32 @!p0 $0x108  }
0x21: {  	s3 =	sadd.s32 s3, s9;
	s6 =	sadd.s32 @!p0 $0x88, s6;
	s7 =	simm.s32 @p2 $0x1082  }
0x22: {  	[simem:s7], [sflag:s8] =	dma.local @!p0 [hbm:s6], $0xF7A  }
0x23: {  	s9 =	sor.u32 $0xD0000000, s2;
	s6 =	simm.s32 $0x108;
	_ =	swait.ge @!p0 [sflag:s8], $0x0  }
0x24: {  	s3 =	sadd.s32 $0x88, s3;
	s6 =	simm.s32 @!p1 $0x1082;
	[sflag:s4] =	ssyncset.s32 $0xFFFFF086  }
0x25: {  	[simem:s6], [sflag:s4] =	dma.local [hbm:s3], $0xF7A  }
0x26: {  	[smem:$0x3F96] =	sst s1;
	(tag) =	ssettag s2;
	_ =	strace s9  }
0x27: {  	s1 =	sld [smem:$0x3FA6]  }
0x28: {  	s2 =	sld [smem:$0x3FA7]  }
0x29: {  	s4 =	sld [smem:$0x3FA9]  }
0x2a: {  	p0 =	seq.s32 s5, $0x0;
	s5 =	sld [smem:$0x3FAA]  }
0x2b: {  	s6 =	sld [smem:$0x3FAB]  }
0x2c: {  	s7 =	sld [smem:$0x3FAC]  }
0x2d: {  	s3 =	simm.s32 $0x108;
	s8 =	sld [smem:$0x3FAD]  }
0x2e: {  	s3 =	simm.s32 @!p0 $0x1082;
	s9 =	sld [smem:$0x3FAE]  }
0x2f: {  	lr =	sadd.s32 s0, s3;
	s0 =	sld [smem:$0x3FA5]  }
0x30: {  	s3 =	sld [smem:$0x3FA8]  }
0x31: {  	[smem:$0x3FB1] =	sst s10  }
0x32: {  	s10 =	sld [smem:$0x3FAF];
	_ =	sdelay $0x3  }
0x33: {  	p0 =	seq.s32 s10, $0x1;
	s10 =	sld [smem:$0x3FB1];
	_ =	sdelay $0x3  }
0x34: {  	[smem:$0x3FB1] =	sst s10  }
0x35: {  	s10 =	sld [smem:$0x3FB0];
	_ =	sdelay $0x3  }
0x36: {  	p1 =	seq.s32 s10, $0x1;
	s10 =	sld [smem:$0x3FB1];
	_ =	sdelay $0x3  }
0x37: {  	[smem:$0x3FB1] =	sst s10  }
0x38: {  	s10 =	sld [smem:$0x3FB2]  }
0x39: {  	_ = 	snop;
	(pc) =	sbr.ind lr, $3  }
0x3a: {  	_ = 	snop  }
0x3b: {  	_ = 	snop  }
0x3c: {  	p2 =	seq.s32 s10, $0x1;
	s10 =	sld [smem:$0x3FB1]  }
0x3d: {  	_ =	shalt  }
0x3e: {  	_ =	shalt  }
0x3f: {  	_ =	shalt  }
0x40: {  	_ =	shalt  }
0x41: {  	_ =	shalt  }
0x42: {  	_ =	shalt  }
0x43: {  	_ =	shalt  }
0x44: {  	_ =	shalt  }
0x45: {  	_ =	shalt  }
0x46: {  	_ =	shalt  }
0x47: {  	_ =	shalt  }
0x48: {  	_ =	shalt  }
0x49: {  	_ =	shalt  }
0x4a: {  	_ =	shalt  }
0x4b: {  	_ =	shalt  }
0x4c: {  	_ =	shalt  }
0x4d: {  	_ =	shalt  }
0x4e: {  	_ =	shalt  }
0x4f: {  	_ =	shalt  }
0x50: {  	_ =	shalt  }
0x51: {  	_ =	shalt  }
0x52: {  	_ =	shalt  }
0x53: {  	_ =	shalt  }
0x54: {  	_ =	shalt  }
0x55: {  	_ =	shalt  }
0x56: {  	_ =	shalt  }
0x57: {  	_ =	shalt  }
0x58: {  	_ =	shalt  }
0x59: {  	_ =	shalt  }
0x5a: {  	_ =	shalt  }
0x5b: {  	_ =	shalt  }
0x5c: {  	_ =	shalt  }
0x5d: {  	_ =	shalt  }
0x5e: {  	_ =	shalt  }
0x5f: {  	_ =	shalt  }
0x60: {  	_ =	shalt  }
0x61: {  	_ =	shalt  }
0x62: {  	_ =	shalt  }
0x63: {  	_ =	shalt  }
0x64: {  	_ =	shalt  }
0x65: {  	_ =	shalt  }
0x66: {  	_ =	shalt  }
0x67: {  	_ =	shalt  }
0x68: {  	_ =	shalt  }
0x69: {  	_ =	shalt  }
0x6a: {  	_ =	shalt  }
0x6b: {  	_ =	shalt  }
0x6c: {  	_ =	shalt  }
0x6d: {  	_ =	shalt  }
0x6e: {  	_ =	shalt  }
0x6f: {  	_ =	shalt  }
0x70: {  	_ =	shalt  }
0x71: {  	_ =	shalt  }
0x72: {  	_ =	shalt  }
0x73: {  	_ =	shalt  }
0x74: {  	_ =	shalt  }
0x75: {  	_ =	shalt  }
0x76: {  	_ =	shalt  }
0x77: {  	_ =	shalt  }
0x78: {  	_ =	shalt  }
0x79: {  	_ =	shalt  }
0x7a: {  	_ =	shalt  }
0x7b: {  	_ =	shalt  }
0x7c: {  	_ =	shalt  }
0x7d: {  	_ =	shalt  }
0x7e: {  	_ =	shalt  }
0x7f: {  	_ =	shalt  }
0x80: {  	_ =	shalt  }
0x81: {  	_ =	shalt  }
0x82: {  	_ =	shalt  }
0x83: {  	_ =	shalt  }
0x84: {  	_ =	shalt  }
0x85: {  	_ =	shalt  }
0x86: {  	_ =	shalt  }
0x87: {  	_ =	shalt  }
.Lfunc_end0:
.L_simem_size_0:
called_computation.1_lowered:
.L_overlay_start_0:
0x88: {  	s2 =	sld [smem:$0x3FD9]  }
0x89: {  	s3 =	sld [smem:$0x3FFE];
	_ =	sdelay $0x1  }
0x8a: {  	s1 =	srdreg.scid  }
0x8b: {  	s0 =	sand.u32 $0x1, s1  }
0x8c: {  	s16 =	sshll.u32 s0, $0xA;
	s2 =	sadd.s32 s3, s2  }
0x8d: {  	s2 =	sadd.s32 s2, s16  }
0x8e: {  	[smem:$0x3FBD] =	sst s2  }
0x8f: {  	_ = 	snop  }
0x90: {  	(tm) =	ssettm $0x1  }
0x91: {  	s17 =	sld [smem:$0x3FFB];
	_ =	sdelay $0x3  }
0x92: {  	_ =	strace s17  }
0x93: {  	s2 =	sld [smem:$0x3FFC];
	_ =	sdelay $0x3  }
0x94: {  	_ =	strace s2  }
0x95: {  	s2 =	sld [smem:$0x3FFD];
	_ =	sdelay $0x3  }
0x96: {  	_ =	strace s2  }
0x97: {  	_ =	strace $0x8FFFFFFF  }
0x98: {  	s18 =	sld [smem:$0x3FDB];
	_ =	sdelay $0x1  }
0x99: {  	s19 =	simm.s32 $_scs_section_size  }
0x9a: {  	s4 =	simm.s32 $_size__tile_overlayer_lowered;
	s5 =	simm.s32 $_tile_overlayer_lowered  }
0x9b: {  	s22 =	simm.s32 $0x1BFF;
	s21 =	sshll.u32 s5, $0x1;
	s2 =	sadd.s32 s19, s18  }
0x9c: {  	s6 =	simm.s32 $0x0;
	s20 =	sshll.u32 s4, $0x1;
	s4 =	sadd.s32 s21, s2  }
0x9d: {  	[timem:s6], [sflag:s22] =	dma.local [hbm:s4], s20  }
0x9e: {  	_ =	swait.ge [sflag:s22], s20  }
0x9f: {  	s3 =	ssub.s32 $0x0, s20;
	[sflag:s22] =	ssyncset.done $0x0  }
0xa0: {  	[sflag:s22] =	ssyncadd.s32 s3;
	_ =	sdelay $0x1  }
0xa1: {  	s23 =	simm.s32 $0x1B8B  }
0xa2: {  	_ =	swait.ge [sflag:s23], $0x1  }
0xa3: {  	[sflag:s23] =	ssyncset.done $0x0  }
0xa4: {  	s25 =	simm.s32 $0x1B8E;
	s24 =	sld [smem:$0x3FFE];
	[sflag:s23] =	ssyncadd.s32 $0xFFFFFFFF  }
0xa5: {  	s26 =	simm.s32 $execute0_lowered;
	[smem:$0x3FD2] =	sst s25  }
0xa6: {  	s4 =	sshll.u32 s26, $0x1;
	_ =	strace $0x80000049;
	[dreg:$0x1] =	wrdreg $0xFFFFFFFF  }
0xa7: {  	s28 =	simm.s32 $_size_execute0_lowered;
	s2 =	sadd.s32 s2, s4;
	[dreg:$0x0] =	wrdreg $0x0  }
0xa8: {  	s4 =	sshll.u32 s28, $0x1;
	[dreg:$0x2] =	wrdreg s2  }
0xa9: {  	[dreg:$0x3] =	wrdreg s4  }
0xaa: {  	[dreg:$0x4] =	wrdreg $0xC0  }
0xab: {  	_ =	task [dreg:s6], $0x5FFFF  }
0xac: {  	[dreg:$0x1] =	wrdreg $0xFFFFFFFF  }
0xad: {  	[dreg:$0x0] =	wrdreg $0x60  }
0xae: {  	[dreg:$0x2] =	wrdreg s24  }
0xaf: {  	[dreg:$0x3] =	wrdreg $0xA8000  }
0xb0: {  	[dreg:$0x4] =	wrdreg $0x9  }
0xb1: {  	_ =	task.clear_ibuf [dreg:s6], $0x5FFFF;
	_ =	strace $0x90000049  }
0xb2: {  	s29 =	simm.s32 $0x9;
	_ =	strace $0x8000004B  }
0xb3: {  	_ =	swait.ge [sflag:s29], $0x1  }
0xb4: {  	[sflag:s29] =	ssyncadd.s32 $0xFFFFFFFF  }
0xb5: {  	_ =	strace $0x9000004B  }
0xb6: {  	_ =	sfence  }
0xb7: {  	s30 =	sld [smem:$0x0];
	_ =	sdelay $0x2  }
0xb8: {  	s31 =	sshll.u32 s1, $0xD;
	s1 =	sshrl.u32 s1, $0x2  }
0xb9: {  	s3 =	sand.u32 $0x4000, s31;
	s1 =	sadd.s32 s1, s30  }
0xba: {  	s0 =	sor.u32 s3, s0;
	s1 =	sshll.u32 s1, $0x11  }
0xbb: {  	s0 =	sor.u32 s1, s0  }
0xbc: {  	s0 =	sadd.s32 $0x8F2B, s0  }
0xbd: {  	[sflag:s0] =	ssyncadd.remote.s32 $0x1  }
0xbe: {  	_ =	sfence.sel $0xFFFF  }
0xbf: {  	[dreg:$0x0] =	wrdreg $0xFFFFFFFF;
	(pc) =	sbr.abs _section_cstart, $3  }
0xc0: {  	[dreg:$0x1] =	wrdreg $0xFFFFFFFF  }
0xc1: {  	_ =	task.clear_ibuf [dreg:s6], $0x2FFFF;
	_ =	strace $0x9FFFFFFF  }
0xc2: {  	(tm) =	ssettm $0x7FFFFFFF  }
0xc3: {  	_ =	shalt  }
tec
execute0_lowered:
.L_overlay_start_1:
0x0: {  	(tag) =	ssettag $0x1  }
0x1: {  	s7 =	rddreg [dreg:$0x0]  }
0x2: {  	s1 =	rddreg [dreg:$0x1]  }
0x3: {  	s2 =	srdreg.scid;
	s0 =	rddreg [dreg:$0x2]  }
0x4: {  	s3 =	simm.s32 $0x0;
	s17 =	simm.s32 $0x80;
	s18 =	simm.s32 $0x2800  }
0x5: {  	s19 =	simm.s32 $0x6800;
	s20 =	simm.s32 $0x1;
	s21 =	simm.s32 $0x2  }
0x6: {  	s22 =	simm.s32 $0x2700;
	s23 =	simm.s32 $0x2780;
	s24 =	simm.s32 $0x0  }
0x7: {  	s8 =	sand.u32 $0x1, s2;
	s2 =	stileid.u32;
	[smem:$0x7FF] =	sst s3  }
0x8: {  	s4 =	sadd.s32 $0x1CE00, s7;
	s5 =	sadd.s32 $0x44000, s7;
	s6 =	smul.u32 $0x13C000, s8  }
0x9: {  	s10 =	sadd.s32 $0x17E00, s7;
	s11 =	sadd.s32 $0x12E00, s7;
	s9 =	smul.u32 $0x13C00, s2  }
0xa: {  	_ =	strace $0x8000004A;
	s12 =	smul.u32 $0x4F000, s2;
	s28 =	ssub.s32 $0x2, s8  }
0xb: {  	s14 =	smul.u32 $0x2800, s2;
	s30 =	sshll.u32 s2, $0x6;
	p0 =	seq.s32 s8, $0x1  }
0xc: {  	s29 =	sshrl.u32 s28, $0x1;
	s6 =	sadd.s32 s9, s6;
	s12 =	sshrl.u32 s12, $0x2  }
0xd: {  	s15 =	ssub.s32 s28, s29;
	s31 =	sshrl.u32 s14, $0x3;
	s9 =	sshrl.u32 s6, $0x3  }
.Ltmp0:
0xe: {  	s6 =	sadd.s32 $0x3800, s7;
	s16 =	sadd.s32 s12, s1;
	(pc) =	sbr.rel .LBB2_1-.Ltmp0, $4  }
0xf: {  	s8 =	sadd.s32 s10, s31;
	s12 =	sadd.s32 $0x280, s31;
	s13 =	sadd.s32 s9, s7  }
0x10: {  	s7 =	sor.u32 $0x1C03, s30;
	s9 =	sadd.s32 s11, s31;
	s10 =	sadd.s32 s10, s12  }
0x11: {  	s11 =	sadd.s32 s11, s12;
	s14 =	sshrl.u32 s16, $0x3;
	s16 =	simm.s32 $0x1400  }
0x12: {  	s12 =	sadd.s32 $0x92400, s13;
	s13 =	smax.u32 s15, $0x1;
	s15 =	simm.s32 $0x3  }
.LBB2_11:
0x13: {  	[tilespmem:s19], [sflag:$0x2] =	stream.indirect.gather [hbm4b:s5+s17], $0x80, s26, s17, $0xb8;
	[tilespmem:$0x1E400] =	vst v63  }
.LBB2_12:
0x14: {  	_ =	swait.ge [sflag:s20], $0x4000  }
0x15: {  	[sflag:s20] =	ssyncset.done $0x0  }
0x16: {  	[sflag:s20] =	ssyncadd.s32 $0xFFFFC000  }
0x17: {  	[spmem:s1] =	stream.indirect.scatter.add.f32 [tilespmem:s18], [sflag:$0x3], $0x80, s22, s17, $0xb8;
	[tilespmem:$0x1E400] =	vst v63  }
0x18: {  	_ =	swait.ge [sflag:s15], $0x4000  }
0x19: {  	[sflag:s15] =	ssyncset.done $0x0  }
0x1a: {  	[sflag:s15] =	ssyncadd.s32 $0xFFFFC000  }
0x1b: {  	_ =	swait.ge [sflag:s21], $0x4000  }
0x1c: {  	[sflag:s21] =	ssyncset.done $0x0  }
0x1d: {  	[sflag:s21] =	ssyncadd.s32 $0xFFFFC000  }
0x1e: {  	[spmem:s1] =	stream.indirect.scatter.add.f32 [tilespmem:s19], [sflag:$0x3], $0x80, s23, s17, $0xb8;
	[tilespmem:$0x1E400] =	vst v63  }
0x1f: {  	_ =	swait.ge [sflag:s15], $0x4000  }
0x20: {  	s24 =	sadd.s32 $0x1, s24;
	[sflag:s15] =	ssyncset.done $0x0  }
0x21: {  	p1 =	sne.s32 s24, s13;
	[sflag:s15] =	ssyncadd.s32 $0xFFFFC000  }
.Ltmp1:
0x22: {  	[bflag:$0x0] =	sbarrier.arrive $0xFFFF;
	(pc) =	sbr.rel @!p1 .LBB2_13-.Ltmp1, $4  }
0x23: {  	[hbm:s12], [sflag:s7] =	dma.local [spmem:s14], $0x2780  }
0x24: {  	_ =	swait.ge [sflag:s15], $0x2780  }
0x25: {  	[sflag:s15] =	ssyncset.done $0x0  }
0x26: {  	[sflag:s15] =	ssyncadd.s32 $0xFFFFD880  }
.LBB2_1:
0x27: {  	[spmem:s14], [sflag:s7] =	dma.local [hbm:s6], $0x2780  }
0x28: {  	_ =	swait.ge [sflag:s15], $0x2780  }
0x29: {  	[sflag:s15] =	ssyncset.done $0x0  }
0x2a: {  	[sflag:s15] =	ssyncadd.s32 $0xFFFFD880  }
0x2b: {  	[bflag:$0x0] =	sbarrier.arrive $0xFFFF  }
0x2c: {  	[tilespmem:s3], [sflag:$0x3] =	stream.linear.gather [hbm4b:s8+s3], $0x1400, $0x38;
	[tilespmem:$0x1E400] =	vst v63  }
0x2d: {  	_ =	swait.ge [sflag:s15], $0x1400  }
0x2e: {  	[sflag:s15] =	ssyncset.done $0x0  }
.Ltmp2:
0x2f: {  	[sflag:s15] =	ssyncadd.s32 $0xFFFFEC00;
	(pc) =	sbr.rel @!p0 .LBB2_2-.Ltmp2, $4  }
0x30: {  	[tilespmem:s16], [sflag:$0x3] =	stream.linear.gather [hbm4b:s9+s3], $0x1400, $0x38;
	[tilespmem:$0x1E400] =	vst v63  }
0x31: {  	_ =	swait.ge [sflag:s15], $0x1400  }
0x32: {  	[sflag:s15] =	ssyncset.done $0x0  }
0x33: {  	s25 =	simm.s32 $0x0;
	[sflag:s15] =	ssyncadd.s32 $0xFFFFEC00  }
0x34: {  	[tilespmem:s18], [sflag:$0x1] =	stream.indirect.gather [hbm4b:s5+s17], $0x80, s25, s17, $0xb8;
	[tilespmem:$0x1E400] =	vst v63  }
0x35: {  	_ = 	snop  }
0x36: {  	[tilespmem:s19], [sflag:$0x2] =	stream.indirect.gather [hbm4b:s5+s17], $0x80, s17, s17, $0xb8;
	[tilespmem:$0x1E400] =	vst v63  }
0x37: {  	_ =	swait.ge [sflag:s20], $0x4000  }
0x38: {  	[sflag:s20] =	ssyncset.done $0x0  }
0x39: {  	s29 =	simm.s32 $0x1400;
	[sflag:s20] =	ssyncadd.s32 $0xFFFFC000  }
0x3a: {  	[spmem:s1] =	stream.indirect.scatter.add.f32 [tilespmem:s18], [sflag:$0x3], $0x80, s29, s17, $0xb8;
	[tilespmem:$0x1E400] =	vst v63  }
0x3b: {  	_ =	swait.ge [sflag:s15], $0x4000  }
0x3c: {  	[sflag:s15] =	ssyncset.done $0x0  }
0x3d: {  	s30 =	simm.s32 $0x100;
	[sflag:s15] =	ssyncadd.s32 $0xFFFFC000  }
0x3e: {  	[tilespmem:s18], [sflag:$0x1] =	stream.indirect.gather [hbm4b:s5+s17], $0x80, s30, s17, $0xb8;
	[tilespmem:$0x1E400] =	vst v63  }
0x3f: {  	_ =	swait.ge [sflag:s21], $0x4000  }
0x40: {  	[sflag:s21] =	ssyncset.done $0x0  }
0x41: {  	s31 =	simm.s32 $0x1480;
	[sflag:s21] =	ssyncadd.s32 $0xFFFFC000  }
0x42: {  	[spmem:s1] =	stream.indirect.scatter.add.f32 [tilespmem:s19], [sflag:$0x3], $0x80, s31, s17, $0xb8;
	[tilespmem:$0x1E400] =	vst v63  }
0x43: {  	_ =	swait.ge [sflag:s15], $0x4000  }
0x44: {  	[sflag:s15] =	ssyncset.done $0x0  }
0x45: {  	s25 =	simm.s32 $0x400;
	s26 =	simm.s32 $0x180;
	[sflag:s15] =	ssyncadd.s32 $0xFFFFC000  }
.LBB2_8:
0x46: {  	[tilespmem:s19], [sflag:$0x2] =	stream.indirect.gather [hbm4b:s5+s17], $0x80, s26, s17, $0xb8;
	[tilespmem:$0x1E400] =	vst v63  }
0x47: {  	s26 =	smov.u32 s25  }
0x48: {  	p1 =	sne.s32 s25, $0x4800;
	s25 =	sadd.s32 $0x400, s25;
	_ =	swait.ge [sflag:s20], $0x4000  }
0x49: {  	s26 =	sshra.s32 s26, $0x2;
	[sflag:s20] =	ssyncset.done $0x0  }
0x4a: {  	s28 =	sadd.s32 $0x1400, s26;
	[sflag:s20] =	ssyncadd.s32 $0xFFFFC000  }
0x4b: {  	[spmem:s1] =	stream.indirect.scatter.add.f32 [tilespmem:s18], [sflag:$0x3], $0x80, s28, s17, $0xb8;
	[tilespmem:$0x1E400] =	vst v63  }
0x4c: {  	_ =	swait.ge [sflag:s15], $0x4000  }
0x4d: {  	[sflag:s15] =	ssyncset.done $0x0  }
0x4e: {  	s28 =	sadd.s32 $0x100, s26;
	[sflag:s15] =	ssyncadd.s32 $0xFFFFC000  }
0x4f: {  	[tilespmem:s18], [sflag:$0x1] =	stream.indirect.gather [hbm4b:s5+s17], $0x80, s28, s17, $0xb8;
	[tilespmem:$0x1E400] =	vst v63  }
0x50: {  	_ =	swait.ge [sflag:s21], $0x4000  }
0x51: {  	[sflag:s21] =	ssyncset.done $0x0  }
.Ltmp3:
0x52: {  	s28 =	sadd.s32 $0x1480, s26;
	[sflag:s21] =	ssyncadd.s32 $0xFFFFC000;
	(pc) =	sbr.rel @p1 .LBB2_8-.Ltmp3, $4  }
0x53: {  	[spmem:s1] =	stream.indirect.scatter.add.f32 [tilespmem:s19], [sflag:$0x3], $0x80, s28, s17, $0xb8;
	[tilespmem:$0x1E400] =	vst v63  }
0x54: {  	_ =	swait.ge [sflag:s15], $0x4000  }
0x55: {  	[sflag:s15] =	ssyncset.done $0x0  }
0x56: {  	s26 =	sadd.s32 $0x180, s26;
	[sflag:s15] =	ssyncadd.s32 $0xFFFFC000  }
0x57: {  	[tilespmem:s19], [sflag:$0x2] =	stream.indirect.gather [hbm4b:s5+s17], $0x80, s26, s17, $0xb8;
	[tilespmem:$0x1E400] =	vst v63  }
0x58: {  	_ =	swait.ge [sflag:s20], $0x4000  }
0x59: {  	[sflag:s20] =	ssyncset.done $0x0  }
0x5a: {  	[sflag:s20] =	ssyncadd.s32 $0xFFFFC000  }
0x5b: {  	[spmem:s1] =	stream.indirect.scatter.add.f32 [tilespmem:s18], [sflag:$0x3], $0x80, s22, s17, $0xb8;
	[tilespmem:$0x1E400] =	vst v63  }
0x5c: {  	_ =	swait.ge [sflag:s15], $0x4000  }
0x5d: {  	[sflag:s15] =	ssyncset.done $0x0  }
0x5e: {  	[sflag:s15] =	ssyncadd.s32 $0xFFFFC000  }
0x5f: {  	_ =	swait.ge [sflag:s21], $0x4000  }
0x60: {  	[sflag:s21] =	ssyncset.done $0x0  }
0x61: {  	[sflag:s21] =	ssyncadd.s32 $0xFFFFC000  }
0x62: {  	[spmem:s1] =	stream.indirect.scatter.add.f32 [tilespmem:s19], [sflag:$0x3], $0x80, s23, s17, $0xb8;
	[tilespmem:$0x1E400] =	vst v63  }
0x63: {  	_ =	swait.ge [sflag:s15], $0x4000  }
0x64: {  	[sflag:s15] =	ssyncset.done $0x0  }
0x65: {  	s25 =	simm.s32 $0x0;
	[sflag:s15] =	ssyncadd.s32 $0xFFFFC000  }
0x66: {  	[tilespmem:s25], [sflag:$0x3] =	stream.linear.gather [hbm4b:s10+s25], $0x1400, $0x38;
	[tilespmem:$0x1E400] =	vst v63  }
0x67: {  	_ =	swait.ge [sflag:s15], $0x1400  }
0x68: {  	[sflag:s15] =	ssyncset.done $0x0  }
0x69: {  	[sflag:s15] =	ssyncadd.s32 $0xFFFFEC00  }
0x6a: {  	[tilespmem:s16], [sflag:$0x3] =	stream.linear.gather [hbm4b:s11+s25], $0x1400, $0x38;
	[tilespmem:$0x1E400] =	vst v63  }
0x6b: {  	_ =	swait.ge [sflag:s15], $0x1400  }
0x6c: {  	[sflag:s15] =	ssyncset.done $0x0  }
0x6d: {  	[sflag:s15] =	ssyncadd.s32 $0xFFFFEC00  }
0x6e: {  	[tilespmem:s18], [sflag:$0x1] =	stream.indirect.gather [hbm4b:s5+s17], $0x80, s25, s17, $0xb8;
	[tilespmem:$0x1E400] =	vst v63  }
0x6f: {  	_ = 	snop  }
0x70: {  	[tilespmem:s19], [sflag:$0x2] =	stream.indirect.gather [hbm4b:s5+s17], $0x80, s17, s17, $0xb8;
	[tilespmem:$0x1E400] =	vst v63  }
0x71: {  	_ =	swait.ge [sflag:s20], $0x4000  }
0x72: {  	[sflag:s20] =	ssyncset.done $0x0  }
0x73: {  	s29 =	simm.s32 $0x1400;
	[sflag:s20] =	ssyncadd.s32 $0xFFFFC000  }
0x74: {  	[spmem:s1] =	stream.indirect.scatter.add.f32 [tilespmem:s18], [sflag:$0x3], $0x80, s29, s17, $0xb8;
	[tilespmem:$0x1E400] =	vst v63  }
0x75: {  	_ =	swait.ge [sflag:s15], $0x4000  }
0x76: {  	[sflag:s15] =	ssyncset.done $0x0  }
0x77: {  	s30 =	simm.s32 $0x100;
	[sflag:s15] =	ssyncadd.s32 $0xFFFFC000  }
0x78: {  	[tilespmem:s18], [sflag:$0x1] =	stream.indirect.gather [hbm4b:s5+s17], $0x80, s30, s17, $0xb8;
	[tilespmem:$0x1E400] =	vst v63  }
0x79: {  	_ =	swait.ge [sflag:s21], $0x4000  }
0x7a: {  	[sflag:s21] =	ssyncset.done $0x0  }
0x7b: {  	s31 =	simm.s32 $0x1480;
	[sflag:s21] =	ssyncadd.s32 $0xFFFFC000  }
0x7c: {  	[spmem:s1] =	stream.indirect.scatter.add.f32 [tilespmem:s19], [sflag:$0x3], $0x80, s31, s17, $0xb8;
	[tilespmem:$0x1E400] =	vst v63  }
0x7d: {  	_ =	swait.ge [sflag:s15], $0x4000  }
0x7e: {  	[sflag:s15] =	ssyncset.done $0x0  }
0x7f: {  	s26 =	simm.s32 $0x180;
	s25 =	simm.s32 $0x400;
	[sflag:s15] =	ssyncadd.s32 $0xFFFFC000  }
.LBB2_10:
0x80: {  	[tilespmem:s19], [sflag:$0x2] =	stream.indirect.gather [hbm4b:s5+s17], $0x80, s26, s17, $0xb8;
	[tilespmem:$0x1E400] =	vst v63  }
0x81: {  	s26 =	smov.u32 s25  }
0x82: {  	p1 =	sne.s32 s25, $0x4800;
	s25 =	sadd.s32 $0x400, s25;
	_ =	swait.ge [sflag:s20], $0x4000  }
0x83: {  	s26 =	sshra.s32 s26, $0x2;
	[sflag:s20] =	ssyncset.done $0x0  }
0x84: {  	s28 =	sadd.s32 $0x1400, s26;
	[sflag:s20] =	ssyncadd.s32 $0xFFFFC000  }
0x85: {  	[spmem:s1] =	stream.indirect.scatter.add.f32 [tilespmem:s18], [sflag:$0x3], $0x80, s28, s17, $0xb8;
	[tilespmem:$0x1E400] =	vst v63  }
0x86: {  	_ =	swait.ge [sflag:s15], $0x4000  }
0x87: {  	[sflag:s15] =	ssyncset.done $0x0  }
0x88: {  	s28 =	sadd.s32 $0x100, s26;
	[sflag:s15] =	ssyncadd.s32 $0xFFFFC000  }
0x89: {  	[tilespmem:s18], [sflag:$0x1] =	stream.indirect.gather [hbm4b:s5+s17], $0x80, s28, s17, $0xb8;
	[tilespmem:$0x1E400] =	vst v63  }
0x8a: {  	_ =	swait.ge [sflag:s21], $0x4000  }
0x8b: {  	[sflag:s21] =	ssyncset.done $0x0  }
.Ltmp4:
0x8c: {  	s28 =	sadd.s32 $0x1480, s26;
	[sflag:s21] =	ssyncadd.s32 $0xFFFFC000;
	(pc) =	sbr.rel @p1 .LBB2_10-.Ltmp4, $4  }
0x8d: {  	[spmem:s1] =	stream.indirect.scatter.add.f32 [tilespmem:s19], [sflag:$0x3], $0x80, s28, s17, $0xb8;
	[tilespmem:$0x1E400] =	vst v63  }
0x8e: {  	_ =	swait.ge [sflag:s15], $0x4000  }
0x8f: {  	[sflag:s15] =	ssyncset.done $0x0  }
0x90: {  	s26 =	sadd.s32 $0x180, s26;
	[sflag:s15] =	ssyncadd.s32 $0xFFFFC000  }
.Ltmp5:
0x91: {  	_ = 	snop;
	(pc) =	sbr.rel .LBB2_11-.Ltmp5, $1  }
0x92: {  	_ =	sdelay $0x3  }
.LBB2_2:
0x93: {  	[tilespmem:s18], [sflag:$0x1] =	stream.indirect.gather [hbm4b:s4+s17], $0x80, s25, s17, $0xb8;
	[tilespmem:$0x1E400] =	vst v63  }
0x94: {  	_ = 	snop  }
0x95: {  	[tilespmem:s19], [sflag:$0x2] =	stream.indirect.gather [hbm4b:s4+s17], $0x80, s17, s17, $0xb8;
	[tilespmem:$0x1E400] =	vst v63  }
0x96: {  	_ =	swait.ge [sflag:s20], $0x4000  }
0x97: {  	[sflag:s20] =	ssyncset.done $0x0  }
0x98: {  	s29 =	simm.s32 $0x1400;
	[sflag:s20] =	ssyncadd.s32 $0xFFFFC000  }
0x99: {  	[spmem:s1] =	stream.indirect.scatter.add.f32 [tilespmem:s18], [sflag:$0x3], $0x80, s29, s17, $0xb8;
	[tilespmem:$0x1E400] =	vst v63  }
0x9a: {  	_ =	swait.ge [sflag:s15], $0x4000  }
0x9b: {  	[sflag:s15] =	ssyncset.done $0x0  }
0x9c: {  	s30 =	simm.s32 $0x100;
	[sflag:s15] =	ssyncadd.s32 $0xFFFFC000  }
0x9d: {  	[tilespmem:s18], [sflag:$0x1] =	stream.indirect.gather [hbm4b:s4+s17], $0x80, s30, s17, $0xb8;
	[tilespmem:$0x1E400] =	vst v63  }
0x9e: {  	_ =	swait.ge [sflag:s21], $0x4000  }
0x9f: {  	[sflag:s21] =	ssyncset.done $0x0  }
0xa0: {  	s31 =	simm.s32 $0x1480;
	[sflag:s21] =	ssyncadd.s32 $0xFFFFC000  }
0xa1: {  	[spmem:s1] =	stream.indirect.scatter.add.f32 [tilespmem:s19], [sflag:$0x3], $0x80, s31, s17, $0xb8;
	[tilespmem:$0x1E400] =	vst v63  }
0xa2: {  	_ =	swait.ge [sflag:s15], $0x4000  }
0xa3: {  	[sflag:s15] =	ssyncset.done $0x0  }
0xa4: {  	s25 =	simm.s32 $0x400;
	s26 =	simm.s32 $0x180;
	[sflag:s15] =	ssyncadd.s32 $0xFFFFC000  }
.LBB2_3:
0xa5: {  	[tilespmem:s19], [sflag:$0x2] =	stream.indirect.gather [hbm4b:s4+s17], $0x80, s26, s17, $0xb8;
	[tilespmem:$0x1E400] =	vst v63  }
0xa6: {  	s26 =	smov.u32 s25  }
0xa7: {  	p1 =	sne.s32 s25, $0x4800;
	s25 =	sadd.s32 $0x400, s25;
	_ =	swait.ge [sflag:s20], $0x4000  }
0xa8: {  	s26 =	sshra.s32 s26, $0x2;
	[sflag:s20] =	ssyncset.done $0x0  }
0xa9: {  	s28 =	sadd.s32 $0x1400, s26;
	[sflag:s20] =	ssyncadd.s32 $0xFFFFC000  }
0xaa: {  	[spmem:s1] =	stream.indirect.scatter.add.f32 [tilespmem:s18], [sflag:$0x3], $0x80, s28, s17, $0xb8;
	[tilespmem:$0x1E400] =	vst v63  }
0xab: {  	_ =	swait.ge [sflag:s15], $0x4000  }
0xac: {  	[sflag:s15] =	ssyncset.done $0x0  }
0xad: {  	s28 =	sadd.s32 $0x100, s26;
	[sflag:s15] =	ssyncadd.s32 $0xFFFFC000  }
0xae: {  	[tilespmem:s18], [sflag:$0x1] =	stream.indirect.gather [hbm4b:s4+s17], $0x80, s28, s17, $0xb8;
	[tilespmem:$0x1E400] =	vst v63  }
0xaf: {  	_ =	swait.ge [sflag:s21], $0x4000  }
0xb0: {  	[sflag:s21] =	ssyncset.done $0x0  }
.Ltmp6:
0xb1: {  	s28 =	sadd.s32 $0x1480, s26;
	[sflag:s21] =	ssyncadd.s32 $0xFFFFC000;
	(pc) =	sbr.rel @p1 .LBB2_3-.Ltmp6, $4  }
0xb2: {  	[spmem:s1] =	stream.indirect.scatter.add.f32 [tilespmem:s19], [sflag:$0x3], $0x80, s28, s17, $0xb8;
	[tilespmem:$0x1E400] =	vst v63  }
0xb3: {  	_ =	swait.ge [sflag:s15], $0x4000  }
0xb4: {  	[sflag:s15] =	ssyncset.done $0x0  }
0xb5: {  	s26 =	sadd.s32 $0x180, s26;
	[sflag:s15] =	ssyncadd.s32 $0xFFFFC000  }
0xb6: {  	[tilespmem:s19], [sflag:$0x2] =	stream.indirect.gather [hbm4b:s4+s17], $0x80, s26, s17, $0xb8;
	[tilespmem:$0x1E400] =	vst v63  }
0xb7: {  	_ =	swait.ge [sflag:s20], $0x4000  }
0xb8: {  	[sflag:s20] =	ssyncset.done $0x0  }
0xb9: {  	[sflag:s20] =	ssyncadd.s32 $0xFFFFC000  }
0xba: {  	[spmem:s1] =	stream.indirect.scatter.add.f32 [tilespmem:s18], [sflag:$0x3], $0x80, s22, s17, $0xb8;
	[tilespmem:$0x1E400] =	vst v63  }
0xbb: {  	_ =	swait.ge [sflag:s15], $0x4000  }
0xbc: {  	[sflag:s15] =	ssyncset.done $0x0  }
0xbd: {  	[sflag:s15] =	ssyncadd.s32 $0xFFFFC000  }
0xbe: {  	_ =	swait.ge [sflag:s21], $0x4000  }
0xbf: {  	[sflag:s21] =	ssyncset.done $0x0  }
0xc0: {  	[sflag:s21] =	ssyncadd.s32 $0xFFFFC000  }
0xc1: {  	[spmem:s1] =	stream.indirect.scatter.add.f32 [tilespmem:s19], [sflag:$0x3], $0x80, s23, s17, $0xb8;
	[tilespmem:$0x1E400] =	vst v63  }
0xc2: {  	_ =	swait.ge [sflag:s15], $0x4000  }
0xc3: {  	[sflag:s15] =	ssyncset.done $0x0  }
0xc4: {  	s25 =	simm.s32 $0x0;
	[sflag:s15] =	ssyncadd.s32 $0xFFFFC000  }
0xc5: {  	[tilespmem:s25], [sflag:$0x3] =	stream.linear.gather [hbm4b:s10+s25], $0x1400, $0x38;
	[tilespmem:$0x1E400] =	vst v63  }
0xc6: {  	_ =	swait.ge [sflag:s15], $0x1400  }
0xc7: {  	[sflag:s15] =	ssyncset.done $0x0  }
0xc8: {  	[sflag:s15] =	ssyncadd.s32 $0xFFFFEC00  }
0xc9: {  	[tilespmem:s16], [sflag:$0x3] =	stream.linear.gather [hbm4b:s11+s25], $0x1400, $0x38;
	[tilespmem:$0x1E400] =	vst v63  }
0xca: {  	_ =	swait.ge [sflag:s15], $0x1400  }
0xcb: {  	[sflag:s15] =	ssyncset.done $0x0  }
0xcc: {  	[sflag:s15] =	ssyncadd.s32 $0xFFFFEC00  }
0xcd: {  	[tilespmem:s18], [sflag:$0x1] =	stream.indirect.gather [hbm4b:s4+s17], $0x80, s25, s17, $0xb8;
	[tilespmem:$0x1E400] =	vst v63  }
0xce: {  	_ = 	snop  }
0xcf: {  	[tilespmem:s19], [sflag:$0x2] =	stream.indirect.gather [hbm4b:s4+s17], $0x80, s17, s17, $0xb8;
	[tilespmem:$0x1E400] =	vst v63  }
0xd0: {  	_ =	swait.ge [sflag:s20], $0x4000  }
0xd1: {  	[sflag:s20] =	ssyncset.done $0x0  }
0xd2: {  	s29 =	simm.s32 $0x1400;
	[sflag:s20] =	ssyncadd.s32 $0xFFFFC000  }
0xd3: {  	[spmem:s1] =	stream.indirect.scatter.add.f32 [tilespmem:s18], [sflag:$0x3], $0x80, s29, s17, $0xb8;
	[tilespmem:$0x1E400] =	vst v63  }
0xd4: {  	_ =	swait.ge [sflag:s15], $0x4000  }
0xd5: {  	[sflag:s15] =	ssyncset.done $0x0  }
0xd6: {  	s30 =	simm.s32 $0x100;
	[sflag:s15] =	ssyncadd.s32 $0xFFFFC000  }
0xd7: {  	[tilespmem:s18], [sflag:$0x1] =	stream.indirect.gather [hbm4b:s4+s17], $0x80, s30, s17, $0xb8;
	[tilespmem:$0x1E400] =	vst v63  }
0xd8: {  	_ =	swait.ge [sflag:s21], $0x4000  }
0xd9: {  	[sflag:s21] =	ssyncset.done $0x0  }
0xda: {  	s31 =	simm.s32 $0x1480;
	[sflag:s21] =	ssyncadd.s32 $0xFFFFC000  }
0xdb: {  	[spmem:s1] =	stream.indirect.scatter.add.f32 [tilespmem:s19], [sflag:$0x3], $0x80, s31, s17, $0xb8;
	[tilespmem:$0x1E400] =	vst v63  }
0xdc: {  	_ =	swait.ge [sflag:s15], $0x4000  }
0xdd: {  	[sflag:s15] =	ssyncset.done $0x0  }
0xde: {  	s26 =	simm.s32 $0x180;
	s25 =	simm.s32 $0x400;
	[sflag:s15] =	ssyncadd.s32 $0xFFFFC000  }
.LBB2_5:
0xdf: {  	[tilespmem:s19], [sflag:$0x2] =	stream.indirect.gather [hbm4b:s4+s17], $0x80, s26, s17, $0xb8;
	[tilespmem:$0x1E400] =	vst v63  }
0xe0: {  	s26 =	smov.u32 s25  }
0xe1: {  	p1 =	seq.s32 s25, $0x4800;
	s25 =	sadd.s32 $0x400, s25;
	_ =	swait.ge [sflag:s20], $0x4000  }
0xe2: {  	s26 =	sshra.s32 s26, $0x2;
	[sflag:s20] =	ssyncset.done $0x0  }
0xe3: {  	s28 =	sadd.s32 $0x1400, s26;
	[sflag:s20] =	ssyncadd.s32 $0xFFFFC000  }
0xe4: {  	[spmem:s1] =	stream.indirect.scatter.add.f32 [tilespmem:s18], [sflag:$0x3], $0x80, s28, s17, $0xb8;
	[tilespmem:$0x1E400] =	vst v63  }
0xe5: {  	_ =	swait.ge [sflag:s15], $0x4000  }
0xe6: {  	[sflag:s15] =	ssyncset.done $0x0  }
0xe7: {  	s28 =	sadd.s32 $0x100, s26;
	[sflag:s15] =	ssyncadd.s32 $0xFFFFC000  }
0xe8: {  	[tilespmem:s18], [sflag:$0x1] =	stream.indirect.gather [hbm4b:s4+s17], $0x80, s28, s17, $0xb8;
	[tilespmem:$0x1E400] =	vst v63  }
0xe9: {  	_ =	swait.ge [sflag:s21], $0x4000  }
0xea: {  	[sflag:s21] =	ssyncset.done $0x0  }
.Ltmp7:
0xeb: {  	s28 =	sadd.s32 $0x1480, s26;
	[sflag:s21] =	ssyncadd.s32 $0xFFFFC000;
	(pc) =	sbr.rel @!p1 .LBB2_5-.Ltmp7, $4  }
0xec: {  	[spmem:s1] =	stream.indirect.scatter.add.f32 [tilespmem:s19], [sflag:$0x3], $0x80, s28, s17, $0xb8;
	[tilespmem:$0x1E400] =	vst v63  }
0xed: {  	_ =	swait.ge [sflag:s15], $0x4000  }
0xee: {  	[sflag:s15] =	ssyncset.done $0x0  }
0xef: {  	s26 =	sadd.s32 $0x180, s26;
	[sflag:s15] =	ssyncadd.s32 $0xFFFFC000  }
.Ltmp8:
0xf0: {  	(pc) =	sbr.rel .LBB2_12-.Ltmp8, $2  }
0xf1: {  	_ =	sdelay $0x2  }
0xf2: {  	[tilespmem:s19], [sflag:$0x2] =	stream.indirect.gather [hbm4b:s4+s17], $0x80, s26, s17, $0xb8;
	[tilespmem:$0x1E400] =	vst v63  }
.LBB2_13:
0xf3: {  	_ =	sfence.sel $0x180000  }
0xf4: {  	[bflag:$0x0] =	sbarrier.arrive $0xFFFF  }
0xf5: {  	p0 =	sne.s32 s2, $0x0;
	_ =	strace $0x9000004A  }
0xf6: {  	s0 =	sadd.s32 @!p0 $0x100000, s0;
	[bflag:$0x2] =	sbarrier.arrive $0xFFFF  }
0xf7: {  	[sflag:s0] =	ssyncadd.tile.s32 @!p0 $0x1;
	_ =	shalt  }
.Lfunc_end2:
_tile_overlayer_lowered:
.L_overlay_start_2:
0xf8: {  	(tag) =	ssettag $0x2  }
0xf9: {  	s0 =	rddreg [dreg:$0x0];
	s2 =	stileid.u32  }
0xfa: {  	s1 =	rddreg [dreg:$0x1];
	p0 =	sne.s32 s2, $0x0  }
0xfb: {  	s3 =	rddreg [dreg:$0x2];
	[bflag:$0x3] =	sbarrier.arrive $0xFFFF;
	s2 =	simm.s32 @!p0 $0x1C03  }
0xfc: {  	[timem:s3], [sflag:s2] =	dma.local @!p0 [hbm:s0], s1  }
0xfd: {  	s0 =	simm.s32 @!p0 $0x3  }
0xfe: {  	_ =	swait.ge @!p0 [sflag:s0], s1  }
0xff: {  	s1 =	ssub.s32 @!p0 $0x0, s1;
	[sflag:s0] =	ssyncset.done @!p0 $0x0  }
0x100: {  	[sflag:s0] =	ssyncadd.s32 @!p0 s1  }
0x101: {  	[bflag:$0x3] =	sbarrier.arrive $0xFFFF  }
0x102: {  	_ =	shalt  }

// kernel: kernel.14.cloned.1.call-start
scs
__scs_entry_jumppad:
0x0: {  	(pc) =	sbr.rel $0x88, $3  }
0x1: {  	(tag) =	ssettag $0x0;
	lr =	simm.s32 $0x1  }
0x2: {  	[smem:$0x3F96] =	sst lr;
	_ =	strace $0xD0000000  }
0x3: {  	_ = 	snop  }
0x4: {  	_ = 	snop  }
0x5: {  	_ = 	snop  }
0x6: {  	_ = 	snop  }
0x7: {  	_ = 	snop  }
__scs_overlays_trampoline_lowered:
0x8: {  	[smem:$0x3FA5] =	sst s0  }
0x9: {  	[smem:$0x3FA6] =	sst s1  }
0xa: {  	[smem:$0x3FA7] =	sst s2  }
0xb: {  	[smem:$0x3FA8] =	sst s3  }
0xc: {  	[smem:$0x3FA9] =	sst s4  }
0xd: {  	[smem:$0x3FAA] =	sst s5  }
0xe: {  	[smem:$0x3FAB] =	sst s6  }
0xf: {  	[smem:$0x3FAC] =	sst s7  }
0x10: {  	[smem:$0x3FAD] =	sst s8  }
0x11: {  	[smem:$0x3FAE] =	sst s9;
	s0 =	simm.s32 @!p0 $0x0  }
0x12: {  	s1 =	sld [smem:$0x3F94];
	s0 =	simm.s32 @p0 $0x1  }
0x13: {  	[smem:$0x3FAF] =	sst s0;
	s0 =	simm.s32 @!p1 $0x0  }
0x14: {  	s2 =	sld [smem:$0x3F93];
	s0 =	simm.s32 @p1 $0x1  }
0x15: {  	[smem:$0x3FB0] =	sst s0;
	s0 =	simm.s32 @!p2 $0x0  }
0x16: {  	s3 =	sld [smem:$0x3FDB];
	s0 =	simm.s32 @p2 $0x1  }
0x17: {  	s4 =	simm.s32 $0x1BF5;
	[smem:$0x3FB2] =	sst s0  }
0x18: {  	s0 =	sld [smem:$0x3F95];
	_ =	swait.ge [sflag:s4], $0x0  }
0x19: {  	s7 =	sld [smem:$0x3F96]  }
0x1a: {  	s8 =	sadd.s32 $0xFFFFE003, lr  }
0x1b: {  	s9 =	sadd.s32 $0xFFFFFEF7, lr;
	s5 =	simm.s32 $0xFFFFFFFF;
	p2 =	slt.u32 s8, $0xFFFFF086  }
0x1c: {  	p1 =	slt.u32 s9, $0xF7A;
	s5 =	simm.s32 @!p2 $0x0  }
0x1d: {  	s5 =	simm.s32 @p1 $0x1;
	p0 =	seq.s32 s7, s2  }
0x1e: {  	s7 =	smul.u32 @!p0 $0xF7A, s2;
	p2 =	seq.s32 @!p0 s5, $0x0  }
0x1f: {  	s9 =	smul.u32 $0xF7A, s1;
	s8 =	simm.s32 @!p0 $0x1BF5;
	p2 =	por !p2, p0  }
0x20: {  	[sflag:s8] =	ssyncset.s32 @!p0 $0xFFFFF086;
	s6 =	sadd.s32 @!p0 s3, s7;
	s7 =	simm.s32 @!p0 $0x108  }
0x21: {  	s3 =	sadd.s32 s3, s9;
	s6 =	sadd.s32 @!p0 $0x88, s6;
	s7 =	simm.s32 @p2 $0x1082  }
0x22: {  	[simem:s7], [sflag:s8] =	dma.local @!p0 [hbm:s6], $0xF7A  }
0x23: {  	s9 =	sor.u32 $0xD0000000, s2;
	s6 =	simm.s32 $0x108;
	_ =	swait.ge @!p0 [sflag:s8], $0x0  }
0x24: {  	s3 =	sadd.s32 $0x88, s3;
	s6 =	simm.s32 @!p1 $0x1082;
	[sflag:s4] =	ssyncset.s32 $0xFFFFF086  }
0x25: {  	[simem:s6], [sflag:s4] =	dma.local [hbm:s3], $0xF7A  }
0x26: {  	[smem:$0x3F96] =	sst s1;
	(tag) =	ssettag s2;
	_ =	strace s9  }
0x27: {  	s1 =	sld [smem:$0x3FA6]  }
0x28: {  	s2 =	sld [smem:$0x3FA7]  }
0x29: {  	s4 =	sld [smem:$0x3FA9]  }
0x2a: {  	p0 =	seq.s32 s5, $0x0;
	s5 =	sld [smem:$0x3FAA]  }
0x2b: {  	s6 =	sld [smem:$0x3FAB]  }
0x2c: {  	s7 =	sld [smem:$0x3FAC]  }
0x2d: {  	s3 =	simm.s32 $0x108;
	s8 =	sld [smem:$0x3FAD]  }
0x2e: {  	s3 =	simm.s32 @!p0 $0x1082;
	s9 =	sld [smem:$0x3FAE]  }
0x2f: {  	lr =	sadd.s32 s0, s3;
	s0 =	sld [smem:$0x3FA5]  }
0x30: {  	s3 =	sld [smem:$0x3FA8]  }
0x31: {  	[smem:$0x3FB1] =	sst s10  }
0x32: {  	s10 =	sld [smem:$0x3FAF];
	_ =	sdelay $0x3  }
0x33: {  	p0 =	seq.s32 s10, $0x1;
	s10 =	sld [smem:$0x3FB1];
	_ =	sdelay $0x3  }
0x34: {  	[smem:$0x3FB1] =	sst s10  }
0x35: {  	s10 =	sld [smem:$0x3FB0];
	_ =	sdelay $0x3  }
0x36: {  	p1 =	seq.s32 s10, $0x1;
	s10 =	sld [smem:$0x3FB1];
	_ =	sdelay $0x3  }
0x37: {  	[smem:$0x3FB1] =	sst s10  }
0x38: {  	s10 =	sld [smem:$0x3FB2]  }
0x39: {  	_ = 	snop;
	(pc) =	sbr.ind lr, $3  }
0x3a: {  	_ = 	snop  }
0x3b: {  	_ = 	snop  }
0x3c: {  	p2 =	seq.s32 s10, $0x1;
	s10 =	sld [smem:$0x3FB1]  }
0x3d: {  	_ =	shalt  }
0x3e: {  	_ =	shalt  }
0x3f: {  	_ =	shalt  }
0x40: {  	_ =	shalt  }
0x41: {  	_ =	shalt  }
0x42: {  	_ =	shalt  }
0x43: {  	_ =	shalt  }
0x44: {  	_ =	shalt  }
0x45: {  	_ =	shalt  }
0x46: {  	_ =	shalt  }
0x47: {  	_ =	shalt  }
0x48: {  	_ =	shalt  }
0x49: {  	_ =	shalt  }
0x4a: {  	_ =	shalt  }
0x4b: {  	_ =	shalt  }
0x4c: {  	_ =	shalt  }
0x4d: {  	_ =	shalt  }
0x4e: {  	_ =	shalt  }
0x4f: {  	_ =	shalt  }
0x50: {  	_ =	shalt  }
0x51: {  	_ =	shalt  }
0x52: {  	_ =	shalt  }
0x53: {  	_ =	shalt  }
0x54: {  	_ =	shalt  }
0x55: {  	_ =	shalt  }
0x56: {  	_ =	shalt  }
0x57: {  	_ =	shalt  }
0x58: {  	_ =	shalt  }
0x59: {  	_ =	shalt  }
0x5a: {  	_ =	shalt  }
0x5b: {  	_ =	shalt  }
0x5c: {  	_ =	shalt  }
0x5d: {  	_ =	shalt  }
0x5e: {  	_ =	shalt  }
0x5f: {  	_ =	shalt  }
0x60: {  	_ =	shalt  }
0x61: {  	_ =	shalt  }
0x62: {  	_ =	shalt  }
0x63: {  	_ =	shalt  }
0x64: {  	_ =	shalt  }
0x65: {  	_ =	shalt  }
0x66: {  	_ =	shalt  }
0x67: {  	_ =	shalt  }
0x68: {  	_ =	shalt  }
0x69: {  	_ =	shalt  }
0x6a: {  	_ =	shalt  }
0x6b: {  	_ =	shalt  }
0x6c: {  	_ =	shalt  }
0x6d: {  	_ =	shalt  }
0x6e: {  	_ =	shalt  }
0x6f: {  	_ =	shalt  }
0x70: {  	_ =	shalt  }
0x71: {  	_ =	shalt  }
0x72: {  	_ =	shalt  }
0x73: {  	_ =	shalt  }
0x74: {  	_ =	shalt  }
0x75: {  	_ =	shalt  }
0x76: {  	_ =	shalt  }
0x77: {  	_ =	shalt  }
0x78: {  	_ =	shalt  }
0x79: {  	_ =	shalt  }
0x7a: {  	_ =	shalt  }
0x7b: {  	_ =	shalt  }
0x7c: {  	_ =	shalt  }
0x7d: {  	_ =	shalt  }
0x7e: {  	_ =	shalt  }
0x7f: {  	_ =	shalt  }
0x80: {  	_ =	shalt  }
0x81: {  	_ =	shalt  }
0x82: {  	_ =	shalt  }
0x83: {  	_ =	shalt  }
0x84: {  	_ =	shalt  }
0x85: {  	_ =	shalt  }
0x86: {  	_ =	shalt  }
0x87: {  	_ =	shalt  }
.Lfunc_end0:
.L_simem_size_0:
called_computation.2_lowered:
.L_overlay_start_0:
0x88: {  	s2 =	sld [smem:$0x3FD9]  }
0x89: {  	s3 =	sld [smem:$0x3FFE];
	_ =	sdelay $0x1  }
0x8a: {  	s1 =	srdreg.scid  }
0x8b: {  	s0 =	sand.u32 $0x1, s1  }
0x8c: {  	s16 =	sshll.u32 s0, $0xA;
	s2 =	sadd.s32 s3, s2  }
0x8d: {  	s2 =	sadd.s32 s2, s16  }
0x8e: {  	[smem:$0x3FBD] =	sst s2  }
0x8f: {  	_ = 	snop  }
0x90: {  	(tm) =	ssettm $0x1  }
0x91: {  	s17 =	sld [smem:$0x3FFB];
	_ =	sdelay $0x3  }
0x92: {  	_ =	strace s17  }
0x93: {  	s2 =	sld [smem:$0x3FFC];
	_ =	sdelay $0x3  }
0x94: {  	_ =	strace s2  }
0x95: {  	s2 =	sld [smem:$0x3FFD];
	_ =	sdelay $0x3  }
0x96: {  	_ =	strace s2  }
0x97: {  	_ =	strace $0x8FFFFFFF  }
0x98: {  	s18 =	sld [smem:$0x3FDB];
	_ =	sdelay $0x1  }
0x99: {  	s19 =	simm.s32 $_scs_section_size  }
0x9a: {  	s4 =	simm.s32 $_size__tile_overlayer_lowered;
	s5 =	simm.s32 $_tile_overlayer_lowered  }
0x9b: {  	s22 =	simm.s32 $0x1BFF;
	s21 =	sshll.u32 s5, $0x1;
	s2 =	sadd.s32 s19, s18  }
0x9c: {  	s6 =	simm.s32 $0x0;
	s20 =	sshll.u32 s4, $0x1;
	s4 =	sadd.s32 s21, s2  }
0x9d: {  	[timem:s6], [sflag:s22] =	dma.local [hbm:s4], s20  }
0x9e: {  	_ =	swait.ge [sflag:s22], s20  }
0x9f: {  	s3 =	ssub.s32 $0x0, s20;
	[sflag:s22] =	ssyncset.done $0x0  }
0xa0: {  	[sflag:s22] =	ssyncadd.s32 s3;
	_ =	sdelay $0x1  }
0xa1: {  	s23 =	simm.s32 $0x1B8B  }
0xa2: {  	_ =	swait.ge [sflag:s23], $0x1  }
0xa3: {  	[sflag:s23] =	ssyncset.done $0x0  }
0xa4: {  	s25 =	simm.s32 $0x1B8E;
	s24 =	sld [smem:$0x3FFE];
	[sflag:s23] =	ssyncadd.s32 $0xFFFFFFFF  }
0xa5: {  	s26 =	simm.s32 $execute0_lowered;
	[smem:$0x3FD2] =	sst s25  }
0xa6: {  	s4 =	sshll.u32 s26, $0x1;
	_ =	strace $0x8000004C;
	[dreg:$0x1] =	wrdreg $0xFFFFFFFF  }
0xa7: {  	s28 =	simm.s32 $_size_execute0_lowered;
	s2 =	sadd.s32 s2, s4;
	[dreg:$0x0] =	wrdreg $0x0  }
0xa8: {  	s4 =	sshll.u32 s28, $0x1;
	[dreg:$0x2] =	wrdreg s2  }
0xa9: {  	[dreg:$0x3] =	wrdreg s4  }
0xaa: {  	[dreg:$0x4] =	wrdreg $0xC0  }
0xab: {  	_ =	task [dreg:s6], $0x5FFFF  }
0xac: {  	[dreg:$0x1] =	wrdreg $0xFFFFFFFF  }
0xad: {  	[dreg:$0x0] =	wrdreg $0x60  }
0xae: {  	[dreg:$0x2] =	wrdreg s24  }
0xaf: {  	[dreg:$0x3] =	wrdreg $0xA8000  }
0xb0: {  	[dreg:$0x4] =	wrdreg $0x9  }
0xb1: {  	_ =	task.clear_ibuf [dreg:s6], $0x5FFFF;
	_ =	strace $0x9000004C  }
0xb2: {  	s29 =	simm.s32 $0x9;
	_ =	strace $0x8000004E  }
0xb3: {  	_ =	swait.ge [sflag:s29], $0x1  }
0xb4: {  	[sflag:s29] =	ssyncadd.s32 $0xFFFFFFFF  }
0xb5: {  	_ =	strace $0x9000004E  }
0xb6: {  	_ =	sfence  }
0xb7: {  	s30 =	sld [smem:$0x0];
	_ =	sdelay $0x2  }
0xb8: {  	s31 =	sshll.u32 s1, $0xD;
	s1 =	sshrl.u32 s1, $0x2  }
0xb9: {  	s3 =	sand.u32 $0x4000, s31;
	s1 =	sadd.s32 s1, s30  }
0xba: {  	s0 =	sor.u32 s3, s0;
	s1 =	sshll.u32 s1, $0x11  }
0xbb: {  	s0 =	sor.u32 s1, s0  }
0xbc: {  	s0 =	sadd.s32 $0x8F2B, s0  }
0xbd: {  	[sflag:s0] =	ssyncadd.remote.s32 $0x1  }
0xbe: {  	_ =	sfence.sel $0xFFFF  }
0xbf: {  	[dreg:$0x0] =	wrdreg $0xFFFFFFFF;
	(pc) =	sbr.abs _section_cstart, $3  }
0xc0: {  	[dreg:$0x1] =	wrdreg $0xFFFFFFFF  }
0xc1: {  	_ =	task.clear_ibuf [dreg:s6], $0x2FFFF;
	_ =	strace $0x9FFFFFFF  }
0xc2: {  	(tm) =	ssettm $0x7FFFFFFF  }
0xc3: {  	_ =	shalt  }
tec
execute0_lowered:
.L_overlay_start_1:
0x0: {  	(tag) =	ssettag $0x1  }
0x1: {  	s7 =	rddreg [dreg:$0x0]  }
0x2: {  	s1 =	rddreg [dreg:$0x1]  }
0x3: {  	s2 =	srdreg.scid;
	s0 =	rddreg [dreg:$0x2]  }
0x4: {  	s3 =	simm.s32 $0x0;
	s17 =	simm.s32 $0x80;
	s18 =	simm.s32 $0x2800  }
0x5: {  	s19 =	simm.s32 $0x6800;
	s20 =	simm.s32 $0x1;
	s21 =	simm.s32 $0x2  }
0x6: {  	s22 =	simm.s32 $0x2700;
	s23 =	simm.s32 $0x2780;
	s24 =	simm.s32 $0x0  }
0x7: {  	s8 =	sand.u32 $0x1, s2;
	s2 =	stileid.u32;
	[smem:$0x7FF] =	sst s3  }
0x8: {  	s4 =	sadd.s32 $0x1CE00, s7;
	s5 =	sadd.s32 $0x44000, s7;
	s6 =	smul.u32 $0x13C000, s8  }
0x9: {  	s10 =	sadd.s32 $0x17E00, s7;
	s11 =	sadd.s32 $0x12E00, s7;
	s9 =	smul.u32 $0x13C00, s2  }
0xa: {  	_ =	strace $0x8000004D;
	s12 =	smul.u32 $0x4F000, s2;
	s28 =	ssub.s32 $0x2, s8  }
0xb: {  	s14 =	smul.u32 $0x2800, s2;
	s30 =	sshll.u32 s2, $0x6;
	p0 =	seq.s32 s8, $0x1  }
0xc: {  	s29 =	sshrl.u32 s28, $0x1;
	s6 =	sadd.s32 s9, s6;
	s12 =	sshrl.u32 s12, $0x2  }
0xd: {  	s15 =	ssub.s32 s28, s29;
	s31 =	sshrl.u32 s14, $0x3;
	s9 =	sshrl.u32 s6, $0x3  }
.Ltmp0:
0xe: {  	s6 =	sadd.s32 $0x3800, s7;
	s16 =	sadd.s32 s12, s1;
	(pc) =	sbr.rel .LBB2_1-.Ltmp0, $4  }
0xf: {  	s8 =	sadd.s32 s10, s31;
	s12 =	sadd.s32 $0x280, s31;
	s13 =	sadd.s32 s9, s7  }
0x10: {  	s7 =	sor.u32 $0x1C03, s30;
	s9 =	sadd.s32 s11, s31;
	s10 =	sadd.s32 s10, s12  }
0x11: {  	s11 =	sadd.s32 s11, s12;
	s14 =	sshrl.u32 s16, $0x3;
	s16 =	simm.s32 $0x1400  }
0x12: {  	s12 =	sadd.s32 $0x92400, s13;
	s13 =	smax.u32 s15, $0x1;
	s15 =	simm.s32 $0x3  }
.LBB2_11:
0x13: {  	[tilespmem:s19], [sflag:$0x2] =	stream.indirect.gather [hbm4b:s5+s17], $0x80, s26, s17, $0xb8;
	[tilespmem:$0x1E400] =	vst v63  }
.LBB2_12:
0x14: {  	_ =	swait.ge [sflag:s20], $0x4000  }
0x15: {  	[sflag:s20] =	ssyncset.done $0x0  }
0x16: {  	[sflag:s20] =	ssyncadd.s32 $0xFFFFC000  }
0x17: {  	[spmem:s1] =	stream.indirect.scatter.add.f32 [tilespmem:s18], [sflag:$0x3], $0x80, s22, s17, $0xb8;
	[tilespmem:$0x1E400] =	vst v63  }
0x18: {  	_ =	swait.ge [sflag:s15], $0x4000  }
0x19: {  	[sflag:s15] =	ssyncset.done $0x0  }
0x1a: {  	[sflag:s15] =	ssyncadd.s32 $0xFFFFC000  }
0x1b: {  	_ =	swait.ge [sflag:s21], $0x4000  }
0x1c: {  	[sflag:s21] =	ssyncset.done $0x0  }
0x1d: {  	[sflag:s21] =	ssyncadd.s32 $0xFFFFC000  }
0x1e: {  	[spmem:s1] =	stream.indirect.scatter.add.f32 [tilespmem:s19], [sflag:$0x3], $0x80, s23, s17, $0xb8;
	[tilespmem:$0x1E400] =	vst v63  }
0x1f: {  	_ =	swait.ge [sflag:s15], $0x4000  }
0x20: {  	s24 =	sadd.s32 $0x1, s24;
	[sflag:s15] =	ssyncset.done $0x0  }
0x21: {  	p1 =	sne.s32 s24, s13;
	[sflag:s15] =	ssyncadd.s32 $0xFFFFC000  }
.Ltmp1:
0x22: {  	[bflag:$0x0] =	sbarrier.arrive $0xFFFF;
	(pc) =	sbr.rel @!p1 .LBB2_13-.Ltmp1, $4  }
0x23: {  	[hbm:s12], [sflag:s7] =	dma.local [spmem:s14], $0x2780  }
0x24: {  	_ =	swait.ge [sflag:s15], $0x2780  }
0x25: {  	[sflag:s15] =	ssyncset.done $0x0  }
0x26: {  	[sflag:s15] =	ssyncadd.s32 $0xFFFFD880  }
.LBB2_1:
0x27: {  	[spmem:s14], [sflag:s7] =	dma.local [hbm:s6], $0x2780  }
0x28: {  	_ =	swait.ge [sflag:s15], $0x2780  }
0x29: {  	[sflag:s15] =	ssyncset.done $0x0  }
0x2a: {  	[sflag:s15] =	ssyncadd.s32 $0xFFFFD880  }
0x2b: {  	[bflag:$0x0] =	sbarrier.arrive $0xFFFF  }
0x2c: {  	[tilespmem:s3], [sflag:$0x3] =	stream.linear.gather [hbm4b:s8+s3], $0x1400, $0x38;
	[tilespmem:$0x1E400] =	vst v63  }
0x2d: {  	_ =	swait.ge [sflag:s15], $0x1400  }
0x2e: {  	[sflag:s15] =	ssyncset.done $0x0  }
.Ltmp2:
0x2f: {  	[sflag:s15] =	ssyncadd.s32 $0xFFFFEC00;
	(pc) =	sbr.rel @!p0 .LBB2_2-.Ltmp2, $4  }
0x30: {  	[tilespmem:s16], [sflag:$0x3] =	stream.linear.gather [hbm4b:s9+s3], $0x1400, $0x38;
	[tilespmem:$0x1E400] =	vst v63  }
0x31: {  	_ =	swait.ge [sflag:s15], $0x1400  }
0x32: {  	[sflag:s15] =	ssyncset.done $0x0  }
0x33: {  	s25 =	simm.s32 $0x0;
	[sflag:s15] =	ssyncadd.s32 $0xFFFFEC00  }
0x34: {  	[tilespmem:s18], [sflag:$0x1] =	stream.indirect.gather [hbm4b:s5+s17], $0x80, s25, s17, $0xb8;
	[tilespmem:$0x1E400] =	vst v63  }
0x35: {  	_ = 	snop  }
0x36: {  	[tilespmem:s19], [sflag:$0x2] =	stream.indirect.gather [hbm4b:s5+s17], $0x80, s17, s17, $0xb8;
	[tilespmem:$0x1E400] =	vst v63  }
0x37: {  	_ =	swait.ge [sflag:s20], $0x4000  }
0x38: {  	[sflag:s20] =	ssyncset.done $0x0  }
0x39: {  	s29 =	simm.s32 $0x1400;
	[sflag:s20] =	ssyncadd.s32 $0xFFFFC000  }
0x3a: {  	[spmem:s1] =	stream.indirect.scatter.add.f32 [tilespmem:s18], [sflag:$0x3], $0x80, s29, s17, $0xb8;
	[tilespmem:$0x1E400] =	vst v63  }
0x3b: {  	_ =	swait.ge [sflag:s15], $0x4000  }
0x3c: {  	[sflag:s15] =	ssyncset.done $0x0  }
0x3d: {  	s30 =	simm.s32 $0x100;
	[sflag:s15] =	ssyncadd.s32 $0xFFFFC000  }
0x3e: {  	[tilespmem:s18], [sflag:$0x1] =	stream.indirect.gather [hbm4b:s5+s17], $0x80, s30, s17, $0xb8;
	[tilespmem:$0x1E400] =	vst v63  }
0x3f: {  	_ =	swait.ge [sflag:s21], $0x4000  }
0x40: {  	[sflag:s21] =	ssyncset.done $0x0  }
0x41: {  	s31 =	simm.s32 $0x1480;
	[sflag:s21] =	ssyncadd.s32 $0xFFFFC000  }
0x42: {  	[spmem:s1] =	stream.indirect.scatter.add.f32 [tilespmem:s19], [sflag:$0x3], $0x80, s31, s17, $0xb8;
	[tilespmem:$0x1E400] =	vst v63  }
0x43: {  	_ =	swait.ge [sflag:s15], $0x4000  }
0x44: {  	[sflag:s15] =	ssyncset.done $0x0  }
0x45: {  	s25 =	simm.s32 $0x400;
	s26 =	simm.s32 $0x180;
	[sflag:s15] =	ssyncadd.s32 $0xFFFFC000  }
.LBB2_8:
0x46: {  	[tilespmem:s19], [sflag:$0x2] =	stream.indirect.gather [hbm4b:s5+s17], $0x80, s26, s17, $0xb8;
	[tilespmem:$0x1E400] =	vst v63  }
0x47: {  	s26 =	smov.u32 s25  }
0x48: {  	p1 =	sne.s32 s25, $0x4800;
	s25 =	sadd.s32 $0x400, s25;
	_ =	swait.ge [sflag:s20], $0x4000  }
0x49: {  	s26 =	sshra.s32 s26, $0x2;
	[sflag:s20] =	ssyncset.done $0x0  }
0x4a: {  	s28 =	sadd.s32 $0x1400, s26;
	[sflag:s20] =	ssyncadd.s32 $0xFFFFC000  }
0x4b: {  	[spmem:s1] =	stream.indirect.scatter.add.f32 [tilespmem:s18], [sflag:$0x3], $0x80, s28, s17, $0xb8;
	[tilespmem:$0x1E400] =	vst v63  }
0x4c: {  	_ =	swait.ge [sflag:s15], $0x4000  }
0x4d: {  	[sflag:s15] =	ssyncset.done $0x0  }
0x4e: {  	s28 =	sadd.s32 $0x100, s26;
	[sflag:s15] =	ssyncadd.s32 $0xFFFFC000  }
0x4f: {  	[tilespmem:s18], [sflag:$0x1] =	stream.indirect.gather [hbm4b:s5+s17], $0x80, s28, s17, $0xb8;
	[tilespmem:$0x1E400] =	vst v63  }
0x50: {  	_ =	swait.ge [sflag:s21], $0x4000  }
0x51: {  	[sflag:s21] =	ssyncset.done $0x0  }
.Ltmp3:
0x52: {  	s28 =	sadd.s32 $0x1480, s26;
	[sflag:s21] =	ssyncadd.s32 $0xFFFFC000;
	(pc) =	sbr.rel @p1 .LBB2_8-.Ltmp3, $4  }
0x53: {  	[spmem:s1] =	stream.indirect.scatter.add.f32 [tilespmem:s19], [sflag:$0x3], $0x80, s28, s17, $0xb8;
	[tilespmem:$0x1E400] =	vst v63  }
0x54: {  	_ =	swait.ge [sflag:s15], $0x4000  }
0x55: {  	[sflag:s15] =	ssyncset.done $0x0  }
0x56: {  	s26 =	sadd.s32 $0x180, s26;
	[sflag:s15] =	ssyncadd.s32 $0xFFFFC000  }
0x57: {  	[tilespmem:s19], [sflag:$0x2] =	stream.indirect.gather [hbm4b:s5+s17], $0x80, s26, s17, $0xb8;
	[tilespmem:$0x1E400] =	vst v63  }
0x58: {  	_ =	swait.ge [sflag:s20], $0x4000  }
0x59: {  	[sflag:s20] =	ssyncset.done $0x0  }
0x5a: {  	[sflag:s20] =	ssyncadd.s32 $0xFFFFC000  }
0x5b: {  	[spmem:s1] =	stream.indirect.scatter.add.f32 [tilespmem:s18], [sflag:$0x3], $0x80, s22, s17, $0xb8;
	[tilespmem:$0x1E400] =	vst v63  }
0x5c: {  	_ =	swait.ge [sflag:s15], $0x4000  }
0x5d: {  	[sflag:s15] =	ssyncset.done $0x0  }
0x5e: {  	[sflag:s15] =	ssyncadd.s32 $0xFFFFC000  }
0x5f: {  	_ =	swait.ge [sflag:s21], $0x4000  }
0x60: {  	[sflag:s21] =	ssyncset.done $0x0  }
0x61: {  	[sflag:s21] =	ssyncadd.s32 $0xFFFFC000  }
0x62: {  	[spmem:s1] =	stream.indirect.scatter.add.f32 [tilespmem:s19], [sflag:$0x3], $0x80, s23, s17, $0xb8;
	[tilespmem:$0x1E400] =	vst v63  }
0x63: {  	_ =	swait.ge [sflag:s15], $0x4000  }
0x64: {  	[sflag:s15] =	ssyncset.done $0x0  }
0x65: {  	s25 =	simm.s32 $0x0;
	[sflag:s15] =	ssyncadd.s32 $0xFFFFC000  }
0x66: {  	[tilespmem:s25], [sflag:$0x3] =	stream.linear.gather [hbm4b:s10+s25], $0x1400, $0x38;
	[tilespmem:$0x1E400] =	vst v63  }
0x67: {  	_ =	swait.ge [sflag:s15], $0x1400  }
0x68: {  	[sflag:s15] =	ssyncset.done $0x0  }
0x69: {  	[sflag:s15] =	ssyncadd.s32 $0xFFFFEC00  }
0x6a: {  	[tilespmem:s16], [sflag:$0x3] =	stream.linear.gather [hbm4b:s11+s25], $0x1400, $0x38;
	[tilespmem:$0x1E400] =	vst v63  }
0x6b: {  	_ =	swait.ge [sflag:s15], $0x1400  }
0x6c: {  	[sflag:s15] =	ssyncset.done $0x0  }
0x6d: {  	[sflag:s15] =	ssyncadd.s32 $0xFFFFEC00  }
0x6e: {  	[tilespmem:s18], [sflag:$0x1] =	stream.indirect.gather [hbm4b:s5+s17], $0x80, s25, s17, $0xb8;
	[tilespmem:$0x1E400] =	vst v63  }
0x6f: {  	_ = 	snop  }
0x70: {  	[tilespmem:s19], [sflag:$0x2] =	stream.indirect.gather [hbm4b:s5+s17], $0x80, s17, s17, $0xb8;
	[tilespmem:$0x1E400] =	vst v63  }
0x71: {  	_ =	swait.ge [sflag:s20], $0x4000  }
0x72: {  	[sflag:s20] =	ssyncset.done $0x0  }
0x73: {  	s29 =	simm.s32 $0x1400;
	[sflag:s20] =	ssyncadd.s32 $0xFFFFC000  }
0x74: {  	[spmem:s1] =	stream.indirect.scatter.add.f32 [tilespmem:s18], [sflag:$0x3], $0x80, s29, s17, $0xb8;
	[tilespmem:$0x1E400] =	vst v63  }
0x75: {  	_ =	swait.ge [sflag:s15], $0x4000  }
0x76: {  	[sflag:s15] =	ssyncset.done $0x0  }
0x77: {  	s30 =	simm.s32 $0x100;
	[sflag:s15] =	ssyncadd.s32 $0xFFFFC000  }
0x78: {  	[tilespmem:s18], [sflag:$0x1] =	stream.indirect.gather [hbm4b:s5+s17], $0x80, s30, s17, $0xb8;
	[tilespmem:$0x1E400] =	vst v63  }
0x79: {  	_ =	swait.ge [sflag:s21], $0x4000  }
0x7a: {  	[sflag:s21] =	ssyncset.done $0x0  }
0x7b: {  	s31 =	simm.s32 $0x1480;
	[sflag:s21] =	ssyncadd.s32 $0xFFFFC000  }
0x7c: {  	[spmem:s1] =	stream.indirect.scatter.add.f32 [tilespmem:s19], [sflag:$0x3], $0x80, s31, s17, $0xb8;
	[tilespmem:$0x1E400] =	vst v63  }
0x7d: {  	_ =	swait.ge [sflag:s15], $0x4000  }
0x7e: {  	[sflag:s15] =	ssyncset.done $0x0  }
0x7f: {  	s26 =	simm.s32 $0x180;
	s25 =	simm.s32 $0x400;
	[sflag:s15] =	ssyncadd.s32 $0xFFFFC000  }
.LBB2_10:
0x80: {  	[tilespmem:s19], [sflag:$0x2] =	stream.indirect.gather [hbm4b:s5+s17], $0x80, s26, s17, $0xb8;
	[tilespmem:$0x1E400] =	vst v63  }
0x81: {  	s26 =	smov.u32 s25  }
0x82: {  	p1 =	sne.s32 s25, $0x4800;
	s25 =	sadd.s32 $0x400, s25;
	_ =	swait.ge [sflag:s20], $0x4000  }
0x83: {  	s26 =	sshra.s32 s26, $0x2;
	[sflag:s20] =	ssyncset.done $0x0  }
0x84: {  	s28 =	sadd.s32 $0x1400, s26;
	[sflag:s20] =	ssyncadd.s32 $0xFFFFC000  }
0x85: {  	[spmem:s1] =	stream.indirect.scatter.add.f32 [tilespmem:s18], [sflag:$0x3], $0x80, s28, s17, $0xb8;
	[tilespmem:$0x1E400] =	vst v63  }
0x86: {  	_ =	swait.ge [sflag:s15], $0x4000  }
0x87: {  	[sflag:s15] =	ssyncset.done $0x0  }
0x88: {  	s28 =	sadd.s32 $0x100, s26;
	[sflag:s15] =	ssyncadd.s32 $0xFFFFC000  }
0x89: {  	[tilespmem:s18], [sflag:$0x1] =	stream.indirect.gather [hbm4b:s5+s17], $0x80, s28, s17, $0xb8;
	[tilespmem:$0x1E400] =	vst v63  }
0x8a: {  	_ =	swait.ge [sflag:s21], $0x4000  }
0x8b: {  	[sflag:s21] =	ssyncset.done $0x0  }
.Ltmp4:
0x8c: {  	s28 =	sadd.s32 $0x1480, s26;
	[sflag:s21] =	ssyncadd.s32 $0xFFFFC000;
	(pc) =	sbr.rel @p1 .LBB2_10-.Ltmp4, $4  }
0x8d: {  	[spmem:s1] =	stream.indirect.scatter.add.f32 [tilespmem:s19], [sflag:$0x3], $0x80, s28, s17, $0xb8;
	[tilespmem:$0x1E400] =	vst v63  }
0x8e: {  	_ =	swait.ge [sflag:s15], $0x4000  }
0x8f: {  	[sflag:s15] =	ssyncset.done $0x0  }
0x90: {  	s26 =	sadd.s32 $0x180, s26;
	[sflag:s15] =	ssyncadd.s32 $0xFFFFC000  }
.Ltmp5:
0x91: {  	_ = 	snop;
	(pc) =	sbr.rel .LBB2_11-.Ltmp5, $1  }
0x92: {  	_ =	sdelay $0x3  }
.LBB2_2:
0x93: {  	[tilespmem:s18], [sflag:$0x1] =	stream.indirect.gather [hbm4b:s4+s17], $0x80, s25, s17, $0xb8;
	[tilespmem:$0x1E400] =	vst v63  }
0x94: {  	_ = 	snop  }
0x95: {  	[tilespmem:s19], [sflag:$0x2] =	stream.indirect.gather [hbm4b:s4+s17], $0x80, s17, s17, $0xb8;
	[tilespmem:$0x1E400] =	vst v63  }
0x96: {  	_ =	swait.ge [sflag:s20], $0x4000  }
0x97: {  	[sflag:s20] =	ssyncset.done $0x0  }
0x98: {  	s29 =	simm.s32 $0x1400;
	[sflag:s20] =	ssyncadd.s32 $0xFFFFC000  }
0x99: {  	[spmem:s1] =	stream.indirect.scatter.add.f32 [tilespmem:s18], [sflag:$0x3], $0x80, s29, s17, $0xb8;
	[tilespmem:$0x1E400] =	vst v63  }
0x9a: {  	_ =	swait.ge [sflag:s15], $0x4000  }
0x9b: {  	[sflag:s15] =	ssyncset.done $0x0  }
0x9c: {  	s30 =	simm.s32 $0x100;
	[sflag:s15] =	ssyncadd.s32 $0xFFFFC000  }
0x9d: {  	[tilespmem:s18], [sflag:$0x1] =	stream.indirect.gather [hbm4b:s4+s17], $0x80, s30, s17, $0xb8;
	[tilespmem:$0x1E400] =	vst v63  }
0x9e: {  	_ =	swait.ge [sflag:s21], $0x4000  }
0x9f: {  	[sflag:s21] =	ssyncset.done $0x0  }
0xa0: {  	s31 =	simm.s32 $0x1480;
	[sflag:s21] =	ssyncadd.s32 $0xFFFFC000  }
0xa1: {  	[spmem:s1] =	stream.indirect.scatter.add.f32 [tilespmem:s19], [sflag:$0x3], $0x80, s31, s17, $0xb8;
	[tilespmem:$0x1E400] =	vst v63  }
0xa2: {  	_ =	swait.ge [sflag:s15], $0x4000  }
0xa3: {  	[sflag:s15] =	ssyncset.done $0x0  }
0xa4: {  	s25 =	simm.s32 $0x400;
	s26 =	simm.s32 $0x180;
	[sflag:s15] =	ssyncadd.s32 $0xFFFFC000  }
.LBB2_3:
0xa5: {  	[tilespmem:s19], [sflag:$0x2] =	stream.indirect.gather [hbm4b:s4+s17], $0x80, s26, s17, $0xb8;
	[tilespmem:$0x1E400] =	vst v63  }
0xa6: {  	s26 =	smov.u32 s25  }
0xa7: {  	p1 =	sne.s32 s25, $0x4800;
	s25 =	sadd.s32 $0x400, s25;
	_ =	swait.ge [sflag:s20], $0x4000  }
0xa8: {  	s26 =	sshra.s32 s26, $0x2;
	[sflag:s20] =	ssyncset.done $0x0  }
0xa9: {  	s28 =	sadd.s32 $0x1400, s26;
	[sflag:s20] =	ssyncadd.s32 $0xFFFFC000  }
0xaa: {  	[spmem:s1] =	stream.indirect.scatter.add.f32 [tilespmem:s18], [sflag:$0x3], $0x80, s28, s17, $0xb8;
	[tilespmem:$0x1E400] =	vst v63  }
0xab: {  	_ =	swait.ge [sflag:s15], $0x4000  }
0xac: {  	[sflag:s15] =	ssyncset.done $0x0  }
0xad: {  	s28 =	sadd.s32 $0x100, s26;
	[sflag:s15] =	ssyncadd.s32 $0xFFFFC000  }
0xae: {  	[tilespmem:s18], [sflag:$0x1] =	stream.indirect.gather [hbm4b:s4+s17], $0x80, s28, s17, $0xb8;
	[tilespmem:$0x1E400] =	vst v63  }
0xaf: {  	_ =	swait.ge [sflag:s21], $0x4000  }
0xb0: {  	[sflag:s21] =	ssyncset.done $0x0  }
.Ltmp6:
0xb1: {  	s28 =	sadd.s32 $0x1480, s26;
	[sflag:s21] =	ssyncadd.s32 $0xFFFFC000;
	(pc) =	sbr.rel @p1 .LBB2_3-.Ltmp6, $4  }
0xb2: {  	[spmem:s1] =	stream.indirect.scatter.add.f32 [tilespmem:s19], [sflag:$0x3], $0x80, s28, s17, $0xb8;
	[tilespmem:$0x1E400] =	vst v63  }
0xb3: {  	_ =	swait.ge [sflag:s15], $0x4000  }
0xb4: {  	[sflag:s15] =	ssyncset.done $0x0  }
0xb5: {  	s26 =	sadd.s32 $0x180, s26;
	[sflag:s15] =	ssyncadd.s32 $0xFFFFC000  }
0xb6: {  	[tilespmem:s19], [sflag:$0x2] =	stream.indirect.gather [hbm4b:s4+s17], $0x80, s26, s17, $0xb8;
	[tilespmem:$0x1E400] =	vst v63  }
0xb7: {  	_ =	swait.ge [sflag:s20], $0x4000  }
0xb8: {  	[sflag:s20] =	ssyncset.done $0x0  }
0xb9: {  	[sflag:s20] =	ssyncadd.s32 $0xFFFFC000  }
0xba: {  	[spmem:s1] =	stream.indirect.scatter.add.f32 [tilespmem:s18], [sflag:$0x3], $0x80, s22, s17, $0xb8;
	[tilespmem:$0x1E400] =	vst v63  }
0xbb: {  	_ =	swait.ge [sflag:s15], $0x4000  }
0xbc: {  	[sflag:s15] =	ssyncset.done $0x0  }
0xbd: {  	[sflag:s15] =	ssyncadd.s32 $0xFFFFC000  }
0xbe: {  	_ =	swait.ge [sflag:s21], $0x4000  }
0xbf: {  	[sflag:s21] =	ssyncset.done $0x0  }
0xc0: {  	[sflag:s21] =	ssyncadd.s32 $0xFFFFC000  }
0xc1: {  	[spmem:s1] =	stream.indirect.scatter.add.f32 [tilespmem:s19], [sflag:$0x3], $0x80, s23, s17, $0xb8;
	[tilespmem:$0x1E400] =	vst v63  }
0xc2: {  	_ =	swait.ge [sflag:s15], $0x4000  }
0xc3: {  	[sflag:s15] =	ssyncset.done $0x0  }
0xc4: {  	s25 =	simm.s32 $0x0;
	[sflag:s15] =	ssyncadd.s32 $0xFFFFC000  }
0xc5: {  	[tilespmem:s25], [sflag:$0x3] =	stream.linear.gather [hbm4b:s10+s25], $0x1400, $0x38;
	[tilespmem:$0x1E400] =	vst v63  }
0xc6: {  	_ =	swait.ge [sflag:s15], $0x1400  }
0xc7: {  	[sflag:s15] =	ssyncset.done $0x0  }
0xc8: {  	[sflag:s15] =	ssyncadd.s32 $0xFFFFEC00  }
0xc9: {  	[tilespmem:s16], [sflag:$0x3] =	stream.linear.gather [hbm4b:s11+s25], $0x1400, $0x38;
	[tilespmem:$0x1E400] =	vst v63  }
0xca: {  	_ =	swait.ge [sflag:s15], $0x1400  }
0xcb: {  	[sflag:s15] =	ssyncset.done $0x0  }
0xcc: {  	[sflag:s15] =	ssyncadd.s32 $0xFFFFEC00  }
0xcd: {  	[tilespmem:s18], [sflag:$0x1] =	stream.indirect.gather [hbm4b:s4+s17], $0x80, s25, s17, $0xb8;
	[tilespmem:$0x1E400] =	vst v63  }
0xce: {  	_ = 	snop  }
0xcf: {  	[tilespmem:s19], [sflag:$0x2] =	stream.indirect.gather [hbm4b:s4+s17], $0x80, s17, s17, $0xb8;
	[tilespmem:$0x1E400] =	vst v63  }
0xd0: {  	_ =	swait.ge [sflag:s20], $0x4000  }
0xd1: {  	[sflag:s20] =	ssyncset.done $0x0  }
0xd2: {  	s29 =	simm.s32 $0x1400;
	[sflag:s20] =	ssyncadd.s32 $0xFFFFC000  }
0xd3: {  	[spmem:s1] =	stream.indirect.scatter.add.f32 [tilespmem:s18], [sflag:$0x3], $0x80, s29, s17, $0xb8;
	[tilespmem:$0x1E400] =	vst v63  }
0xd4: {  	_ =	swait.ge [sflag:s15], $0x4000  }
0xd5: {  	[sflag:s15] =	ssyncset.done $0x0  }
0xd6: {  	s30 =	simm.s32 $0x100;
	[sflag:s15] =	ssyncadd.s32 $0xFFFFC000  }
0xd7: {  	[tilespmem:s18], [sflag:$0x1] =	stream.indirect.gather [hbm4b:s4+s17], $0x80, s30, s17, $0xb8;
	[tilespmem:$0x1E400] =	vst v63  }
0xd8: {  	_ =	swait.ge [sflag:s21], $0x4000  }
0xd9: {  	[sflag:s21] =	ssyncset.done $0x0  }
0xda: {  	s31 =	simm.s32 $0x1480;
	[sflag:s21] =	ssyncadd.s32 $0xFFFFC000  }
0xdb: {  	[spmem:s1] =	stream.indirect.scatter.add.f32 [tilespmem:s19], [sflag:$0x3], $0x80, s31, s17, $0xb8;
	[tilespmem:$0x1E400] =	vst v63  }
0xdc: {  	_ =	swait.ge [sflag:s15], $0x4000  }
0xdd: {  	[sflag:s15] =	ssyncset.done $0x0  }
0xde: {  	s26 =	simm.s32 $0x180;
	s25 =	simm.s32 $0x400;
	[sflag:s15] =	ssyncadd.s32 $0xFFFFC000  }
.LBB2_5:
0xdf: {  	[tilespmem:s19], [sflag:$0x2] =	stream.indirect.gather [hbm4b:s4+s17], $0x80, s26, s17, $0xb8;
	[tilespmem:$0x1E400] =	vst v63  }
0xe0: {  	s26 =	smov.u32 s25  }
0xe1: {  	p1 =	seq.s32 s25, $0x4800;
	s25 =	sadd.s32 $0x400, s25;
	_ =	swait.ge [sflag:s20], $0x4000  }
0xe2: {  	s26 =	sshra.s32 s26, $0x2;
	[sflag:s20] =	ssyncset.done $0x0  }
0xe3: {  	s28 =	sadd.s32 $0x1400, s26;
	[sflag:s20] =	ssyncadd.s32 $0xFFFFC000  }
0xe4: {  	[spmem:s1] =	stream.indirect.scatter.add.f32 [tilespmem:s18], [sflag:$0x3], $0x80, s28, s17, $0xb8;
	[tilespmem:$0x1E400] =	vst v63  }
0xe5: {  	_ =	swait.ge [sflag:s15], $0x4000  }
0xe6: {  	[sflag:s15] =	ssyncset.done $0x0  }
0xe7: {  	s28 =	sadd.s32 $0x100, s26;
	[sflag:s15] =	ssyncadd.s32 $0xFFFFC000  }
0xe8: {  	[tilespmem:s18], [sflag:$0x1] =	stream.indirect.gather [hbm4b:s4+s17], $0x80, s28, s17, $0xb8;
	[tilespmem:$0x1E400] =	vst v63  }
0xe9: {  	_ =	swait.ge [sflag:s21], $0x4000  }
0xea: {  	[sflag:s21] =	ssyncset.done $0x0  }
.Ltmp7:
0xeb: {  	s28 =	sadd.s32 $0x1480, s26;
	[sflag:s21] =	ssyncadd.s32 $0xFFFFC000;
	(pc) =	sbr.rel @!p1 .LBB2_5-.Ltmp7, $4  }
0xec: {  	[spmem:s1] =	stream.indirect.scatter.add.f32 [tilespmem:s19], [sflag:$0x3], $0x80, s28, s17, $0xb8;
	[tilespmem:$0x1E400] =	vst v63  }
0xed: {  	_ =	swait.ge [sflag:s15], $0x4000  }
0xee: {  	[sflag:s15] =	ssyncset.done $0x0  }
0xef: {  	s26 =	sadd.s32 $0x180, s26;
	[sflag:s15] =	ssyncadd.s32 $0xFFFFC000  }
.Ltmp8:
0xf0: {  	(pc) =	sbr.rel .LBB2_12-.Ltmp8, $2  }
0xf1: {  	_ =	sdelay $0x2  }
0xf2: {  	[tilespmem:s19], [sflag:$0x2] =	stream.indirect.gather [hbm4b:s4+s17], $0x80, s26, s17, $0xb8;
	[tilespmem:$0x1E400] =	vst v63  }
.LBB2_13:
0xf3: {  	_ =	sfence.sel $0x180000  }
0xf4: {  	[bflag:$0x0] =	sbarrier.arrive $0xFFFF  }
0xf5: {  	p0 =	sne.s32 s2, $0x0;
	_ =	strace $0x9000004D  }
0xf6: {  	s0 =	sadd.s32 @!p0 $0x100000, s0;
	[bflag:$0x2] =	sbarrier.arrive $0xFFFF  }
0xf7: {  	[sflag:s0] =	ssyncadd.tile.s32 @!p0 $0x1;
	_ =	shalt  }
.Lfunc_end2:
_tile_overlayer_lowered:
.L_overlay_start_2:
0xf8: {  	(tag) =	ssettag $0x2  }
0xf9: {  	s0 =	rddreg [dreg:$0x0];
	s2 =	stileid.u32  }
0xfa: {  	s1 =	rddreg [dreg:$0x1];
	p0 =	sne.s32 s2, $0x0  }
0xfb: {  	s3 =	rddreg [dreg:$0x2];
	[bflag:$0x3] =	sbarrier.arrive $0xFFFF;
	s2 =	simm.s32 @!p0 $0x1C03  }
0xfc: {  	[timem:s3], [sflag:s2] =	dma.local @!p0 [hbm:s0], s1  }
0xfd: {  	s0 =	simm.s32 @!p0 $0x3  }
0xfe: {  	_ =	swait.ge @!p0 [sflag:s0], s1  }
0xff: {  	s1 =	ssub.s32 @!p0 $0x0, s1;
	[sflag:s0] =	ssyncset.done @!p0 $0x0  }
0x100: {  	[sflag:s0] =	ssyncadd.s32 @!p0 s1  }
0x101: {  	[bflag:$0x3] =	sbarrier.arrive $0xFFFF  }
0x102: {  	_ =	shalt  }

// kernel: kernel.8.cloned.1.call-start
scs
__scs_entry_jumppad:
0x0: {  	(pc) =	sbr.rel $0x88, $3  }
0x1: {  	(tag) =	ssettag $0x0;
	lr =	simm.s32 $0x1  }
0x2: {  	[smem:$0x3F96] =	sst lr;
	_ =	strace $0xD0000000  }
0x3: {  	_ = 	snop  }
0x4: {  	_ = 	snop  }
0x5: {  	_ = 	snop  }
0x6: {  	_ = 	snop  }
0x7: {  	_ = 	snop  }
__scs_overlays_trampoline_lowered:
0x8: {  	[smem:$0x3FA5] =	sst s0  }
0x9: {  	[smem:$0x3FA6] =	sst s1  }
0xa: {  	[smem:$0x3FA7] =	sst s2  }
0xb: {  	[smem:$0x3FA8] =	sst s3  }
0xc: {  	[smem:$0x3FA9] =	sst s4  }
0xd: {  	[smem:$0x3FAA] =	sst s5  }
0xe: {  	[smem:$0x3FAB] =	sst s6  }
0xf: {  	[smem:$0x3FAC] =	sst s7  }
0x10: {  	[smem:$0x3FAD] =	sst s8  }
0x11: {  	[smem:$0x3FAE] =	sst s9;
	s0 =	simm.s32 @!p0 $0x0  }
0x12: {  	s1 =	sld [smem:$0x3F94];
	s0 =	simm.s32 @p0 $0x1  }
0x13: {  	[smem:$0x3FAF] =	sst s0;
	s0 =	simm.s32 @!p1 $0x0  }
0x14: {  	s2 =	sld [smem:$0x3F93];
	s0 =	simm.s32 @p1 $0x1  }
0x15: {  	[smem:$0x3FB0] =	sst s0;
	s0 =	simm.s32 @!p2 $0x0  }
0x16: {  	s3 =	sld [smem:$0x3FDB];
	s0 =	simm.s32 @p2 $0x1  }
0x17: {  	s4 =	simm.s32 $0x1BF5;
	[smem:$0x3FB2] =	sst s0  }
0x18: {  	s0 =	sld [smem:$0x3F95];
	_ =	swait.ge [sflag:s4], $0x0  }
0x19: {  	s7 =	sld [smem:$0x3F96]  }
0x1a: {  	s8 =	sadd.s32 $0xFFFFE003, lr  }
0x1b: {  	s9 =	sadd.s32 $0xFFFFFEF7, lr;
	s5 =	simm.s32 $0xFFFFFFFF;
	p2 =	slt.u32 s8, $0xFFFFF086  }
0x1c: {  	p1 =	slt.u32 s9, $0xF7A;
	s5 =	simm.s32 @!p2 $0x0  }
0x1d: {  	s5 =	simm.s32 @p1 $0x1;
	p0 =	seq.s32 s7, s2  }
0x1e: {  	s7 =	smul.u32 @!p0 $0xF7A, s2;
	p2 =	seq.s32 @!p0 s5, $0x0  }
0x1f: {  	s9 =	smul.u32 $0xF7A, s1;
	s8 =	simm.s32 @!p0 $0x1BF5;
	p2 =	por !p2, p0  }
0x20: {  	[sflag:s8] =	ssyncset.s32 @!p0 $0xFFFFF086;
	s6 =	sadd.s32 @!p0 s3, s7;
	s7 =	simm.s32 @!p0 $0x108  }
0x21: {  	s3 =	sadd.s32 s3, s9;
	s6 =	sadd.s32 @!p0 $0x88, s6;
	s7 =	simm.s32 @p2 $0x1082  }
0x22: {  	[simem:s7], [sflag:s8] =	dma.local @!p0 [hbm:s6], $0xF7A  }
0x23: {  	s9 =	sor.u32 $0xD0000000, s2;
	s6 =	simm.s32 $0x108;
	_ =	swait.ge @!p0 [sflag:s8], $0x0  }
0x24: {  	s3 =	sadd.s32 $0x88, s3;
	s6 =	simm.s32 @!p1 $0x1082;
	[sflag:s4] =	ssyncset.s32 $0xFFFFF086  }
0x25: {  	[simem:s6], [sflag:s4] =	dma.local [hbm:s3], $0xF7A  }
0x26: {  	[smem:$0x3F96] =	sst s1;
	(tag) =	ssettag s2;
	_ =	strace s9  }
0x27: {  	s1 =	sld [smem:$0x3FA6]  }
0x28: {  	s2 =	sld [smem:$0x3FA7]  }
0x29: {  	s4 =	sld [smem:$0x3FA9]  }
0x2a: {  	p0 =	seq.s32 s5, $0x0;
	s5 =	sld [smem:$0x3FAA]  }
0x2b: {  	s6 =	sld [smem:$0x3FAB]  }
0x2c: {  	s7 =	sld [smem:$0x3FAC]  }
0x2d: {  	s3 =	simm.s32 $0x108;
	s8 =	sld [smem:$0x3FAD]  }
0x2e: {  	s3 =	simm.s32 @!p0 $0x1082;
	s9 =	sld [smem:$0x3FAE]  }
0x2f: {  	lr =	sadd.s32 s0, s3;
	s0 =	sld [smem:$0x3FA5]  }
0x30: {  	s3 =	sld [smem:$0x3FA8]  }
0x31: {  	[smem:$0x3FB1] =	sst s10  }
0x32: {  	s10 =	sld [smem:$0x3FAF];
	_ =	sdelay $0x3  }
0x33: {  	p0 =	seq.s32 s10, $0x1;
	s10 =	sld [smem:$0x3FB1];
	_ =	sdelay $0x3  }
0x34: {  	[smem:$0x3FB1] =	sst s10  }
0x35: {  	s10 =	sld [smem:$0x3FB0];
	_ =	sdelay $0x3  }
0x36: {  	p1 =	seq.s32 s10, $0x1;
	s10 =	sld [smem:$0x3FB1];
	_ =	sdelay $0x3  }
0x37: {  	[smem:$0x3FB1] =	sst s10  }
0x38: {  	s10 =	sld [smem:$0x3FB2]  }
0x39: {  	_ = 	snop;
	(pc) =	sbr.ind lr, $3  }
0x3a: {  	_ = 	snop  }
0x3b: {  	_ = 	snop  }
0x3c: {  	p2 =	seq.s32 s10, $0x1;
	s10 =	sld [smem:$0x3FB1]  }
0x3d: {  	_ =	shalt  }
0x3e: {  	_ =	shalt  }
0x3f: {  	_ =	shalt  }
0x40: {  	_ =	shalt  }
0x41: {  	_ =	shalt  }
0x42: {  	_ =	shalt  }
0x43: {  	_ =	shalt  }
0x44: {  	_ =	shalt  }
0x45: {  	_ =	shalt  }
0x46: {  	_ =	shalt  }
0x47: {  	_ =	shalt  }
0x48: {  	_ =	shalt  }
0x49: {  	_ =	shalt  }
0x4a: {  	_ =	shalt  }
0x4b: {  	_ =	shalt  }
0x4c: {  	_ =	shalt  }
0x4d: {  	_ =	shalt  }
0x4e: {  	_ =	shalt  }
0x4f: {  	_ =	shalt  }
0x50: {  	_ =	shalt  }
0x51: {  	_ =	shalt  }
0x52: {  	_ =	shalt  }
0x53: {  	_ =	shalt  }
0x54: {  	_ =	shalt  }
0x55: {  	_ =	shalt  }
0x56: {  	_ =	shalt  }
0x57: {  	_ =	shalt  }
0x58: {  	_ =	shalt  }
0x59: {  	_ =	shalt  }
0x5a: {  	_ =	shalt  }
0x5b: {  	_ =	shalt  }
0x5c: {  	_ =	shalt  }
0x5d: {  	_ =	shalt  }
0x5e: {  	_ =	shalt  }
0x5f: {  	_ =	shalt  }
0x60: {  	_ =	shalt  }
0x61: {  	_ =	shalt  }
0x62: {  	_ =	shalt  }
0x63: {  	_ =	shalt  }
0x64: {  	_ =	shalt  }
0x65: {  	_ =	shalt  }
0x66: {  	_ =	shalt  }
0x67: {  	_ =	shalt  }
0x68: {  	_ =	shalt  }
0x69: {  	_ =	shalt  }
0x6a: {  	_ =	shalt  }
0x6b: {  	_ =	shalt  }
0x6c: {  	_ =	shalt  }
0x6d: {  	_ =	shalt  }
0x6e: {  	_ =	shalt  }
0x6f: {  	_ =	shalt  }
0x70: {  	_ =	shalt  }
0x71: {  	_ =	shalt  }
0x72: {  	_ =	shalt  }
0x73: {  	_ =	shalt  }
0x74: {  	_ =	shalt  }
0x75: {  	_ =	shalt  }
0x76: {  	_ =	shalt  }
0x77: {  	_ =	shalt  }
0x78: {  	_ =	shalt  }
0x79: {  	_ =	shalt  }
0x7a: {  	_ =	shalt  }
0x7b: {  	_ =	shalt  }
0x7c: {  	_ =	shalt  }
0x7d: {  	_ =	shalt  }
0x7e: {  	_ =	shalt  }
0x7f: {  	_ =	shalt  }
0x80: {  	_ =	shalt  }
0x81: {  	_ =	shalt  }
0x82: {  	_ =	shalt  }
0x83: {  	_ =	shalt  }
0x84: {  	_ =	shalt  }
0x85: {  	_ =	shalt  }
0x86: {  	_ =	shalt  }
0x87: {  	_ =	shalt  }
.Lfunc_end0:
.L_simem_size_0:
called_computation_lowered:
.L_overlay_start_0:
0x88: {  	s2 =	sld [smem:$0x3FD9]  }
0x89: {  	s3 =	sld [smem:$0x3FFE];
	_ =	sdelay $0x1  }
0x8a: {  	s1 =	srdreg.scid  }
0x8b: {  	s0 =	sand.u32 $0x1, s1  }
0x8c: {  	s16 =	sshll.u32 s0, $0xA;
	s2 =	sadd.s32 s3, s2  }
0x8d: {  	s2 =	sadd.s32 s2, s16  }
0x8e: {  	[smem:$0x3FBD] =	sst s2  }
0x8f: {  	_ = 	snop  }
0x90: {  	(tm) =	ssettm $0x1  }
0x91: {  	s17 =	sld [smem:$0x3FFB];
	_ =	sdelay $0x3  }
0x92: {  	_ =	strace s17  }
0x93: {  	s2 =	sld [smem:$0x3FFC];
	_ =	sdelay $0x3  }
0x94: {  	_ =	strace s2  }
0x95: {  	s2 =	sld [smem:$0x3FFD];
	_ =	sdelay $0x3  }
0x96: {  	_ =	strace s2  }
0x97: {  	_ =	strace $0x8FFFFFFF  }
0x98: {  	s18 =	sld [smem:$0x3FDB];
	_ =	sdelay $0x1  }
0x99: {  	s19 =	simm.s32 $_scs_section_size  }
0x9a: {  	s4 =	simm.s32 $_size__tile_overlayer_lowered;
	s5 =	simm.s32 $_tile_overlayer_lowered  }
0x9b: {  	s22 =	simm.s32 $0x1BFF;
	s21 =	sshll.u32 s5, $0x1;
	s2 =	sadd.s32 s19, s18  }
0x9c: {  	s6 =	simm.s32 $0x0;
	s20 =	sshll.u32 s4, $0x1;
	s4 =	sadd.s32 s21, s2  }
0x9d: {  	[timem:s6], [sflag:s22] =	dma.local [hbm:s4], s20  }
0x9e: {  	_ =	swait.ge [sflag:s22], s20  }
0x9f: {  	s3 =	ssub.s32 $0x0, s20;
	[sflag:s22] =	ssyncset.done $0x0  }
0xa0: {  	[sflag:s22] =	ssyncadd.s32 s3;
	_ =	sdelay $0x1  }
0xa1: {  	s23 =	simm.s32 $0x1B8B  }
0xa2: {  	_ =	swait.ge [sflag:s23], $0x1  }
0xa3: {  	[sflag:s23] =	ssyncset.done $0x0  }
0xa4: {  	s25 =	simm.s32 $0x1B8E;
	s24 =	sld [smem:$0x3FFE];
	[sflag:s23] =	ssyncadd.s32 $0xFFFFFFFF  }
0xa5: {  	s26 =	simm.s32 $execute0_lowered;
	[smem:$0x3FD2] =	sst s25  }
0xa6: {  	s4 =	sshll.u32 s26, $0x1;
	_ =	strace $0x80000046;
	[dreg:$0x1] =	wrdreg $0xFFFFFFFF  }
0xa7: {  	s28 =	simm.s32 $_size_execute0_lowered;
	s2 =	sadd.s32 s2, s4;
	[dreg:$0x0] =	wrdreg $0x0  }
0xa8: {  	s4 =	sshll.u32 s28, $0x1;
	[dreg:$0x2] =	wrdreg s2  }
0xa9: {  	[dreg:$0x3] =	wrdreg s4  }
0xaa: {  	[dreg:$0x4] =	wrdreg $0xC0  }
0xab: {  	_ =	task [dreg:s6], $0x5FFFF  }
0xac: {  	[dreg:$0x1] =	wrdreg $0xFFFFFFFF  }
0xad: {  	[dreg:$0x0] =	wrdreg $0x60  }
0xae: {  	[dreg:$0x2] =	wrdreg s24  }
0xaf: {  	[dreg:$0x3] =	wrdreg $0x9  }
0xb0: {  	_ =	task.clear_ibuf [dreg:s6], $0x4FFFF;
	_ =	strace $0x90000046  }
0xb1: {  	s29 =	simm.s32 $0x9;
	_ =	strace $0x80000048  }
0xb2: {  	_ =	swait.ge [sflag:s29], $0x1  }
0xb3: {  	[sflag:s29] =	ssyncadd.s32 $0xFFFFFFFF  }
0xb4: {  	_ =	strace $0x90000048  }
0xb5: {  	_ =	sfence  }
0xb6: {  	s30 =	sld [smem:$0x0];
	_ =	sdelay $0x2  }
0xb7: {  	s31 =	sshll.u32 s1, $0xD;
	s1 =	sshrl.u32 s1, $0x2  }
0xb8: {  	s3 =	sand.u32 $0x4000, s31;
	s1 =	sadd.s32 s1, s30  }
0xb9: {  	s0 =	sor.u32 s3, s0;
	s1 =	sshll.u32 s1, $0x11  }
0xba: {  	s0 =	sor.u32 s1, s0  }
0xbb: {  	s0 =	sadd.s32 $0x8F2B, s0  }
0xbc: {  	[sflag:s0] =	ssyncadd.remote.s32 $0x1  }
0xbd: {  	_ =	sfence.sel $0xFFFF  }
0xbe: {  	[dreg:$0x0] =	wrdreg $0xFFFFFFFF;
	(pc) =	sbr.abs _section_cstart, $3  }
0xbf: {  	[dreg:$0x1] =	wrdreg $0xFFFFFFFF  }
0xc0: {  	_ =	task.clear_ibuf [dreg:s6], $0x2FFFF;
	_ =	strace $0x9FFFFFFF  }
0xc1: {  	(tm) =	ssettm $0x7FFFFFFF  }
tec
execute0_lowered:
.L_overlay_start_1:
0x0: {  	(tag) =	ssettag $0x1  }
0x1: {  	s1 =	srdreg.scid;
	s0 =	stileid.u32  }
0x2: {  	s3 =	sand.u32 $0x1, s1;
	s31 =	sshll.u32 s0, $0x1  }
0x3: {  	s4 =	rddreg [dreg:$0x0];
	s2 =	simm.s32 $0x0;
	s5 =	sor.u32 s3, s31  }
0x4: {  	s11 =	simm.s32 $0x3D00;
	s12 =	simm.s32 $0x0;
	s6 =	smul.u32 $0x272, s5  }
0x5: {  	s1 =	rddreg [dreg:$0x1];
	s3 =	ssub.s32 $0x2, s3;
	s7 =	smul.u32 $0x28, s5  }
0x6: {  	[smem:$0x7FF] =	sst s2;
	s8 =	smul.u32 $0x4F0, s5;
	s9 =	sshrl.u32 s3, $0x1  }
0x7: {  	_ =	strace $0x80000047;
	s5 =	smul.u32 $0xA, s5;
	s9 =	ssub.s32 s3, s9  }
0x8: {  	s6 =	sadd.s32 s6, s4;
	s7 =	sadd.s32 s7, s4;
	s8 =	sadd.s32 s8, s4  }
0x9: {  	s10 =	sadd.s32 s5, s4;
	s3 =	sadd.s32 $0x3800, s6;
	s4 =	sadd.s32 $0x8800, s7  }
0xa: {  	s5 =	sadd.s32 $0x8E00, s8;
	s6 =	sadd.s32 $0x12C00, s10;
	s7 =	smax.u32 s9, $0x1  }
0xb: {  	v0 =	vimm.f32 $0.0e+00;
	v1 =	vimm.f32 $1.000000000e+00;
	s8 =	simm.s32 $0x1;
	s9 =	simm.s32 $0x1400;
	s10 =	simm.s32 $0x1580  }
.LBB2_1:
0xc: {  	[tilespmem:s2], [sflag:$0x1] =	stream.linear.gather [hbm4b:s3+s2], $0x1390, $0x38;
	[tilespmem:$0x3D80] =	vst v63  }
0xd: {  	_ =	swait.ge [sflag:s8], $0x1390  }
0xe: {  	[sflag:s8] =	ssyncset.done $0x0  }
0xf: {  	[sflag:s8] =	ssyncadd.s32 $0xFFFFEC70  }
0x10: {  	[tilespmem:s9], [sflag:$0x1] =	stream.linear.gather [hbm4b:s4+s2], $0x140, $0x38;
	[tilespmem:$0x3D80] =	vst v63  }
0x11: {  	_ =	swait.ge [sflag:s8], $0x140  }
0x12: {  	[sflag:s8] =	ssyncset.done $0x0  }
0x13: {  	s13 =	simm.s32 $0x40;
	s14 =	simm.s32 $0x0;
	[sflag:s8] =	ssyncadd.s32 $0xFFFFFEC0  }
.LBB2_2:
0x14: {  	p0 =	sne.s32 s13, $0x9DC0;
	[tilespmem:s14+$0x1580] =	vst v0;
	s14 =	smov.u32 s13;
	s13 =	sadd.s32 $0x40, s13  }
.Ltmp0:
0x15: {  	(pc) =	sbr.rel @p0 .LBB2_2-.Ltmp0, $2  }
0x16: {  	_ =	sdelay $0x2  }
0x17: {  	s14 =	sshra.s32 s14, $0x2  }
0x18: {  	[tilespmem:s14+$0x1580] =	vst v0  }
0x19: {  	[tilespmem:$0x3D00] =	vst v0  }
0x1a: {  	[tilespmem:$0x3D10] =	vst v0  }
0x1b: {  	[tilespmem:$0x3D20] =	vst v0  }
0x1c: {  	[tilespmem:$0x3D30] =	vst v0  }
0x1d: {  	s14 =	simm.s32 $0x0;
	s13 =	simm.s32 $0x40;
	[tilespmem:$0x3D40] =	vst v0  }
.LBB2_4:
0x1e: {  	p0 =	sne.s32 s13, $0x4E00;
	v2 =	vld [tilespmem:s14+$0x0];
	_ =	sdelay $0x4  }
0x1f: {  	vm0 =	vgt.s32 v2, $0xFFFFFFFF  }
0x20: {  	v2 =	vnsel vm0, $0x2710, v2  }
.Ltmp1:
0x21: {  	(pc) =	sbr.rel @p0 .LBB2_4-.Ltmp1, $2  }
0x22: {  	_ =	sdelay $0x2  }
0x23: {  	s14 =	sshra.s32 s13, $0x2;
	s13 =	sadd.s32 $0x40, s13;
	[tilespmem:v2+s10+$0x0] =	vst.idx.add.f32.msk $0xffff, v1  }
0x24: {  	v2 =	vld [tilespmem:s14+$0x0];
	_ =	sdelay $0x4  }
0x25: {  	vm0 =	vgt.s32 v2, $0xFFFFFFFF  }
0x26: {  	v2 =	vnsel vm0, $0x2710, v2;
	_ =	sdelay $0x4  }
0x27: {  	[tilespmem:v2+s10+$0x0] =	vst.idx.add.f32.msk $0xffff, v1  }
0x28: {  	v2 =	vld [tilespmem:$0x1400];
	_ =	sdelay $0x7  }
0x29: {  	[tilespmem:v2+s11+$0x0] =	vst.idx.add.f32.msk $0xffff, v1  }
0x2a: {  	v2 =	vld [tilespmem:$0x1410];
	_ =	sdelay $0x7  }
0x2b: {  	[tilespmem:v2+s11+$0x0] =	vst.idx.add.f32.msk $0xffff, v1  }
0x2c: {  	v2 =	vld [tilespmem:$0x1420];
	_ =	sdelay $0x7  }
0x2d: {  	[tilespmem:v2+s11+$0x0] =	vst.idx.add.f32.msk $0xffff, v1  }
0x2e: {  	v2 =	vld [tilespmem:$0x1430];
	_ =	sdelay $0x7  }
0x2f: {  	[tilespmem:v2+s11+$0x0] =	vst.idx.add.f32.msk $0xffff, v1  }
0x30: {  	v2 =	vld [tilespmem:$0x1440];
	_ =	sdelay $0x7  }
0x31: {  	[tilespmem:v2+s11+$0x0] =	vst.idx.add.f32.msk $0xffff, v1  }
0x32: {  	v2 =	vld [tilespmem:$0x1450];
	_ =	sdelay $0x7  }
0x33: {  	[tilespmem:v2+s11+$0x0] =	vst.idx.add.f32.msk $0xffff, v1  }
0x34: {  	v2 =	vld [tilespmem:$0x1460];
	_ =	sdelay $0x7  }
0x35: {  	[tilespmem:v2+s11+$0x0] =	vst.idx.add.f32.msk $0xffff, v1  }
0x36: {  	v2 =	vld [tilespmem:$0x1470];
	_ =	sdelay $0x7  }
0x37: {  	[tilespmem:v2+s11+$0x0] =	vst.idx.add.f32.msk $0xffff, v1  }
0x38: {  	v2 =	vld [tilespmem:$0x1480];
	_ =	sdelay $0x7  }
0x39: {  	[tilespmem:v2+s11+$0x0] =	vst.idx.add.f32.msk $0xffff, v1  }
0x3a: {  	v2 =	vld [tilespmem:$0x1490];
	_ =	sdelay $0x7  }
0x3b: {  	[tilespmem:v2+s11+$0x0] =	vst.idx.add.f32.msk $0xffff, v1  }
0x3c: {  	v2 =	vld [tilespmem:$0x14A0];
	_ =	sdelay $0x7  }
0x3d: {  	[tilespmem:v2+s11+$0x0] =	vst.idx.add.f32.msk $0xffff, v1  }
0x3e: {  	v2 =	vld [tilespmem:$0x14B0];
	_ =	sdelay $0x7  }
0x3f: {  	[tilespmem:v2+s11+$0x0] =	vst.idx.add.f32.msk $0xffff, v1  }
0x40: {  	v2 =	vld [tilespmem:$0x14C0];
	_ =	sdelay $0x7  }
0x41: {  	[tilespmem:v2+s11+$0x0] =	vst.idx.add.f32.msk $0xffff, v1  }
0x42: {  	v2 =	vld [tilespmem:$0x14D0];
	_ =	sdelay $0x7  }
0x43: {  	[tilespmem:v2+s11+$0x0] =	vst.idx.add.f32.msk $0xffff, v1  }
0x44: {  	v2 =	vld [tilespmem:$0x14E0];
	_ =	sdelay $0x7  }
0x45: {  	[tilespmem:v2+s11+$0x0] =	vst.idx.add.f32.msk $0xffff, v1  }
0x46: {  	v2 =	vld [tilespmem:$0x14F0];
	_ =	sdelay $0x7  }
0x47: {  	[tilespmem:v2+s11+$0x0] =	vst.idx.add.f32.msk $0xffff, v1  }
0x48: {  	v2 =	vld [tilespmem:$0x1500];
	_ =	sdelay $0x7  }
0x49: {  	[tilespmem:v2+s11+$0x0] =	vst.idx.add.f32.msk $0xffff, v1  }
0x4a: {  	v2 =	vld [tilespmem:$0x1510];
	_ =	sdelay $0x7  }
0x4b: {  	[tilespmem:v2+s11+$0x0] =	vst.idx.add.f32.msk $0xffff, v1  }
0x4c: {  	v2 =	vld [tilespmem:$0x1520];
	_ =	sdelay $0x7  }
0x4d: {  	[tilespmem:v2+s11+$0x0] =	vst.idx.add.f32.msk $0xffff, v1  }
0x4e: {  	v2 =	vld [tilespmem:$0x1530];
	_ =	sdelay $0x7  }
0x4f: {  	[tilespmem:v2+s11+$0x0] =	vst.idx.add.f32.msk $0xffff, v1  }
0x50: {  	[hbm4b:s5+s2] =	stream.linear.scatter [tilespmem:s10], [sflag:$0x1], $0x2780, $0x38;
	[tilespmem:$0x3D80] =	vst v63  }
0x51: {  	s12 =	sadd.s32 $0x1, s12;
	_ =	swait.ge [sflag:s8], $0x2780  }
0x52: {  	p0 =	sne.s32 s12, s7;
	[sflag:s8] =	ssyncset.done $0x0  }
.Ltmp2:
0x53: {  	[sflag:s8] =	ssyncadd.s32 $0xFFFFD880;
	(pc) =	sbr.rel @p0 .LBB2_1-.Ltmp2, $4  }
0x54: {  	[hbm4b:s6+s2] =	stream.linear.scatter [tilespmem:s11], [sflag:$0x1], $0x50, $0x38;
	[tilespmem:$0x3D80] =	vst v63  }
0x55: {  	_ =	swait.ge [sflag:s8], $0x50  }
0x56: {  	[sflag:s8] =	ssyncset.done $0x0  }
0x57: {  	[sflag:s8] =	ssyncadd.s32 $0xFFFFFFB0  }
0x58: {  	_ =	sfence.sel $0x180000  }
0x59: {  	[bflag:$0x0] =	sbarrier.arrive $0xFFFF  }
0x5a: {  	p0 =	sne.s32 s0, $0x0;
	_ =	strace $0x90000047  }
0x5b: {  	s0 =	sadd.s32 @!p0 $0x100000, s1;
	[bflag:$0x2] =	sbarrier.arrive $0xFFFF  }
0x5c: {  	[sflag:s0] =	ssyncadd.tile.s32 @!p0 $0x1;
	_ =	shalt  }
.Lfunc_end2:
_tile_overlayer_lowered:
.L_overlay_start_2:
0x5d: {  	(tag) =	ssettag $0x2  }
0x5e: {  	s0 =	rddreg [dreg:$0x0];
	s2 =	stileid.u32  }
0x5f: {  	s1 =	rddreg [dreg:$0x1];
	p0 =	sne.s32 s2, $0x0  }
0x60: {  	s3 =	rddreg [dreg:$0x2];
	[bflag:$0x3] =	sbarrier.arrive $0xFFFF;
	s2 =	simm.s32 @!p0 $0x1C01  }
0x61: {  	[timem:s3], [sflag:s2] =	dma.local @!p0 [hbm:s0], s1  }
0x62: {  	s0 =	simm.s32 @!p0 $0x1  }
0x63: {  	_ =	swait.ge @!p0 [sflag:s0], s1  }
0x64: {  	s1 =	ssub.s32 @!p0 $0x0, s1;
	[sflag:s0] =	ssyncset.done @!p0 $0x0  }
0x65: {  	[sflag:s0] =	ssyncadd.s32 @!p0 s1  }
0x66: {  	[bflag:$0x3] =	sbarrier.arrive $0xFFFF  }
0x67: {  	_ =	shalt  }

</sc_bundles>
